<compile_context>
chip_gen: v7x
topology: tpu7x:2x2x1
jax: 0.10.2.dev20260603
libtpu: 0.0.44.dev20260713+nightly
codegen_flags: <defaults>
</compile_context>

<pallas_src>
import functools

import jax
import jax.numpy as jnp
from jax import lax
from jax.experimental import pallas as pl
from jax.experimental.pallas import tpu as pltpu
from jax.experimental.pallas import tpu_sc as plsc

F = 26
V = 100000
D = 32
B = 16384

NC, NS, L = 2, 16, 16
NW = NC * NS
BCH = 4096
NBCH = B // BCH
UNROLL = 32


def _sc_col_gather(ttab, idx_t):
    mesh = plsc.VectorSubcoreMesh(core_axis_name="c", subcore_axis_name="s")

    @functools.partial(
        pl.kernel,
        mesh=mesh,
        out_type=jax.ShapeDtypeStruct((F * D, B), jnp.float32),
        compiler_params=pltpu.CompilerParams(needs_layout_passes=False),
        scratch_types=[
            pltpu.VMEM((V,), jnp.float32),
            pltpu.VMEM((BCH,), jnp.int32),
            pltpu.VMEM((BCH,), jnp.int32),
            pltpu.VMEM((BCH,), jnp.float32),
            pltpu.VMEM((BCH,), jnp.float32),
            pltpu.SemaphoreType.DMA,
            pltpu.SemaphoreType.DMA,
            pltpu.SemaphoreType.DMA,
            pltpu.SemaphoreType.DMA,
        ],
    )
    def k(ttab_hbm, idx_hbm, out_hbm, vrow,
          idxb0, idxb1, outb0, outb1, si0, si1, so0, so1):
        d = lax.axis_index("s") * NC + lax.axis_index("c")
        idxb = (idxb0, idxb1)
        outb = (outb0, outb1)
        si = (si0, si1)
        so = (so0, so1)

        def gather_chunk(src, dst):
            def gather_step(i, _):
                for u in range(UNROLL):
                    o = i * L * UNROLL + u * L
                    iv = src[pl.ds(o, L)]
                    dst[pl.ds(o, L)] = plsc.load_gather(vrow, [iv])
                return 0

            lax.fori_loop(0, BCH // (L * UNROLL), gather_step, 0)

        def per_field(f, _):
            row = f * D + d
            cp_i = [pltpu.async_copy(
                idx_hbm.at[f, pl.ds(0, BCH)], idxb[0], si[0]),
                pltpu.async_copy(
                idx_hbm.at[f, pl.ds(BCH, BCH)], idxb[1], si[1])]
            pltpu.sync_copy(ttab_hbm.at[f, d], vrow)
            cp_o = []
            for h in range(NBCH):
                cp_i[h].wait()
                if h >= 2:
                    cp_o[h - 2].wait()
                gather_chunk(idxb[h % 2], outb[h % 2])
                if h + 2 < NBCH:
                    cp_i.append(pltpu.async_copy(
                        idx_hbm.at[f, pl.ds((h + 2) * BCH, BCH)],
                        idxb[h % 2], si[h % 2]))
                cp_o.append(pltpu.async_copy(
                    outb[h % 2], out_hbm.at[row, pl.ds(h * BCH, BCH)],
                    so[h % 2]))
            cp_o[NBCH - 2].wait()
            cp_o[NBCH - 1].wait()
            return 0

        lax.fori_loop(0, F, per_field, 0)

    return k(ttab, idx_t)


def kernel(indices, tables):
    ttab = jnp.swapaxes(tables, 1, 2)
    idx_t = jnp.swapaxes(indices.astype(jnp.int32), 0, 1)
    out_t = _sc_col_gather(ttab, idx_t)
    return jnp.swapaxes(out_t, 0, 1)

# --- scband reference (transcript-rebuilt; emitter-appended) ---
"""Pipeline reference for scband-tfcat-embedding-encoder-3212635538243 (READ-ONLY COPY).

The authoritative reference and input builder live on the scoring server;
editing this copy changes nothing except your own understanding.
"""

import jax, jax.numpy as jnp
import numpy as np

NUM_FIELDS = 26
VOCAB = 100000
EMBED_DIM = 32
BATCH = 16384


def setup_inputs(seed: int = 0) -> dict:
    key = jax.random.key(seed)
    k_idx, k_tab = jax.random.split(key)
    indices = jax.random.randint(k_idx, (BATCH, NUM_FIELDS), 0, VOCAB, dtype=jnp.int64 if jax.config.jax_enable_x64 else jnp.int32)
    tables = jax.random.normal(k_tab, (NUM_FIELDS, VOCAB, EMBED_DIM), dtype=jnp.float32)
    return {"indices": indices, "tables": tables}


def reference(indices, tables):
    # TFCatEmbeddingEncoder.call: per-column embedding lookup, then concat along feature axis.
    # tables[f] is the embedding table for field f; indices[:, f] are that field's ids.
    B, F = indices.shape
    field_ids = jnp.arange(F)[None, :]              # [1, F]
    gathered = tables[field_ids, indices]           # [B, F, EMBED_DIM] (gather per field)
    all_features = gathered.reshape(B, F * tables.shape[-1])  # concat of per-field embeddings
    return all_features

if __name__ == "__main__":
    import jax
    _d = setup_inputs()
    print(jax.jit(kernel)(*tuple(_d.values())))

</pallas_src>

<mosaic_0001>
#map = affine_map<(d0, d1) -> (0, 0, 0)>
#map1 = affine_map<(d0, d1) -> (0, 0)>
module attributes {stable_mosaic.version = 14 : i64} {
  func.func @k(%arg0: i32, %arg1: i32, %arg2: memref<26x32x100000xf32, #tpu.memory_space<hbm>>, %arg3: memref<26x16384xi32, #tpu.memory_space<hbm>>, %arg4: memref<832x16384xf32, #tpu.memory_space<hbm>>, %arg5: memref<100000xf32, #tpu.memory_space<vmem>>, %arg6: memref<4096xi32, #tpu.memory_space<vmem>>, %arg7: memref<4096xi32, #tpu.memory_space<vmem>>, %arg8: memref<4096xf32, #tpu.memory_space<vmem>>, %arg9: memref<4096xf32, #tpu.memory_space<vmem>>, %arg10: memref<!tpu.dma_semaphore, #tpu.memory_space<semaphore_mem>>, %arg11: memref<!tpu.dma_semaphore, #tpu.memory_space<semaphore_mem>>, %arg12: memref<!tpu.dma_semaphore, #tpu.memory_space<semaphore_mem>>, %arg13: memref<!tpu.dma_semaphore, #tpu.memory_space<semaphore_mem>>) attributes {dimension_semantics = [#tpu.dimension_semantics<core_parallel>, #tpu.dimension_semantics<subcore_parallel>], iteration_bounds = array<i64: 2, 16>, scalar_prefetch = 0 : i64, scratch_operands = 9 : i64, tpu.core_type = #tpu.core_type<sc_vector_subcore>, window_params = [{transform_indices = #map}, {transform_indices = #map1}, {transform_indices = #map1}]} {
    %mul3A = arith.constant 2 : i32
    %mul3A_0 = arith.muli %arg1, %mul3A : i32
    %add3A = arith.addi %mul3A_0, %arg0 : i32
    %scan3A = arith.constant 0 : i32
    %scan3A_1 = arith.constant 0 : i32
    %scan3A_2 = arith.constant 26 : i32
    %scan3A_3 = arith.addi %scan3A_1, %scan3A_2 : i32
    %scan3A_4 = arith.constant 1 : i32
    %scan3A_5 = scf.for %scan3A_7 = %scan3A_1 to %scan3A_3 step %scan3A_4 iter_args(%scan3A_8 = %scan3A) -> (i32)  : i32 {
      %mul3A_9 = arith.constant 32 : i32
      %mul3A_10 = arith.muli %scan3A_7, %mul3A_9 : i32
      %add3A_11 = arith.addi %mul3A_10, %add3A : i32
      %dma_start3A = arith.constant 0 : i32
      %dma_start3A_12 = tpu.memref_slice %arg3[%scan3A_7, %dma_start3A] : memref<26x16384xi32, #tpu.memory_space<hbm>> -> memref<1x4096xi32, #tpu.memory_space<hbm>>
      %dma_start3A_13 = tpu.memref_squeeze %dma_start3A_12 : memref<1x4096xi32, #tpu.memory_space<hbm>> -> memref<4096xi32, #tpu.memory_space<hbm>>
      %dma_start3A_14 = arith.constant 0 : i32
      %dma_start3A_15 = tpu.memref_slice %arg3[%scan3A_7, %dma_start3A_14] : memref<26x16384xi32, #tpu.memory_space<hbm>> -> memref<1x4096xi32, #tpu.memory_space<hbm>>
      %dma_start3A_16 = tpu.memref_squeeze %dma_start3A_15 : memref<1x4096xi32, #tpu.memory_space<hbm>> -> memref<4096xi32, #tpu.memory_space<hbm>>
      tpu.enqueue_dma source(%dma_start3A_16 : memref<4096xi32, #tpu.memory_space<hbm>>) target(%arg6 : memref<4096xi32, #tpu.memory_space<vmem>>) target_semaphore(%arg10 : memref<!tpu.dma_semaphore, #tpu.memory_space<semaphore_mem>>)
      %dma_start3A_17 = arith.constant 4096 : i32
      %dma_start3A_18 = tpu.memref_slice %arg3[%scan3A_7, %dma_start3A_17] : memref<26x16384xi32, #tpu.memory_space<hbm>> -> memref<1x4096xi32, #tpu.memory_space<hbm>>
      %dma_start3A_19 = tpu.memref_squeeze %dma_start3A_18 : memref<1x4096xi32, #tpu.memory_space<hbm>> -> memref<4096xi32, #tpu.memory_space<hbm>>
      %dma_start3A_20 = arith.constant 4096 : i32
      %dma_start3A_21 = tpu.memref_slice %arg3[%scan3A_7, %dma_start3A_20] : memref<26x16384xi32, #tpu.memory_space<hbm>> -> memref<1x4096xi32, #tpu.memory_space<hbm>>
      %dma_start3A_22 = tpu.memref_squeeze %dma_start3A_21 : memref<1x4096xi32, #tpu.memory_space<hbm>> -> memref<4096xi32, #tpu.memory_space<hbm>>
      tpu.enqueue_dma source(%dma_start3A_22 : memref<4096xi32, #tpu.memory_space<hbm>>) target(%arg7 : memref<4096xi32, #tpu.memory_space<vmem>>) target_semaphore(%arg11 : memref<!tpu.dma_semaphore, #tpu.memory_space<semaphore_mem>>)
      "tpu.region"() ({
        %run_scoped3A = tpu.sem_alloc : memref<!tpu.dma_semaphore, #tpu.memory_space<semaphore_mem>>
        %dma_start3A_135 = arith.constant 0 : i32
        %dma_start3A_136 = tpu.memref_slice %arg2[%scan3A_7, %add3A, %dma_start3A_135] : memref<26x32x100000xf32, #tpu.memory_space<hbm>> -> memref<1x1x100000xf32, #tpu.memory_space<hbm>>
        %dma_start3A_137 = tpu.memref_squeeze %dma_start3A_136 : memref<1x1x100000xf32, #tpu.memory_space<hbm>> -> memref<100000xf32, #tpu.memory_space<hbm>>
        %dma_start3A_138 = arith.constant 0 : i32
        %dma_start3A_139 = tpu.memref_slice %arg2[%scan3A_7, %add3A, %dma_start3A_138] : memref<26x32x100000xf32, #tpu.memory_space<hbm>> -> memref<1x1x100000xf32, #tpu.memory_space<hbm>>
        %dma_start3A_140 = tpu.memref_squeeze %dma_start3A_139 : memref<1x1x100000xf32, #tpu.memory_space<hbm>> -> memref<100000xf32, #tpu.memory_space<hbm>>
        tpu.enqueue_dma source(%dma_start3A_140 : memref<100000xf32, #tpu.memory_space<hbm>>) target(%arg5 : memref<100000xf32, #tpu.memory_space<vmem>>) target_semaphore(%run_scoped3A : memref<!tpu.dma_semaphore, #tpu.memory_space<semaphore_mem>>)
        %dma_wait3A_141 = arith.constant 0 : i32
        %dma_wait3A_142 = tpu.memref_slice %arg2[%scan3A_7, %add3A, %dma_wait3A_141] : memref<26x32x100000xf32, #tpu.memory_space<hbm>> -> memref<1x1x100000xf32, #tpu.memory_space<hbm>>
        %dma_wait3A_143 = tpu.memref_squeeze %dma_wait3A_142 : memref<1x1x100000xf32, #tpu.memory_space<hbm>> -> memref<100000xf32, #tpu.memory_space<hbm>>
        %dma_wait3A_144 = arith.constant 0 : i32
        %dma_wait3A_145 = tpu.memref_slice %arg2[%scan3A_7, %add3A, %dma_wait3A_144] : memref<26x32x100000xf32, #tpu.memory_space<hbm>> -> memref<1x1x100000xf32, #tpu.memory_space<hbm>>
        %dma_wait3A_146 = tpu.memref_squeeze %dma_wait3A_145 : memref<1x1x100000xf32, #tpu.memory_space<hbm>> -> memref<100000xf32, #tpu.memory_space<hbm>>
        tpu.wait_dma2 semaphore(%run_scoped3A : memref<!tpu.dma_semaphore, #tpu.memory_space<semaphore_mem>>) src(%dma_wait3A_146 : memref<100000xf32, #tpu.memory_space<hbm>>) dst(%arg5 : memref<100000xf32, #tpu.memory_space<vmem>>)
        tpu.yield
      }) : () -> ()
      %dma_wait3A = arith.constant 0 : i32
      %dma_wait3A_23 = tpu.memref_slice %arg3[%scan3A_7, %dma_wait3A] : memref<26x16384xi32, #tpu.memory_space<hbm>> -> memref<1x4096xi32, #tpu.memory_space<hbm>>
      %dma_wait3A_24 = tpu.memref_squeeze %dma_wait3A_23 : memref<1x4096xi32, #tpu.memory_space<hbm>> -> memref<4096xi32, #tpu.memory_space<hbm>>
      %dma_wait3A_25 = arith.constant 0 : i32
      %dma_wait3A_26 = tpu.memref_slice %arg3[%scan3A_7, %dma_wait3A_25] : memref<26x16384xi32, #tpu.memory_space<hbm>> -> memref<1x4096xi32, #tpu.memory_space<hbm>>
      %dma_wait3A_27 = tpu.memref_squeeze %dma_wait3A_26 : memref<1x4096xi32, #tpu.memory_space<hbm>> -> memref<4096xi32, #tpu.memory_space<hbm>>
      tpu.wait_dma2 semaphore(%arg10 : memref<!tpu.dma_semaphore, #tpu.memory_space<semaphore_mem>>) src(%dma_wait3A_27 : memref<4096xi32, #tpu.memory_space<hbm>>) dst(%arg6 : memref<4096xi32, #tpu.memory_space<vmem>>)
      %scan3A_28 = arith.constant 0 : i32
      %scan3A_29 = arith.constant 0 : i32
      %scan3A_30 = arith.constant 8 : i32
      %scan3A_31 = arith.addi %scan3A_29, %scan3A_30 : i32
      %scan3A_32 = arith.constant 1 : i32
      %scan3A_33 = scf.for %scan3A_135 = %scan3A_29 to %scan3A_31 step %scan3A_32 iter_args(%scan3A_136 = %scan3A_28) -> (i32)  : i32 {
        %mul3A_137 = arith.constant 16 : i32
        %mul3A_138 = arith.muli %scan3A_135, %mul3A_137 : i32
        %mul3A_139 = arith.constant 32 : i32
        %mul3A_140 = arith.muli %mul3A_138, %mul3A_139 : i32
        %add3A_141 = arith.constant 0 : i32
        %add3A_142 = arith.addi %mul3A_140, %add3A_141 : i32
        %get3A = arith.index_cast %add3A_142 : i32 to index
        %get3A_143 = tpu.vector_load %arg6[%get3A] {strides = array<i32>} : memref<4096xi32, #tpu.memory_space<vmem>>, vector<16xi32>,
        %gather3A = tpu.vector_load_idx %arg5[%get3A_143] : memref<100000xf32, #tpu.memory_space<vmem>>[vector<16xi32>], vector<16xf32>,
        %swap3A = arith.index_cast %add3A_142 : i32 to index
        %swap3A_144 = tpu.vector_load %arg8[%swap3A] {strides = array<i32>} : memref<4096xf32, #tpu.memory_space<vmem>>, vector<16xf32>,
        tpu.vector_store %arg8[%swap3A], %gather3A {strides = array<i32>} : memref<4096xf32, #tpu.memory_space<vmem>>, vector<16xf32>,
        %mul3A_145 = arith.constant 16 : i32
        %mul3A_146 = arith.muli %scan3A_135, %mul3A_145 : i32
        %mul3A_147 = arith.constant 32 : i32
        %mul3A_148 = arith.muli %mul3A_146, %mul3A_147 : i32
        %add3A_149 = arith.constant 16 : i32
        %add3A_150 = arith.addi %mul3A_148, %add3A_149 : i32
        %get3A_151 = arith.index_cast %add3A_150 : i32 to index
        %get3A_152 = tpu.vector_load %arg6[%get3A_151] {strides = array<i32>} : memref<4096xi32, #tpu.memory_space<vmem>>, vector<16xi32>,
        %gather3A_153 = tpu.vector_load_idx %arg5[%get3A_152] : memref<100000xf32, #tpu.memory_space<vmem>>[vector<16xi32>], vector<16xf32>,
        %swap3A_154 = arith.index_cast %add3A_150 : i32 to index
        %swap3A_155 = tpu.vector_load %arg8[%swap3A_154] {strides = array<i32>} : memref<4096xf32, #tpu.memory_space<vmem>>, vector<16xf32>,
        tpu.vector_store %arg8[%swap3A_154], %gather3A_153 {strides = array<i32>} : memref<4096xf32, #tpu.memory_space<vmem>>, vector<16xf32>,
        %mul3A_156 = arith.constant 16 : i32
        %mul3A_157 = arith.muli %scan3A_135, %mul3A_156 : i32
        %mul3A_158 = arith.constant 32 : i32
        %mul3A_159 = arith.muli %mul3A_157, %mul3A_158 : i32
        %add3A_160 = arith.constant 32 : i32
        %add3A_161 = arith.addi %mul3A_159, %add3A_160 : i32
        %get3A_162 = arith.index_cast %add3A_161 : i32 to index
        %get3A_163 = tpu.vector_load %arg6[%get3A_162] {strides = array<i32>} : memref<4096xi32, #tpu.memory_space<vmem>>, vector<16xi32>,
        %gather3A_164 = tpu.vector_load_idx %arg5[%get3A_163] : memref<100000xf32, #tpu.memory_space<vmem>>[vector<16xi32>], vector<16xf32>,
        %swap3A_165 = arith.index_cast %add3A_161 : i32 to index
        %swap3A_166 = tpu.vector_load %arg8[%swap3A_165] {strides = array<i32>} : memref<4096xf32, #tpu.memory_space<vmem>>, vector<16xf32>,
        tpu.vector_store %arg8[%swap3A_165], %gather3A_164 {strides = array<i32>} : memref<4096xf32, #tpu.memory_space<vmem>>, vector<16xf32>,
        %mul3A_167 = arith.constant 16 : i32
        %mul3A_168 = arith.muli %scan3A_135, %mul3A_167 : i32
        %mul3A_169 = arith.constant 32 : i32
        %mul3A_170 = arith.muli %mul3A_168, %mul3A_169 : i32
        %add3A_171 = arith.constant 48 : i32
        %add3A_172 = arith.addi %mul3A_170, %add3A_171 : i32
        %get3A_173 = arith.index_cast %add3A_172 : i32 to index
        %get3A_174 = tpu.vector_load %arg6[%get3A_173] {strides = array<i32>} : memref<4096xi32, #tpu.memory_space<vmem>>, vector<16xi32>,
        %gather3A_175 = tpu.vector_load_idx %arg5[%get3A_174] : memref<100000xf32, #tpu.memory_space<vmem>>[vector<16xi32>], vector<16xf32>,
        %swap3A_176 = arith.index_cast %add3A_172 : i32 to index
        %swap3A_177 = tpu.vector_load %arg8[%swap3A_176] {strides = array<i32>} : memref<4096xf32, #tpu.memory_space<vmem>>, vector<16xf32>,
        tpu.vector_store %arg8[%swap3A_176], %gather3A_175 {strides = array<i32>} : memref<4096xf32, #tpu.memory_space<vmem>>, vector<16xf32>,
        %mul3A_178 = arith.constant 16 : i32
        %mul3A_179 = arith.muli %scan3A_135, %mul3A_178 : i32
        %mul3A_180 = arith.constant 32 : i32
        %mul3A_181 = arith.muli %mul3A_179, %mul3A_180 : i32
        %add3A_182 = arith.constant 64 : i32
        %add3A_183 = arith.addi %mul3A_181, %add3A_182 : i32
        %get3A_184 = arith.index_cast %add3A_183 : i32 to index
        %get3A_185 = tpu.vector_load %arg6[%get3A_184] {strides = array<i32>} : memref<4096xi32, #tpu.memory_space<vmem>>, vector<16xi32>,
        %gather3A_186 = tpu.vector_load_idx %arg5[%get3A_185] : memref<100000xf32, #tpu.memory_space<vmem>>[vector<16xi32>], vector<16xf32>,
        %swap3A_187 = arith.index_cast %add3A_183 : i32 to index
        %swap3A_188 = tpu.vector_load %arg8[%swap3A_187] {strides = array<i32>} : memref<4096xf32, #tpu.memory_space<vmem>>, vector<16xf32>,
        tpu.vector_store %arg8[%swap3A_187], %gather3A_186 {strides = array<i32>} : memref<4096xf32, #tpu.memory_space<vmem>>, vector<16xf32>,
        %mul3A_189 = arith.constant 16 : i32
        %mul3A_190 = arith.muli %scan3A_135, %mul3A_189 : i32
        %mul3A_191 = arith.constant 32 : i32
        %mul3A_192 = arith.muli %mul3A_190, %mul3A_191 : i32
        %add3A_193 = arith.constant 80 : i32
        %add3A_194 = arith.addi %mul3A_192, %add3A_193 : i32
        %get3A_195 = arith.index_cast %add3A_194 : i32 to index
        %get3A_196 = tpu.vector_load %arg6[%get3A_195] {strides = array<i32>} : memref<4096xi32, #tpu.memory_space<vmem>>, vector<16xi32>,
        %gather3A_197 = tpu.vector_load_idx %arg5[%get3A_196] : memref<100000xf32, #tpu.memory_space<vmem>>[vector<16xi32>], vector<16xf32>,
        %swap3A_198 = arith.index_cast %add3A_194 : i32 to index
        %swap3A_199 = tpu.vector_load %arg8[%swap3A_198] {strides = array<i32>} : memref<4096xf32, #tpu.memory_space<vmem>>, vector<16xf32>,
        tpu.vector_store %arg8[%swap3A_198], %gather3A_197 {strides = array<i32>} : memref<4096xf32, #tpu.memory_space<vmem>>, vector<16xf32>,
        %mul3A_200 = arith.constant 16 : i32
        %mul3A_201 = arith.muli %scan3A_135, %mul3A_200 : i32
        %mul3A_202 = arith.constant 32 : i32
        %mul3A_203 = arith.muli %mul3A_201, %mul3A_202 : i32
        %add3A_204 = arith.constant 96 : i32
        %add3A_205 = arith.addi %mul3A_203, %add3A_204 : i32
        %get3A_206 = arith.index_cast %add3A_205 : i32 to index
        %get3A_207 = tpu.vector_load %arg6[%get3A_206] {strides = array<i32>} : memref<4096xi32, #tpu.memory_space<vmem>>, vector<16xi32>,
        %gather3A_208 = tpu.vector_load_idx %arg5[%get3A_207] : memref<100000xf32, #tpu.memory_space<vmem>>[vector<16xi32>], vector<16xf32>,
        %swap3A_209 = arith.index_cast %add3A_205 : i32 to index
        %swap3A_210 = tpu.vector_load %arg8[%swap3A_209] {strides = array<i32>} : memref<4096xf32, #tpu.memory_space<vmem>>, vector<16xf32>,
        tpu.vector_store %arg8[%swap3A_209], %gather3A_208 {strides = array<i32>} : memref<4096xf32, #tpu.memory_space<vmem>>, vector<16xf32>,
        %mul3A_211 = arith.constant 16 : i32
        %mul3A_212 = arith.muli %scan3A_135, %mul3A_211 : i32
        %mul3A_213 = arith.constant 32 : i32
        %mul3A_214 = arith.muli %mul3A_212, %mul3A_213 : i32
        %add3A_215 = arith.constant 112 : i32
        %add3A_216 = arith.addi %mul3A_214, %add3A_215 : i32
        %get3A_217 = arith.index_cast %add3A_216 : i32 to index
        %get3A_218 = tpu.vector_load %arg6[%get3A_217] {strides = array<i32>} : memref<4096xi32, #tpu.memory_space<vmem>>, vector<16xi32>,
        %gather3A_219 = tpu.vector_load_idx %arg5[%get3A_218] : memref<100000xf32, #tpu.memory_space<vmem>>[vector<16xi32>], vector<16xf32>,
        %swap3A_220 = arith.index_cast %add3A_216 : i32 to index
        %swap3A_221 = tpu.vector_load %arg8[%swap3A_220] {strides = array<i32>} : memref<4096xf32, #tpu.memory_space<vmem>>, vector<16xf32>,
        tpu.vector_store %arg8[%swap3A_220], %gather3A_219 {strides = array<i32>} : memref<4096xf32, #tpu.memory_space<vmem>>, vector<16xf32>,
        %mul3A_222 = arith.constant 16 : i32
        %mul3A_223 = arith.muli %scan3A_135, %mul3A_222 : i32
        %mul3A_224 = arith.constant 32 : i32
        %mul3A_225 = arith.muli %mul3A_223, %mul3A_224 : i32
        %add3A_226 = arith.constant 128 : i32
        %add3A_227 = arith.addi %mul3A_225, %add3A_226 : i32
        %get3A_228 = arith.index_cast %add3A_227 : i32 to index
        %get3A_229 = tpu.vector_load %arg6[%get3A_228] {strides = array<i32>} : memref<4096xi32, #tpu.memory_space<vmem>>, vector<16xi32>,
        %gather3A_230 = tpu.vector_load_idx %arg5[%get3A_229] : memref<100000xf32, #tpu.memory_space<vmem>>[vector<16xi32>], vector<16xf32>,
        %swap3A_231 = arith.index_cast %add3A_227 : i32 to index
        %swap3A_232 = tpu.vector_load %arg8[%swap3A_231] {strides = array<i32>} : memref<4096xf32, #tpu.memory_space<vmem>>, vector<16xf32>,
        tpu.vector_store %arg8[%swap3A_231], %gather3A_230 {strides = array<i32>} : memref<4096xf32, #tpu.memory_space<vmem>>, vector<16xf32>,
        %mul3A_233 = arith.constant 16 : i32
        %mul3A_234 = arith.muli %scan3A_135, %mul3A_233 : i32
        %mul3A_235 = arith.constant 32 : i32
        %mul3A_236 = arith.muli %mul3A_234, %mul3A_235 : i32
        %add3A_237 = arith.constant 144 : i32
        %add3A_238 = arith.addi %mul3A_236, %add3A_237 : i32
        %get3A_239 = arith.index_cast %add3A_238 : i32 to index
        %get3A_240 = tpu.vector_load %arg6[%get3A_239] {strides = array<i32>} : memref<4096xi32, #tpu.memory_space<vmem>>, vector<16xi32>,
        %gather3A_241 = tpu.vector_load_idx %arg5[%get3A_240] : memref<100000xf32, #tpu.memory_space<vmem>>[vector<16xi32>], vector<16xf32>,
        %swap3A_242 = arith.index_cast %add3A_238 : i32 to index
        %swap3A_243 = tpu.vector_load %arg8[%swap3A_242] {strides = array<i32>} : memref<4096xf32, #tpu.memory_space<vmem>>, vector<16xf32>,
        tpu.vector_store %arg8[%swap3A_242], %gather3A_241 {strides = array<i32>} : memref<4096xf32, #tpu.memory_space<vmem>>, vector<16xf32>,
        %mul3A_244 = arith.constant 16 : i32
        %mul3A_245 = arith.muli %scan3A_135, %mul3A_244 : i32
        %mul3A_246 = arith.constant 32 : i32
        %mul3A_247 = arith.muli %mul3A_245, %mul3A_246 : i32
        %add3A_248 = arith.constant 160 : i32
        %add3A_249 = arith.addi %mul3A_247, %add3A_248 : i32
        %get3A_250 = arith.index_cast %add3A_249 : i32 to index
        %get3A_251 = tpu.vector_load %arg6[%get3A_250] {strides = array<i32>} : memref<4096xi32, #tpu.memory_space<vmem>>, vector<16xi32>,
        %gather3A_252 = tpu.vector_load_idx %arg5[%get3A_251] : memref<100000xf32, #tpu.memory_space<vmem>>[vector<16xi32>], vector<16xf32>,
        %swap3A_253 = arith.index_cast %add3A_249 : i32 to index
        %swap3A_254 = tpu.vector_load %arg8[%swap3A_253] {strides = array<i32>} : memref<4096xf32, #tpu.memory_space<vmem>>, vector<16xf32>,
        tpu.vector_store %arg8[%swap3A_253], %gather3A_252 {strides = array<i32>} : memref<4096xf32, #tpu.memory_space<vmem>>, vector<16xf32>,
        %mul3A_255 = arith.constant 16 : i32
        %mul3A_256 = arith.muli %scan3A_135, %mul3A_255 : i32
        %mul3A_257 = arith.constant 32 : i32
        %mul3A_258 = arith.muli %mul3A_256, %mul3A_257 : i32
        %add3A_259 = arith.constant 176 : i32
        %add3A_260 = arith.addi %mul3A_258, %add3A_259 : i32
        %get3A_261 = arith.index_cast %add3A_260 : i32 to index
        %get3A_262 = tpu.vector_load %arg6[%get3A_261] {strides = array<i32>} : memref<4096xi32, #tpu.memory_space<vmem>>, vector<16xi32>,
        %gather3A_263 = tpu.vector_load_idx %arg5[%get3A_262] : memref<100000xf32, #tpu.memory_space<vmem>>[vector<16xi32>], vector<16xf32>,
        %swap3A_264 = arith.index_cast %add3A_260 : i32 to index
        %swap3A_265 = tpu.vector_load %arg8[%swap3A_264] {strides = array<i32>} : memref<4096xf32, #tpu.memory_space<vmem>>, vector<16xf32>,
        tpu.vector_store %arg8[%swap3A_264], %gather3A_263 {strides = array<i32>} : memref<4096xf32, #tpu.memory_space<vmem>>, vector<16xf32>,
        %mul3A_266 = arith.constant 16 : i32
        %mul3A_267 = arith.muli %scan3A_135, %mul3A_266 : i32
        %mul3A_268 = arith.constant 32 : i32
        %mul3A_269 = arith.muli %mul3A_267, %mul3A_268 : i32
        %add3A_270 = arith.constant 192 : i32
        %add3A_271 = arith.addi %mul3A_269, %add3A_270 : i32
        %get3A_272 = arith.index_cast %add3A_271 : i32 to index
        %get3A_273 = tpu.vector_load %arg6[%get3A_272] {strides = array<i32>} : memref<4096xi32, #tpu.memory_space<vmem>>, vector<16xi32>,
        %gather3A_274 = tpu.vector_load_idx %arg5[%get3A_273] : memref<100000xf32, #tpu.memory_space<vmem>>[vector<16xi32>], vector<16xf32>,
        %swap3A_275 = arith.index_cast %add3A_271 : i32 to index
        %swap3A_276 = tpu.vector_load %arg8[%swap3A_275] {strides = array<i32>} : memref<4096xf32, #tpu.memory_space<vmem>>, vector<16xf32>,
        tpu.vector_store %arg8[%swap3A_275], %gather3A_274 {strides = array<i32>} : memref<4096xf32, #tpu.memory_space<vmem>>, vector<16xf32>,
        %mul3A_277 = arith.constant 16 : i32
        %mul3A_278 = arith.muli %scan3A_135, %mul3A_277 : i32
        %mul3A_279 = arith.constant 32 : i32
        %mul3A_280 = arith.muli %mul3A_278, %mul3A_279 : i32
        %add3A_281 = arith.constant 208 : i32
        %add3A_282 = arith.addi %mul3A_280, %add3A_281 : i32
        %get3A_283 = arith.index_cast %add3A_282 : i32 to index
        %get3A_284 = tpu.vector_load %arg6[%get3A_283] {strides = array<i32>} : memref<4096xi32, #tpu.memory_space<vmem>>, vector<16xi32>,
        %gather3A_285 = tpu.vector_load_idx %arg5[%get3A_284] : memref<100000xf32, #tpu.memory_space<vmem>>[vector<16xi32>], vector<16xf32>,
        %swap3A_286 = arith.index_cast %add3A_282 : i32 to index
        %swap3A_287 = tpu.vector_load %arg8[%swap3A_286] {strides = array<i32>} : memref<4096xf32, #tpu.memory_space<vmem>>, vector<16xf32>,
        tpu.vector_store %arg8[%swap3A_286], %gather3A_285 {strides = array<i32>} : memref<4096xf32, #tpu.memory_space<vmem>>, vector<16xf32>,
        %mul3A_288 = arith.constant 16 : i32
        %mul3A_289 = arith.muli %scan3A_135, %mul3A_288 : i32
        %mul3A_290 = arith.constant 32 : i32
        %mul3A_291 = arith.muli %mul3A_289, %mul3A_290 : i32
        %add3A_292 = arith.constant 224 : i32
        %add3A_293 = arith.addi %mul3A_291, %add3A_292 : i32
        %get3A_294 = arith.index_cast %add3A_293 : i32 to index
        %get3A_295 = tpu.vector_load %arg6[%get3A_294] {strides = array<i32>} : memref<4096xi32, #tpu.memory_space<vmem>>, vector<16xi32>,
        %gather3A_296 = tpu.vector_load_idx %arg5[%get3A_295] : memref<100000xf32, #tpu.memory_space<vmem>>[vector<16xi32>], vector<16xf32>,
        %swap3A_297 = arith.index_cast %add3A_293 : i32 to index
        %swap3A_298 = tpu.vector_load %arg8[%swap3A_297] {strides = array<i32>} : memref<4096xf32, #tpu.memory_space<vmem>>, vector<16xf32>,
        tpu.vector_store %arg8[%swap3A_297], %gather3A_296 {strides = array<i32>} : memref<4096xf32, #tpu.memory_space<vmem>>, vector<16xf32>,
        %mul3A_299 = arith.constant 16 : i32
        %mul3A_300 = arith.muli %scan3A_135, %mul3A_299 : i32
        %mul3A_301 = arith.constant 32 : i32
        %mul3A_302 = arith.muli %mul3A_300, %mul3A_301 : i32
        %add3A_303 = arith.constant 240 : i32
        %add3A_304 = arith.addi %mul3A_302, %add3A_303 : i32
        %get3A_305 = arith.index_cast %add3A_304 : i32 to index
        %get3A_306 = tpu.vector_load %arg6[%get3A_305] {strides = array<i32>} : memref<4096xi32, #tpu.memory_space<vmem>>, vector<16xi32>,
        %gather3A_307 = tpu.vector_load_idx %arg5[%get3A_306] : memref<100000xf32, #tpu.memory_space<vmem>>[vector<16xi32>], vector<16xf32>,
        %swap3A_308 = arith.index_cast %add3A_304 : i32 to index
        %swap3A_309 = tpu.vector_load %arg8[%swap3A_308] {strides = array<i32>} : memref<4096xf32, #tpu.memory_space<vmem>>, vector<16xf32>,
        tpu.vector_store %arg8[%swap3A_308], %gather3A_307 {strides = array<i32>} : memref<4096xf32, #tpu.memory_space<vmem>>, vector<16xf32>,
        %mul3A_310 = arith.constant 16 : i32
        %mul3A_311 = arith.muli %scan3A_135, %mul3A_310 : i32
        %mul3A_312 = arith.constant 32 : i32
        %mul3A_313 = arith.muli %mul3A_311, %mul3A_312 : i32
        %add3A_314 = arith.constant 256 : i32
        %add3A_315 = arith.addi %mul3A_313, %add3A_314 : i32
        %get3A_316 = arith.index_cast %add3A_315 : i32 to index
        %get3A_317 = tpu.vector_load %arg6[%get3A_316] {strides = array<i32>} : memref<4096xi32, #tpu.memory_space<vmem>>, vector<16xi32>,
        %gather3A_318 = tpu.vector_load_idx %arg5[%get3A_317] : memref<100000xf32, #tpu.memory_space<vmem>>[vector<16xi32>], vector<16xf32>,
        %swap3A_319 = arith.index_cast %add3A_315 : i32 to index
        %swap3A_320 = tpu.vector_load %arg8[%swap3A_319] {strides = array<i32>} : memref<4096xf32, #tpu.memory_space<vmem>>, vector<16xf32>,
        tpu.vector_store %arg8[%swap3A_319], %gather3A_318 {strides = array<i32>} : memref<4096xf32, #tpu.memory_space<vmem>>, vector<16xf32>,
        %mul3A_321 = arith.constant 16 : i32
        %mul3A_322 = arith.muli %scan3A_135, %mul3A_321 : i32
        %mul3A_323 = arith.constant 32 : i32
        %mul3A_324 = arith.muli %mul3A_322, %mul3A_323 : i32
        %add3A_325 = arith.constant 272 : i32
        %add3A_326 = arith.addi %mul3A_324, %add3A_325 : i32
        %get3A_327 = arith.index_cast %add3A_326 : i32 to index
        %get3A_328 = tpu.vector_load %arg6[%get3A_327] {strides = array<i32>} : memref<4096xi32, #tpu.memory_space<vmem>>, vector<16xi32>,
        %gather3A_329 = tpu.vector_load_idx %arg5[%get3A_328] : memref<100000xf32, #tpu.memory_space<vmem>>[vector<16xi32>], vector<16xf32>,
        %swap3A_330 = arith.index_cast %add3A_326 : i32 to index
        %swap3A_331 = tpu.vector_load %arg8[%swap3A_330] {strides = array<i32>} : memref<4096xf32, #tpu.memory_space<vmem>>, vector<16xf32>,
        tpu.vector_store %arg8[%swap3A_330], %gather3A_329 {strides = array<i32>} : memref<4096xf32, #tpu.memory_space<vmem>>, vector<16xf32>,
        %mul3A_332 = arith.constant 16 : i32
        %mul3A_333 = arith.muli %scan3A_135, %mul3A_332 : i32
        %mul3A_334 = arith.constant 32 : i32
        %mul3A_335 = arith.muli %mul3A_333, %mul3A_334 : i32
        %add3A_336 = arith.constant 288 : i32
        %add3A_337 = arith.addi %mul3A_335, %add3A_336 : i32
        %get3A_338 = arith.index_cast %add3A_337 : i32 to index
        %get3A_339 = tpu.vector_load %arg6[%get3A_338] {strides = array<i32>} : memref<4096xi32, #tpu.memory_space<vmem>>, vector<16xi32>,
        %gather3A_340 = tpu.vector_load_idx %arg5[%get3A_339] : memref<100000xf32, #tpu.memory_space<vmem>>[vector<16xi32>], vector<16xf32>,
        %swap3A_341 = arith.index_cast %add3A_337 : i32 to index
        %swap3A_342 = tpu.vector_load %arg8[%swap3A_341] {strides = array<i32>} : memref<4096xf32, #tpu.memory_space<vmem>>, vector<16xf32>,
        tpu.vector_store %arg8[%swap3A_341], %gather3A_340 {strides = array<i32>} : memref<4096xf32, #tpu.memory_space<vmem>>, vector<16xf32>,
        %mul3A_343 = arith.constant 16 : i32
        %mul3A_344 = arith.muli %scan3A_135, %mul3A_343 : i32
        %mul3A_345 = arith.constant 32 : i32
        %mul3A_346 = arith.muli %mul3A_344, %mul3A_345 : i32
        %add3A_347 = arith.constant 304 : i32
        %add3A_348 = arith.addi %mul3A_346, %add3A_347 : i32
        %get3A_349 = arith.index_cast %add3A_348 : i32 to index
        %get3A_350 = tpu.vector_load %arg6[%get3A_349] {strides = array<i32>} : memref<4096xi32, #tpu.memory_space<vmem>>, vector<16xi32>,
        %gather3A_351 = tpu.vector_load_idx %arg5[%get3A_350] : memref<100000xf32, #tpu.memory_space<vmem>>[vector<16xi32>], vector<16xf32>,
        %swap3A_352 = arith.index_cast %add3A_348 : i32 to index
        %swap3A_353 = tpu.vector_load %arg8[%swap3A_352] {strides = array<i32>} : memref<4096xf32, #tpu.memory_space<vmem>>, vector<16xf32>,
        tpu.vector_store %arg8[%swap3A_352], %gather3A_351 {strides = array<i32>} : memref<4096xf32, #tpu.memory_space<vmem>>, vector<16xf32>,
        %mul3A_354 = arith.constant 16 : i32
        %mul3A_355 = arith.muli %scan3A_135, %mul3A_354 : i32
        %mul3A_356 = arith.constant 32 : i32
        %mul3A_357 = arith.muli %mul3A_355, %mul3A_356 : i32
        %add3A_358 = arith.constant 320 : i32
        %add3A_359 = arith.addi %mul3A_357, %add3A_358 : i32
        %get3A_360 = arith.index_cast %add3A_359 : i32 to index
        %get3A_361 = tpu.vector_load %arg6[%get3A_360] {strides = array<i32>} : memref<4096xi32, #tpu.memory_space<vmem>>, vector<16xi32>,
        %gather3A_362 = tpu.vector_load_idx %arg5[%get3A_361] : memref<100000xf32, #tpu.memory_space<vmem>>[vector<16xi32>], vector<16xf32>,
        %swap3A_363 = arith.index_cast %add3A_359 : i32 to index
        %swap3A_364 = tpu.vector_load %arg8[%swap3A_363] {strides = array<i32>} : memref<4096xf32, #tpu.memory_space<vmem>>, vector<16xf32>,
        tpu.vector_store %arg8[%swap3A_363], %gather3A_362 {strides = array<i32>} : memref<4096xf32, #tpu.memory_space<vmem>>, vector<16xf32>,
        %mul3A_365 = arith.constant 16 : i32
        %mul3A_366 = arith.muli %scan3A_135, %mul3A_365 : i32
        %mul3A_367 = arith.constant 32 : i32
        %mul3A_368 = arith.muli %mul3A_366, %mul3A_367 : i32
        %add3A_369 = arith.constant 336 : i32
        %add3A_370 = arith.addi %mul3A_368, %add3A_369 : i32
        %get3A_371 = arith.index_cast %add3A_370 : i32 to index
        %get3A_372 = tpu.vector_load %arg6[%get3A_371] {strides = array<i32>} : memref<4096xi32, #tpu.memory_space<vmem>>, vector<16xi32>,
        %gather3A_373 = tpu.vector_load_idx %arg5[%get3A_372] : memref<100000xf32, #tpu.memory_space<vmem>>[vector<16xi32>], vector<16xf32>,
        %swap3A_374 = arith.index_cast %add3A_370 : i32 to index
        %swap3A_375 = tpu.vector_load %arg8[%swap3A_374] {strides = array<i32>} : memref<4096xf32, #tpu.memory_space<vmem>>, vector<16xf32>,
        tpu.vector_store %arg8[%swap3A_374], %gather3A_373 {strides = array<i32>} : memref<4096xf32, #tpu.memory_space<vmem>>, vector<16xf32>,
        %mul3A_376 = arith.constant 16 : i32
        %mul3A_377 = arith.muli %scan3A_135, %mul3A_376 : i32
        %mul3A_378 = arith.constant 32 : i32
        %mul3A_379 = arith.muli %mul3A_377, %mul3A_378 : i32
        %add3A_380 = arith.constant 352 : i32
        %add3A_381 = arith.addi %mul3A_379, %add3A_380 : i32
        %get3A_382 = arith.index_cast %add3A_381 : i32 to index
        %get3A_383 = tpu.vector_load %arg6[%get3A_382] {strides = array<i32>} : memref<4096xi32, #tpu.memory_space<vmem>>, vector<16xi32>,
        %gather3A_384 = tpu.vector_load_idx %arg5[%get3A_383] : memref<100000xf32, #tpu.memory_space<vmem>>[vector<16xi32>], vector<16xf32>,
        %swap3A_385 = arith.index_cast %add3A_381 : i32 to index
        %swap3A_386 = tpu.vector_load %arg8[%swap3A_385] {strides = array<i32>} : memref<4096xf32, #tpu.memory_space<vmem>>, vector<16xf32>,
        tpu.vector_store %arg8[%swap3A_385], %gather3A_384 {strides = array<i32>} : memref<4096xf32, #tpu.memory_space<vmem>>, vector<16xf32>,
        %mul3A_387 = arith.constant 16 : i32
        %mul3A_388 = arith.muli %scan3A_135, %mul3A_387 : i32
        %mul3A_389 = arith.constant 32 : i32
        %mul3A_390 = arith.muli %mul3A_388, %mul3A_389 : i32
        %add3A_391 = arith.constant 368 : i32
        %add3A_392 = arith.addi %mul3A_390, %add3A_391 : i32
        %get3A_393 = arith.index_cast %add3A_392 : i32 to index
        %get3A_394 = tpu.vector_load %arg6[%get3A_393] {strides = array<i32>} : memref<4096xi32, #tpu.memory_space<vmem>>, vector<16xi32>,
        %gather3A_395 = tpu.vector_load_idx %arg5[%get3A_394] : memref<100000xf32, #tpu.memory_space<vmem>>[vector<16xi32>], vector<16xf32>,
        %swap3A_396 = arith.index_cast %add3A_392 : i32 to index
        %swap3A_397 = tpu.vector_load %arg8[%swap3A_396] {strides = array<i32>} : memref<4096xf32, #tpu.memory_space<vmem>>, vector<16xf32>,
        tpu.vector_store %arg8[%swap3A_396], %gather3A_395 {strides = array<i32>} : memref<4096xf32, #tpu.memory_space<vmem>>, vector<16xf32>,
        %mul3A_398 = arith.constant 16 : i32
        %mul3A_399 = arith.muli %scan3A_135, %mul3A_398 : i32
        %mul3A_400 = arith.constant 32 : i32
        %mul3A_401 = arith.muli %mul3A_399, %mul3A_400 : i32
        %add3A_402 = arith.constant 384 : i32
        %add3A_403 = arith.addi %mul3A_401, %add3A_402 : i32
        %get3A_404 = arith.index_cast %add3A_403 : i32 to index
        %get3A_405 = tpu.vector_load %arg6[%get3A_404] {strides = array<i32>} : memref<4096xi32, #tpu.memory_space<vmem>>, vector<16xi32>,
        %gather3A_406 = tpu.vector_load_idx %arg5[%get3A_405] : memref<100000xf32, #tpu.memory_space<vmem>>[vector<16xi32>], vector<16xf32>,
        %swap3A_407 = arith.index_cast %add3A_403 : i32 to index
        %swap3A_408 = tpu.vector_load %arg8[%swap3A_407] {strides = array<i32>} : memref<4096xf32, #tpu.memory_space<vmem>>, vector<16xf32>,
        tpu.vector_store %arg8[%swap3A_407], %gather3A_406 {strides = array<i32>} : memref<4096xf32, #tpu.memory_space<vmem>>, vector<16xf32>,
        %mul3A_409 = arith.constant 16 : i32
        %mul3A_410 = arith.muli %scan3A_135, %mul3A_409 : i32
        %mul3A_411 = arith.constant 32 : i32
        %mul3A_412 = arith.muli %mul3A_410, %mul3A_411 : i32
        %add3A_413 = arith.constant 400 : i32
        %add3A_414 = arith.addi %mul3A_412, %add3A_413 : i32
        %get3A_415 = arith.index_cast %add3A_414 : i32 to index
        %get3A_416 = tpu.vector_load %arg6[%get3A_415] {strides = array<i32>} : memref<4096xi32, #tpu.memory_space<vmem>>, vector<16xi32>,
        %gather3A_417 = tpu.vector_load_idx %arg5[%get3A_416] : memref<100000xf32, #tpu.memory_space<vmem>>[vector<16xi32>], vector<16xf32>,
        %swap3A_418 = arith.index_cast %add3A_414 : i32 to index
        %swap3A_419 = tpu.vector_load %arg8[%swap3A_418] {strides = array<i32>} : memref<4096xf32, #tpu.memory_space<vmem>>, vector<16xf32>,
        tpu.vector_store %arg8[%swap3A_418], %gather3A_417 {strides = array<i32>} : memref<4096xf32, #tpu.memory_space<vmem>>, vector<16xf32>,
        %mul3A_420 = arith.constant 16 : i32
        %mul3A_421 = arith.muli %scan3A_135, %mul3A_420 : i32
        %mul3A_422 = arith.constant 32 : i32
        %mul3A_423 = arith.muli %mul3A_421, %mul3A_422 : i32
        %add3A_424 = arith.constant 416 : i32
        %add3A_425 = arith.addi %mul3A_423, %add3A_424 : i32
        %get3A_426 = arith.index_cast %add3A_425 : i32 to index
        %get3A_427 = tpu.vector_load %arg6[%get3A_426] {strides = array<i32>} : memref<4096xi32, #tpu.memory_space<vmem>>, vector<16xi32>,
        %gather3A_428 = tpu.vector_load_idx %arg5[%get3A_427] : memref<100000xf32, #tpu.memory_space<vmem>>[vector<16xi32>], vector<16xf32>,
        %swap3A_429 = arith.index_cast %add3A_425 : i32 to index
        %swap3A_430 = tpu.vector_load %arg8[%swap3A_429] {strides = array<i32>} : memref<4096xf32, #tpu.memory_space<vmem>>, vector<16xf32>,
        tpu.vector_store %arg8[%swap3A_429], %gather3A_428 {strides = array<i32>} : memref<4096xf32, #tpu.memory_space<vmem>>, vector<16xf32>,
        %mul3A_431 = arith.constant 16 : i32
        %mul3A_432 = arith.muli %scan3A_135, %mul3A_431 : i32
        %mul3A_433 = arith.constant 32 : i32
        %mul3A_434 = arith.muli %mul3A_432, %mul3A_433 : i32
        %add3A_435 = arith.constant 432 : i32
        %add3A_436 = arith.addi %mul3A_434, %add3A_435 : i32
        %get3A_437 = arith.index_cast %add3A_436 : i32 to index
        %get3A_438 = tpu.vector_load %arg6[%get3A_437] {strides = array<i32>} : memref<4096xi32, #tpu.memory_space<vmem>>, vector<16xi32>,
        %gather3A_439 = tpu.vector_load_idx %arg5[%get3A_438] : memref<100000xf32, #tpu.memory_space<vmem>>[vector<16xi32>], vector<16xf32>,
        %swap3A_440 = arith.index_cast %add3A_436 : i32 to index
        %swap3A_441 = tpu.vector_load %arg8[%swap3A_440] {strides = array<i32>} : memref<4096xf32, #tpu.memory_space<vmem>>, vector<16xf32>,
        tpu.vector_store %arg8[%swap3A_440], %gather3A_439 {strides = array<i32>} : memref<4096xf32, #tpu.memory_space<vmem>>, vector<16xf32>,
        %mul3A_442 = arith.constant 16 : i32
        %mul3A_443 = arith.muli %scan3A_135, %mul3A_442 : i32
        %mul3A_444 = arith.constant 32 : i32
        %mul3A_445 = arith.muli %mul3A_443, %mul3A_444 : i32
        %add3A_446 = arith.constant 448 : i32
        %add3A_447 = arith.addi %mul3A_445, %add3A_446 : i32
        %get3A_448 = arith.index_cast %add3A_447 : i32 to index
        %get3A_449 = tpu.vector_load %arg6[%get3A_448] {strides = array<i32>} : memref<4096xi32, #tpu.memory_space<vmem>>, vector<16xi32>,
        %gather3A_450 = tpu.vector_load_idx %arg5[%get3A_449] : memref<100000xf32, #tpu.memory_space<vmem>>[vector<16xi32>], vector<16xf32>,
        %swap3A_451 = arith.index_cast %add3A_447 : i32 to index
        %swap3A_452 = tpu.vector_load %arg8[%swap3A_451] {strides = array<i32>} : memref<4096xf32, #tpu.memory_space<vmem>>, vector<16xf32>,
        tpu.vector_store %arg8[%swap3A_451], %gather3A_450 {strides = array<i32>} : memref<4096xf32, #tpu.memory_space<vmem>>, vector<16xf32>,
        %mul3A_453 = arith.constant 16 : i32
        %mul3A_454 = arith.muli %scan3A_135, %mul3A_453 : i32
        %mul3A_455 = arith.constant 32 : i32
        %mul3A_456 = arith.muli %mul3A_454, %mul3A_455 : i32
        %add3A_457 = arith.constant 464 : i32
        %add3A_458 = arith.addi %mul3A_456, %add3A_457 : i32
        %get3A_459 = arith.index_cast %add3A_458 : i32 to index
        %get3A_460 = tpu.vector_load %arg6[%get3A_459] {strides = array<i32>} : memref<4096xi32, #tpu.memory_space<vmem>>, vector<16xi32>,
        %gather3A_461 = tpu.vector_load_idx %arg5[%get3A_460] : memref<100000xf32, #tpu.memory_space<vmem>>[vector<16xi32>], vector<16xf32>,
        %swap3A_462 = arith.index_cast %add3A_458 : i32 to index
        %swap3A_463 = tpu.vector_load %arg8[%swap3A_462] {strides = array<i32>} : memref<4096xf32, #tpu.memory_space<vmem>>, vector<16xf32>,
        tpu.vector_store %arg8[%swap3A_462], %gather3A_461 {strides = array<i32>} : memref<4096xf32, #tpu.memory_space<vmem>>, vector<16xf32>,
        %mul3A_464 = arith.constant 16 : i32
        %mul3A_465 = arith.muli %scan3A_135, %mul3A_464 : i32
        %mul3A_466 = arith.constant 32 : i32
        %mul3A_467 = arith.muli %mul3A_465, %mul3A_466 : i32
        %add3A_468 = arith.constant 480 : i32
        %add3A_469 = arith.addi %mul3A_467, %add3A_468 : i32
        %get3A_470 = arith.index_cast %add3A_469 : i32 to index
        %get3A_471 = tpu.vector_load %arg6[%get3A_470] {strides = array<i32>} : memref<4096xi32, #tpu.memory_space<vmem>>, vector<16xi32>,
        %gather3A_472 = tpu.vector_load_idx %arg5[%get3A_471] : memref<100000xf32, #tpu.memory_space<vmem>>[vector<16xi32>], vector<16xf32>,
        %swap3A_473 = arith.index_cast %add3A_469 : i32 to index
        %swap3A_474 = tpu.vector_load %arg8[%swap3A_473] {strides = array<i32>} : memref<4096xf32, #tpu.memory_space<vmem>>, vector<16xf32>,
        tpu.vector_store %arg8[%swap3A_473], %gather3A_472 {strides = array<i32>} : memref<4096xf32, #tpu.memory_space<vmem>>, vector<16xf32>,
        %mul3A_475 = arith.constant 16 : i32
        %mul3A_476 = arith.muli %scan3A_135, %mul3A_475 : i32
        %mul3A_477 = arith.constant 32 : i32
        %mul3A_478 = arith.muli %mul3A_476, %mul3A_477 : i32
        %add3A_479 = arith.constant 496 : i32
        %add3A_480 = arith.addi %mul3A_478, %add3A_479 : i32
        %get3A_481 = arith.index_cast %add3A_480 : i32 to index
        %get3A_482 = tpu.vector_load %arg6[%get3A_481] {strides = array<i32>} : memref<4096xi32, #tpu.memory_space<vmem>>, vector<16xi32>,
        %gather3A_483 = tpu.vector_load_idx %arg5[%get3A_482] : memref<100000xf32, #tpu.memory_space<vmem>>[vector<16xi32>], vector<16xf32>,
        %swap3A_484 = arith.index_cast %add3A_480 : i32 to index
        %swap3A_485 = tpu.vector_load %arg8[%swap3A_484] {strides = array<i32>} : memref<4096xf32, #tpu.memory_space<vmem>>, vector<16xf32>,
        tpu.vector_store %arg8[%swap3A_484], %gather3A_483 {strides = array<i32>} : memref<4096xf32, #tpu.memory_space<vmem>>, vector<16xf32>,
        %scan3A_486 = arith.constant 0 : i32
        scf.yield %scan3A_486 : i32
      }
      %scan3A_34 = arith.constant 8 : i32
      %dma_start3A_35 = arith.constant 8192 : i32
      %dma_start3A_36 = tpu.memref_slice %arg3[%scan3A_7, %dma_start3A_35] : memref<26x16384xi32, #tpu.memory_space<hbm>> -> memref<1x4096xi32, #tpu.memory_space<hbm>>
      %dma_start3A_37 = tpu.memref_squeeze %dma_start3A_36 : memref<1x4096xi32, #tpu.memory_space<hbm>> -> memref<4096xi32, #tpu.memory_space<hbm>>
      %dma_start3A_38 = arith.constant 8192 : i32
      %dma_start3A_39 = tpu.memref_slice %arg3[%scan3A_7, %dma_start3A_38] : memref<26x16384xi32, #tpu.memory_space<hbm>> -> memref<1x4096xi32, #tpu.memory_space<hbm>>
      %dma_start3A_40 = tpu.memref_squeeze %dma_start3A_39 : memref<1x4096xi32, #tpu.memory_space<hbm>> -> memref<4096xi32, #tpu.memory_space<hbm>>
      tpu.enqueue_dma source(%dma_start3A_40 : memref<4096xi32, #tpu.memory_space<hbm>>) target(%arg6 : memref<4096xi32, #tpu.memory_space<vmem>>) target_semaphore(%arg10 : memref<!tpu.dma_semaphore, #tpu.memory_space<semaphore_mem>>)
      %dma_start3A_41 = arith.constant 0 : i32
      %dma_start3A_42 = tpu.memref_slice %arg4[%add3A_11, %dma_start3A_41] : memref<832x16384xf32, #tpu.memory_space<hbm>> -> memref<1x4096xf32, #tpu.memory_space<hbm>>
      %dma_start3A_43 = tpu.memref_squeeze %dma_start3A_42 : memref<1x4096xf32, #tpu.memory_space<hbm>> -> memref<4096xf32, #tpu.memory_space<hbm>>
      %dma_start3A_44 = arith.constant 0 : i32
      %dma_start3A_45 = tpu.memref_slice %arg4[%add3A_11, %dma_start3A_44] : memref<832x16384xf32, #tpu.memory_space<hbm>> -> memref<1x4096xf32, #tpu.memory_space<hbm>>
      %dma_start3A_46 = tpu.memref_squeeze %dma_start3A_45 : memref<1x4096xf32, #tpu.memory_space<hbm>> -> memref<4096xf32, #tpu.memory_space<hbm>>
      tpu.enqueue_dma source(%arg8 : memref<4096xf32, #tpu.memory_space<vmem>>) target(%dma_start3A_46 : memref<4096xf32, #tpu.memory_space<hbm>>) target_semaphore(%arg12 : memref<!tpu.dma_semaphore, #tpu.memory_space<semaphore_mem>>)
      %dma_wait3A_47 = arith.constant 4096 : i32
      %dma_wait3A_48 = tpu.memref_slice %arg3[%scan3A_7, %dma_wait3A_47] : memref<26x16384xi32, #tpu.memory_space<hbm>> -> memref<1x4096xi32, #tpu.memory_space<hbm>>
      %dma_wait3A_49 = tpu.memref_squeeze %dma_wait3A_48 : memref<1x4096xi32, #tpu.memory_space<hbm>> -> memref<4096xi32, #tpu.memory_space<hbm>>
      %dma_wait3A_50 = arith.constant 4096 : i32
      %dma_wait3A_51 = tpu.memref_slice %arg3[%scan3A_7, %dma_wait3A_50] : memref<26x16384xi32, #tpu.memory_space<hbm>> -> memref<1x4096xi32, #tpu.memory_space<hbm>>
      %dma_wait3A_52 = tpu.memref_squeeze %dma_wait3A_51 : memref<1x4096xi32, #tpu.memory_space<hbm>> -> memref<4096xi32, #tpu.memory_space<hbm>>
      tpu.wait_dma2 semaphore(%arg11 : memref<!tpu.dma_semaphore, #tpu.memory_space<semaphore_mem>>) src(%dma_wait3A_52 : memref<4096xi32, #tpu.memory_space<hbm>>) dst(%arg7 : memref<4096xi32, #tpu.memory_space<vmem>>)
      %scan3A_53 = arith.constant 0 : i32
      %scan3A_54 = arith.constant 0 : i32
      %scan3A_55 = arith.constant 8 : i32
      %scan3A_56 = arith.addi %scan3A_54, %scan3A_55 : i32
      %scan3A_57 = arith.constant 1 : i32
      %scan3A_58 = scf.for %scan3A_135 = %scan3A_54 to %scan3A_56 step %scan3A_57 iter_args(%scan3A_136 = %scan3A_53) -> (i32)  : i32 {
        %mul3A_137 = arith.constant 16 : i32
        %mul3A_138 = arith.muli %scan3A_135, %mul3A_137 : i32
        %mul3A_139 = arith.constant 32 : i32
        %mul3A_140 = arith.muli %mul3A_138, %mul3A_139 : i32
        %add3A_141 = arith.constant 0 : i32
        %add3A_142 = arith.addi %mul3A_140, %add3A_141 : i32
        %get3A = arith.index_cast %add3A_142 : i32 to index
        %get3A_143 = tpu.vector_load %arg7[%get3A] {strides = array<i32>} : memref<4096xi32, #tpu.memory_space<vmem>>, vector<16xi32>,
        %gather3A = tpu.vector_load_idx %arg5[%get3A_143] : memref<100000xf32, #tpu.memory_space<vmem>>[vector<16xi32>], vector<16xf32>,
        %swap3A = arith.index_cast %add3A_142 : i32 to index
        %swap3A_144 = tpu.vector_load %arg9[%swap3A] {strides = array<i32>} : memref<4096xf32, #tpu.memory_space<vmem>>, vector<16xf32>,
        tpu.vector_store %arg9[%swap3A], %gather3A {strides = array<i32>} : memref<4096xf32, #tpu.memory_space<vmem>>, vector<16xf32>,
        %mul3A_145 = arith.constant 16 : i32
        %mul3A_146 = arith.muli %scan3A_135, %mul3A_145 : i32
        %mul3A_147 = arith.constant 32 : i32
        %mul3A_148 = arith.muli %mul3A_146, %mul3A_147 : i32
        %add3A_149 = arith.constant 16 : i32
        %add3A_150 = arith.addi %mul3A_148, %add3A_149 : i32
        %get3A_151 = arith.index_cast %add3A_150 : i32 to index
        %get3A_152 = tpu.vector_load %arg7[%get3A_151] {strides = array<i32>} : memref<4096xi32, #tpu.memory_space<vmem>>, vector<16xi32>,
        %gather3A_153 = tpu.vector_load_idx %arg5[%get3A_152] : memref<100000xf32, #tpu.memory_space<vmem>>[vector<16xi32>], vector<16xf32>,
        %swap3A_154 = arith.index_cast %add3A_150 : i32 to index
        %swap3A_155 = tpu.vector_load %arg9[%swap3A_154] {strides = array<i32>} : memref<4096xf32, #tpu.memory_space<vmem>>, vector<16xf32>,
        tpu.vector_store %arg9[%swap3A_154], %gather3A_153 {strides = array<i32>} : memref<4096xf32, #tpu.memory_space<vmem>>, vector<16xf32>,
        %mul3A_156 = arith.constant 16 : i32
        %mul3A_157 = arith.muli %scan3A_135, %mul3A_156 : i32
        %mul3A_158 = arith.constant 32 : i32
        %mul3A_159 = arith.muli %mul3A_157, %mul3A_158 : i32
        %add3A_160 = arith.constant 32 : i32
        %add3A_161 = arith.addi %mul3A_159, %add3A_160 : i32
        %get3A_162 = arith.index_cast %add3A_161 : i32 to index
        %get3A_163 = tpu.vector_load %arg7[%get3A_162] {strides = array<i32>} : memref<4096xi32, #tpu.memory_space<vmem>>, vector<16xi32>,
        %gather3A_164 = tpu.vector_load_idx %arg5[%get3A_163] : memref<100000xf32, #tpu.memory_space<vmem>>[vector<16xi32>], vector<16xf32>,
        %swap3A_165 = arith.index_cast %add3A_161 : i32 to index
        %swap3A_166 = tpu.vector_load %arg9[%swap3A_165] {strides = array<i32>} : memref<4096xf32, #tpu.memory_space<vmem>>, vector<16xf32>,
        tpu.vector_store %arg9[%swap3A_165], %gather3A_164 {strides = array<i32>} : memref<4096xf32, #tpu.memory_space<vmem>>, vector<16xf32>,
        %mul3A_167 = arith.constant 16 : i32
        %mul3A_168 = arith.muli %scan3A_135, %mul3A_167 : i32
        %mul3A_169 = arith.constant 32 : i32
        %mul3A_170 = arith.muli %mul3A_168, %mul3A_169 : i32
        %add3A_171 = arith.constant 48 : i32
        %add3A_172 = arith.addi %mul3A_170, %add3A_171 : i32
        %get3A_173 = arith.index_cast %add3A_172 : i32 to index
        %get3A_174 = tpu.vector_load %arg7[%get3A_173] {strides = array<i32>} : memref<4096xi32, #tpu.memory_space<vmem>>, vector<16xi32>,
        %gather3A_175 = tpu.vector_load_idx %arg5[%get3A_174] : memref<100000xf32, #tpu.memory_space<vmem>>[vector<16xi32>], vector<16xf32>,
        %swap3A_176 = arith.index_cast %add3A_172 : i32 to index
        %swap3A_177 = tpu.vector_load %arg9[%swap3A_176] {strides = array<i32>} : memref<4096xf32, #tpu.memory_space<vmem>>, vector<16xf32>,
        tpu.vector_store %arg9[%swap3A_176], %gather3A_175 {strides = array<i32>} : memref<4096xf32, #tpu.memory_space<vmem>>, vector<16xf32>,
        %mul3A_178 = arith.constant 16 : i32
        %mul3A_179 = arith.muli %scan3A_135, %mul3A_178 : i32
        %mul3A_180 = arith.constant 32 : i32
        %mul3A_181 = arith.muli %mul3A_179, %mul3A_180 : i32
        %add3A_182 = arith.constant 64 : i32
        %add3A_183 = arith.addi %mul3A_181, %add3A_182 : i32
        %get3A_184 = arith.index_cast %add3A_183 : i32 to index
        %get3A_185 = tpu.vector_load %arg7[%get3A_184] {strides = array<i32>} : memref<4096xi32, #tpu.memory_space<vmem>>, vector<16xi32>,
        %gather3A_186 = tpu.vector_load_idx %arg5[%get3A_185] : memref<100000xf32, #tpu.memory_space<vmem>>[vector<16xi32>], vector<16xf32>,
        %swap3A_187 = arith.index_cast %add3A_183 : i32 to index
        %swap3A_188 = tpu.vector_load %arg9[%swap3A_187] {strides = array<i32>} : memref<4096xf32, #tpu.memory_space<vmem>>, vector<16xf32>,
        tpu.vector_store %arg9[%swap3A_187], %gather3A_186 {strides = array<i32>} : memref<4096xf32, #tpu.memory_space<vmem>>, vector<16xf32>,
        %mul3A_189 = arith.constant 16 : i32
        %mul3A_190 = arith.muli %scan3A_135, %mul3A_189 : i32
        %mul3A_191 = arith.constant 32 : i32
        %mul3A_192 = arith.muli %mul3A_190, %mul3A_191 : i32
        %add3A_193 = arith.constant 80 : i32
        %add3A_194 = arith.addi %mul3A_192, %add3A_193 : i32
        %get3A_195 = arith.index_cast %add3A_194 : i32 to index
        %get3A_196 = tpu.vector_load %arg7[%get3A_195] {strides = array<i32>} : memref<4096xi32, #tpu.memory_space<vmem>>, vector<16xi32>,
        %gather3A_197 = tpu.vector_load_idx %arg5[%get3A_196] : memref<100000xf32, #tpu.memory_space<vmem>>[vector<16xi32>], vector<16xf32>,
        %swap3A_198 = arith.index_cast %add3A_194 : i32 to index
        %swap3A_199 = tpu.vector_load %arg9[%swap3A_198] {strides = array<i32>} : memref<4096xf32, #tpu.memory_space<vmem>>, vector<16xf32>,
        tpu.vector_store %arg9[%swap3A_198], %gather3A_197 {strides = array<i32>} : memref<4096xf32, #tpu.memory_space<vmem>>, vector<16xf32>,
        %mul3A_200 = arith.constant 16 : i32
        %mul3A_201 = arith.muli %scan3A_135, %mul3A_200 : i32
        %mul3A_202 = arith.constant 32 : i32
        %mul3A_203 = arith.muli %mul3A_201, %mul3A_202 : i32
        %add3A_204 = arith.constant 96 : i32
        %add3A_205 = arith.addi %mul3A_203, %add3A_204 : i32
        %get3A_206 = arith.index_cast %add3A_205 : i32 to index
        %get3A_207 = tpu.vector_load %arg7[%get3A_206] {strides = array<i32>} : memref<4096xi32, #tpu.memory_space<vmem>>, vector<16xi32>,
        %gather3A_208 = tpu.vector_load_idx %arg5[%get3A_207] : memref<100000xf32, #tpu.memory_space<vmem>>[vector<16xi32>], vector<16xf32>,
        %swap3A_209 = arith.index_cast %add3A_205 : i32 to index
        %swap3A_210 = tpu.vector_load %arg9[%swap3A_209] {strides = array<i32>} : memref<4096xf32, #tpu.memory_space<vmem>>, vector<16xf32>,
        tpu.vector_store %arg9[%swap3A_209], %gather3A_208 {strides = array<i32>} : memref<4096xf32, #tpu.memory_space<vmem>>, vector<16xf32>,
        %mul3A_211 = arith.constant 16 : i32
        %mul3A_212 = arith.muli %scan3A_135, %mul3A_211 : i32
        %mul3A_213 = arith.constant 32 : i32
        %mul3A_214 = arith.muli %mul3A_212, %mul3A_213 : i32
        %add3A_215 = arith.constant 112 : i32
        %add3A_216 = arith.addi %mul3A_214, %add3A_215 : i32
        %get3A_217 = arith.index_cast %add3A_216 : i32 to index
        %get3A_218 = tpu.vector_load %arg7[%get3A_217] {strides = array<i32>} : memref<4096xi32, #tpu.memory_space<vmem>>, vector<16xi32>,
        %gather3A_219 = tpu.vector_load_idx %arg5[%get3A_218] : memref<100000xf32, #tpu.memory_space<vmem>>[vector<16xi32>], vector<16xf32>,
        %swap3A_220 = arith.index_cast %add3A_216 : i32 to index
        %swap3A_221 = tpu.vector_load %arg9[%swap3A_220] {strides = array<i32>} : memref<4096xf32, #tpu.memory_space<vmem>>, vector<16xf32>,
        tpu.vector_store %arg9[%swap3A_220], %gather3A_219 {strides = array<i32>} : memref<4096xf32, #tpu.memory_space<vmem>>, vector<16xf32>,
        %mul3A_222 = arith.constant 16 : i32
        %mul3A_223 = arith.muli %scan3A_135, %mul3A_222 : i32
        %mul3A_224 = arith.constant 32 : i32
        %mul3A_225 = arith.muli %mul3A_223, %mul3A_224 : i32
        %add3A_226 = arith.constant 128 : i32
        %add3A_227 = arith.addi %mul3A_225, %add3A_226 : i32
        %get3A_228 = arith.index_cast %add3A_227 : i32 to index
        %get3A_229 = tpu.vector_load %arg7[%get3A_228] {strides = array<i32>} : memref<4096xi32, #tpu.memory_space<vmem>>, vector<16xi32>,
        %gather3A_230 = tpu.vector_load_idx %arg5[%get3A_229] : memref<100000xf32, #tpu.memory_space<vmem>>[vector<16xi32>], vector<16xf32>,
        %swap3A_231 = arith.index_cast %add3A_227 : i32 to index
        %swap3A_232 = tpu.vector_load %arg9[%swap3A_231] {strides = array<i32>} : memref<4096xf32, #tpu.memory_space<vmem>>, vector<16xf32>,
        tpu.vector_store %arg9[%swap3A_231], %gather3A_230 {strides = array<i32>} : memref<4096xf32, #tpu.memory_space<vmem>>, vector<16xf32>,
        %mul3A_233 = arith.constant 16 : i32
        %mul3A_234 = arith.muli %scan3A_135, %mul3A_233 : i32
        %mul3A_235 = arith.constant 32 : i32
        %mul3A_236 = arith.muli %mul3A_234, %mul3A_235 : i32
        %add3A_237 = arith.constant 144 : i32
        %add3A_238 = arith.addi %mul3A_236, %add3A_237 : i32
        %get3A_239 = arith.index_cast %add3A_238 : i32 to index
        %get3A_240 = tpu.vector_load %arg7[%get3A_239] {strides = array<i32>} : memref<4096xi32, #tpu.memory_space<vmem>>, vector<16xi32>,
        %gather3A_241 = tpu.vector_load_idx %arg5[%get3A_240] : memref<100000xf32, #tpu.memory_space<vmem>>[vector<16xi32>], vector<16xf32>,
        %swap3A_242 = arith.index_cast %add3A_238 : i32 to index
        %swap3A_243 = tpu.vector_load %arg9[%swap3A_242] {strides = array<i32>} : memref<4096xf32, #tpu.memory_space<vmem>>, vector<16xf32>,
        tpu.vector_store %arg9[%swap3A_242], %gather3A_241 {strides = array<i32>} : memref<4096xf32, #tpu.memory_space<vmem>>, vector<16xf32>,
        %mul3A_244 = arith.constant 16 : i32
        %mul3A_245 = arith.muli %scan3A_135, %mul3A_244 : i32
        %mul3A_246 = arith.constant 32 : i32
        %mul3A_247 = arith.muli %mul3A_245, %mul3A_246 : i32
        %add3A_248 = arith.constant 160 : i32
        %add3A_249 = arith.addi %mul3A_247, %add3A_248 : i32
        %get3A_250 = arith.index_cast %add3A_249 : i32 to index
        %get3A_251 = tpu.vector_load %arg7[%get3A_250] {strides = array<i32>} : memref<4096xi32, #tpu.memory_space<vmem>>, vector<16xi32>,
        %gather3A_252 = tpu.vector_load_idx %arg5[%get3A_251] : memref<100000xf32, #tpu.memory_space<vmem>>[vector<16xi32>], vector<16xf32>,
        %swap3A_253 = arith.index_cast %add3A_249 : i32 to index
        %swap3A_254 = tpu.vector_load %arg9[%swap3A_253] {strides = array<i32>} : memref<4096xf32, #tpu.memory_space<vmem>>, vector<16xf32>,
        tpu.vector_store %arg9[%swap3A_253], %gather3A_252 {strides = array<i32>} : memref<4096xf32, #tpu.memory_space<vmem>>, vector<16xf32>,
        %mul3A_255 = arith.constant 16 : i32
        %mul3A_256 = arith.muli %scan3A_135, %mul3A_255 : i32
        %mul3A_257 = arith.constant 32 : i32
        %mul3A_258 = arith.muli %mul3A_256, %mul3A_257 : i32
        %add3A_259 = arith.constant 176 : i32
        %add3A_260 = arith.addi %mul3A_258, %add3A_259 : i32
        %get3A_261 = arith.index_cast %add3A_260 : i32 to index
        %get3A_262 = tpu.vector_load %arg7[%get3A_261] {strides = array<i32>} : memref<4096xi32, #tpu.memory_space<vmem>>, vector<16xi32>,
        %gather3A_263 = tpu.vector_load_idx %arg5[%get3A_262] : memref<100000xf32, #tpu.memory_space<vmem>>[vector<16xi32>], vector<16xf32>,
        %swap3A_264 = arith.index_cast %add3A_260 : i32 to index
        %swap3A_265 = tpu.vector_load %arg9[%swap3A_264] {strides = array<i32>} : memref<4096xf32, #tpu.memory_space<vmem>>, vector<16xf32>,
        tpu.vector_store %arg9[%swap3A_264], %gather3A_263 {strides = array<i32>} : memref<4096xf32, #tpu.memory_space<vmem>>, vector<16xf32>,
        %mul3A_266 = arith.constant 16 : i32
        %mul3A_267 = arith.muli %scan3A_135, %mul3A_266 : i32
        %mul3A_268 = arith.constant 32 : i32
        %mul3A_269 = arith.muli %mul3A_267, %mul3A_268 : i32
        %add3A_270 = arith.constant 192 : i32
        %add3A_271 = arith.addi %mul3A_269, %add3A_270 : i32
        %get3A_272 = arith.index_cast %add3A_271 : i32 to index
        %get3A_273 = tpu.vector_load %arg7[%get3A_272] {strides = array<i32>} : memref<4096xi32, #tpu.memory_space<vmem>>, vector<16xi32>,
        %gather3A_274 = tpu.vector_load_idx %arg5[%get3A_273] : memref<100000xf32, #tpu.memory_space<vmem>>[vector<16xi32>], vector<16xf32>,
        %swap3A_275 = arith.index_cast %add3A_271 : i32 to index
        %swap3A_276 = tpu.vector_load %arg9[%swap3A_275] {strides = array<i32>} : memref<4096xf32, #tpu.memory_space<vmem>>, vector<16xf32>,
        tpu.vector_store %arg9[%swap3A_275], %gather3A_274 {strides = array<i32>} : memref<4096xf32, #tpu.memory_space<vmem>>, vector<16xf32>,
        %mul3A_277 = arith.constant 16 : i32
        %mul3A_278 = arith.muli %scan3A_135, %mul3A_277 : i32
        %mul3A_279 = arith.constant 32 : i32
        %mul3A_280 = arith.muli %mul3A_278, %mul3A_279 : i32
        %add3A_281 = arith.constant 208 : i32
        %add3A_282 = arith.addi %mul3A_280, %add3A_281 : i32
        %get3A_283 = arith.index_cast %add3A_282 : i32 to index
        %get3A_284 = tpu.vector_load %arg7[%get3A_283] {strides = array<i32>} : memref<4096xi32, #tpu.memory_space<vmem>>, vector<16xi32>,
        %gather3A_285 = tpu.vector_load_idx %arg5[%get3A_284] : memref<100000xf32, #tpu.memory_space<vmem>>[vector<16xi32>], vector<16xf32>,
        %swap3A_286 = arith.index_cast %add3A_282 : i32 to index
        %swap3A_287 = tpu.vector_load %arg9[%swap3A_286] {strides = array<i32>} : memref<4096xf32, #tpu.memory_space<vmem>>, vector<16xf32>,
        tpu.vector_store %arg9[%swap3A_286], %gather3A_285 {strides = array<i32>} : memref<4096xf32, #tpu.memory_space<vmem>>, vector<16xf32>,
        %mul3A_288 = arith.constant 16 : i32
        %mul3A_289 = arith.muli %scan3A_135, %mul3A_288 : i32
        %mul3A_290 = arith.constant 32 : i32
        %mul3A_291 = arith.muli %mul3A_289, %mul3A_290 : i32
        %add3A_292 = arith.constant 224 : i32
        %add3A_293 = arith.addi %mul3A_291, %add3A_292 : i32
        %get3A_294 = arith.index_cast %add3A_293 : i32 to index
        %get3A_295 = tpu.vector_load %arg7[%get3A_294] {strides = array<i32>} : memref<4096xi32, #tpu.memory_space<vmem>>, vector<16xi32>,
        %gather3A_296 = tpu.vector_load_idx %arg5[%get3A_295] : memref<100000xf32, #tpu.memory_space<vmem>>[vector<16xi32>], vector<16xf32>,
        %swap3A_297 = arith.index_cast %add3A_293 : i32 to index
        %swap3A_298 = tpu.vector_load %arg9[%swap3A_297] {strides = array<i32>} : memref<4096xf32, #tpu.memory_space<vmem>>, vector<16xf32>,
        tpu.vector_store %arg9[%swap3A_297], %gather3A_296 {strides = array<i32>} : memref<4096xf32, #tpu.memory_space<vmem>>, vector<16xf32>,
        %mul3A_299 = arith.constant 16 : i32
        %mul3A_300 = arith.muli %scan3A_135, %mul3A_299 : i32
        %mul3A_301 = arith.constant 32 : i32
        %mul3A_302 = arith.muli %mul3A_300, %mul3A_301 : i32
        %add3A_303 = arith.constant 240 : i32
        %add3A_304 = arith.addi %mul3A_302, %add3A_303 : i32
        %get3A_305 = arith.index_cast %add3A_304 : i32 to index
        %get3A_306 = tpu.vector_load %arg7[%get3A_305] {strides = array<i32>} : memref<4096xi32, #tpu.memory_space<vmem>>, vector<16xi32>,
        %gather3A_307 = tpu.vector_load_idx %arg5[%get3A_306] : memref<100000xf32, #tpu.memory_space<vmem>>[vector<16xi32>], vector<16xf32>,
        %swap3A_308 = arith.index_cast %add3A_304 : i32 to index
        %swap3A_309 = tpu.vector_load %arg9[%swap3A_308] {strides = array<i32>} : memref<4096xf32, #tpu.memory_space<vmem>>, vector<16xf32>,
        tpu.vector_store %arg9[%swap3A_308], %gather3A_307 {strides = array<i32>} : memref<4096xf32, #tpu.memory_space<vmem>>, vector<16xf32>,
        %mul3A_310 = arith.constant 16 : i32
        %mul3A_311 = arith.muli %scan3A_135, %mul3A_310 : i32
        %mul3A_312 = arith.constant 32 : i32
        %mul3A_313 = arith.muli %mul3A_311, %mul3A_312 : i32
        %add3A_314 = arith.constant 256 : i32
        %add3A_315 = arith.addi %mul3A_313, %add3A_314 : i32
        %get3A_316 = arith.index_cast %add3A_315 : i32 to index
        %get3A_317 = tpu.vector_load %arg7[%get3A_316] {strides = array<i32>} : memref<4096xi32, #tpu.memory_space<vmem>>, vector<16xi32>,
        %gather3A_318 = tpu.vector_load_idx %arg5[%get3A_317] : memref<100000xf32, #tpu.memory_space<vmem>>[vector<16xi32>], vector<16xf32>,
        %swap3A_319 = arith.index_cast %add3A_315 : i32 to index
        %swap3A_320 = tpu.vector_load %arg9[%swap3A_319] {strides = array<i32>} : memref<4096xf32, #tpu.memory_space<vmem>>, vector<16xf32>,
        tpu.vector_store %arg9[%swap3A_319], %gather3A_318 {strides = array<i32>} : memref<4096xf32, #tpu.memory_space<vmem>>, vector<16xf32>,
        %mul3A_321 = arith.constant 16 : i32
        %mul3A_322 = arith.muli %scan3A_135, %mul3A_321 : i32
        %mul3A_323 = arith.constant 32 : i32
        %mul3A_324 = arith.muli %mul3A_322, %mul3A_323 : i32
        %add3A_325 = arith.constant 272 : i32
        %add3A_326 = arith.addi %mul3A_324, %add3A_325 : i32
        %get3A_327 = arith.index_cast %add3A_326 : i32 to index
        %get3A_328 = tpu.vector_load %arg7[%get3A_327] {strides = array<i32>} : memref<4096xi32, #tpu.memory_space<vmem>>, vector<16xi32>,
        %gather3A_329 = tpu.vector_load_idx %arg5[%get3A_328] : memref<100000xf32, #tpu.memory_space<vmem>>[vector<16xi32>], vector<16xf32>,
        %swap3A_330 = arith.index_cast %add3A_326 : i32 to index
        %swap3A_331 = tpu.vector_load %arg9[%swap3A_330] {strides = array<i32>} : memref<4096xf32, #tpu.memory_space<vmem>>, vector<16xf32>,
        tpu.vector_store %arg9[%swap3A_330], %gather3A_329 {strides = array<i32>} : memref<4096xf32, #tpu.memory_space<vmem>>, vector<16xf32>,
        %mul3A_332 = arith.constant 16 : i32
        %mul3A_333 = arith.muli %scan3A_135, %mul3A_332 : i32
        %mul3A_334 = arith.constant 32 : i32
        %mul3A_335 = arith.muli %mul3A_333, %mul3A_334 : i32
        %add3A_336 = arith.constant 288 : i32
        %add3A_337 = arith.addi %mul3A_335, %add3A_336 : i32
        %get3A_338 = arith.index_cast %add3A_337 : i32 to index
        %get3A_339 = tpu.vector_load %arg7[%get3A_338] {strides = array<i32>} : memref<4096xi32, #tpu.memory_space<vmem>>, vector<16xi32>,
        %gather3A_340 = tpu.vector_load_idx %arg5[%get3A_339] : memref<100000xf32, #tpu.memory_space<vmem>>[vector<16xi32>], vector<16xf32>,
        %swap3A_341 = arith.index_cast %add3A_337 : i32 to index
        %swap3A_342 = tpu.vector_load %arg9[%swap3A_341] {strides = array<i32>} : memref<4096xf32, #tpu.memory_space<vmem>>, vector<16xf32>,
        tpu.vector_store %arg9[%swap3A_341], %gather3A_340 {strides = array<i32>} : memref<4096xf32, #tpu.memory_space<vmem>>, vector<16xf32>,
        %mul3A_343 = arith.constant 16 : i32
        %mul3A_344 = arith.muli %scan3A_135, %mul3A_343 : i32
        %mul3A_345 = arith.constant 32 : i32
        %mul3A_346 = arith.muli %mul3A_344, %mul3A_345 : i32
        %add3A_347 = arith.constant 304 : i32
        %add3A_348 = arith.addi %mul3A_346, %add3A_347 : i32
        %get3A_349 = arith.index_cast %add3A_348 : i32 to index
        %get3A_350 = tpu.vector_load %arg7[%get3A_349] {strides = array<i32>} : memref<4096xi32, #tpu.memory_space<vmem>>, vector<16xi32>,
        %gather3A_351 = tpu.vector_load_idx %arg5[%get3A_350] : memref<100000xf32, #tpu.memory_space<vmem>>[vector<16xi32>], vector<16xf32>,
        %swap3A_352 = arith.index_cast %add3A_348 : i32 to index
        %swap3A_353 = tpu.vector_load %arg9[%swap3A_352] {strides = array<i32>} : memref<4096xf32, #tpu.memory_space<vmem>>, vector<16xf32>,
        tpu.vector_store %arg9[%swap3A_352], %gather3A_351 {strides = array<i32>} : memref<4096xf32, #tpu.memory_space<vmem>>, vector<16xf32>,
        %mul3A_354 = arith.constant 16 : i32
        %mul3A_355 = arith.muli %scan3A_135, %mul3A_354 : i32
        %mul3A_356 = arith.constant 32 : i32
        %mul3A_357 = arith.muli %mul3A_355, %mul3A_356 : i32
        %add3A_358 = arith.constant 320 : i32
        %add3A_359 = arith.addi %mul3A_357, %add3A_358 : i32
        %get3A_360 = arith.index_cast %add3A_359 : i32 to index
        %get3A_361 = tpu.vector_load %arg7[%get3A_360] {strides = array<i32>} : memref<4096xi32, #tpu.memory_space<vmem>>, vector<16xi32>,
        %gather3A_362 = tpu.vector_load_idx %arg5[%get3A_361] : memref<100000xf32, #tpu.memory_space<vmem>>[vector<16xi32>], vector<16xf32>,
        %swap3A_363 = arith.index_cast %add3A_359 : i32 to index
        %swap3A_364 = tpu.vector_load %arg9[%swap3A_363] {strides = array<i32>} : memref<4096xf32, #tpu.memory_space<vmem>>, vector<16xf32>,
        tpu.vector_store %arg9[%swap3A_363], %gather3A_362 {strides = array<i32>} : memref<4096xf32, #tpu.memory_space<vmem>>, vector<16xf32>,
        %mul3A_365 = arith.constant 16 : i32
        %mul3A_366 = arith.muli %scan3A_135, %mul3A_365 : i32
        %mul3A_367 = arith.constant 32 : i32
        %mul3A_368 = arith.muli %mul3A_366, %mul3A_367 : i32
        %add3A_369 = arith.constant 336 : i32
        %add3A_370 = arith.addi %mul3A_368, %add3A_369 : i32
        %get3A_371 = arith.index_cast %add3A_370 : i32 to index
        %get3A_372 = tpu.vector_load %arg7[%get3A_371] {strides = array<i32>} : memref<4096xi32, #tpu.memory_space<vmem>>, vector<16xi32>,
        %gather3A_373 = tpu.vector_load_idx %arg5[%get3A_372] : memref<100000xf32, #tpu.memory_space<vmem>>[vector<16xi32>], vector<16xf32>,
        %swap3A_374 = arith.index_cast %add3A_370 : i32 to index
        %swap3A_375 = tpu.vector_load %arg9[%swap3A_374] {strides = array<i32>} : memref<4096xf32, #tpu.memory_space<vmem>>, vector<16xf32>,
        tpu.vector_store %arg9[%swap3A_374], %gather3A_373 {strides = array<i32>} : memref<4096xf32, #tpu.memory_space<vmem>>, vector<16xf32>,
        %mul3A_376 = arith.constant 16 : i32
        %mul3A_377 = arith.muli %scan3A_135, %mul3A_376 : i32
        %mul3A_378 = arith.constant 32 : i32
        %mul3A_379 = arith.muli %mul3A_377, %mul3A_378 : i32
        %add3A_380 = arith.constant 352 : i32
        %add3A_381 = arith.addi %mul3A_379, %add3A_380 : i32
        %get3A_382 = arith.index_cast %add3A_381 : i32 to index
        %get3A_383 = tpu.vector_load %arg7[%get3A_382] {strides = array<i32>} : memref<4096xi32, #tpu.memory_space<vmem>>, vector<16xi32>,
        %gather3A_384 = tpu.vector_load_idx %arg5[%get3A_383] : memref<100000xf32, #tpu.memory_space<vmem>>[vector<16xi32>], vector<16xf32>,
        %swap3A_385 = arith.index_cast %add3A_381 : i32 to index
        %swap3A_386 = tpu.vector_load %arg9[%swap3A_385] {strides = array<i32>} : memref<4096xf32, #tpu.memory_space<vmem>>, vector<16xf32>,
        tpu.vector_store %arg9[%swap3A_385], %gather3A_384 {strides = array<i32>} : memref<4096xf32, #tpu.memory_space<vmem>>, vector<16xf32>,
        %mul3A_387 = arith.constant 16 : i32
        %mul3A_388 = arith.muli %scan3A_135, %mul3A_387 : i32
        %mul3A_389 = arith.constant 32 : i32
        %mul3A_390 = arith.muli %mul3A_388, %mul3A_389 : i32
        %add3A_391 = arith.constant 368 : i32
        %add3A_392 = arith.addi %mul3A_390, %add3A_391 : i32
        %get3A_393 = arith.index_cast %add3A_392 : i32 to index
        %get3A_394 = tpu.vector_load %arg7[%get3A_393] {strides = array<i32>} : memref<4096xi32, #tpu.memory_space<vmem>>, vector<16xi32>,
        %gather3A_395 = tpu.vector_load_idx %arg5[%get3A_394] : memref<100000xf32, #tpu.memory_space<vmem>>[vector<16xi32>], vector<16xf32>,
        %swap3A_396 = arith.index_cast %add3A_392 : i32 to index
        %swap3A_397 = tpu.vector_load %arg9[%swap3A_396] {strides = array<i32>} : memref<4096xf32, #tpu.memory_space<vmem>>, vector<16xf32>,
        tpu.vector_store %arg9[%swap3A_396], %gather3A_395 {strides = array<i32>} : memref<4096xf32, #tpu.memory_space<vmem>>, vector<16xf32>,
        %mul3A_398 = arith.constant 16 : i32
        %mul3A_399 = arith.muli %scan3A_135, %mul3A_398 : i32
        %mul3A_400 = arith.constant 32 : i32
        %mul3A_401 = arith.muli %mul3A_399, %mul3A_400 : i32
        %add3A_402 = arith.constant 384 : i32
        %add3A_403 = arith.addi %mul3A_401, %add3A_402 : i32
        %get3A_404 = arith.index_cast %add3A_403 : i32 to index
        %get3A_405 = tpu.vector_load %arg7[%get3A_404] {strides = array<i32>} : memref<4096xi32, #tpu.memory_space<vmem>>, vector<16xi32>,
        %gather3A_406 = tpu.vector_load_idx %arg5[%get3A_405] : memref<100000xf32, #tpu.memory_space<vmem>>[vector<16xi32>], vector<16xf32>,
        %swap3A_407 = arith.index_cast %add3A_403 : i32 to index
        %swap3A_408 = tpu.vector_load %arg9[%swap3A_407] {strides = array<i32>} : memref<4096xf32, #tpu.memory_space<vmem>>, vector<16xf32>,
        tpu.vector_store %arg9[%swap3A_407], %gather3A_406 {strides = array<i32>} : memref<4096xf32, #tpu.memory_space<vmem>>, vector<16xf32>,
        %mul3A_409 = arith.constant 16 : i32
        %mul3A_410 = arith.muli %scan3A_135, %mul3A_409 : i32
        %mul3A_411 = arith.constant 32 : i32
        %mul3A_412 = arith.muli %mul3A_410, %mul3A_411 : i32
        %add3A_413 = arith.constant 400 : i32
        %add3A_414 = arith.addi %mul3A_412, %add3A_413 : i32
        %get3A_415 = arith.index_cast %add3A_414 : i32 to index
        %get3A_416 = tpu.vector_load %arg7[%get3A_415] {strides = array<i32>} : memref<4096xi32, #tpu.memory_space<vmem>>, vector<16xi32>,
        %gather3A_417 = tpu.vector_load_idx %arg5[%get3A_416] : memref<100000xf32, #tpu.memory_space<vmem>>[vector<16xi32>], vector<16xf32>,
        %swap3A_418 = arith.index_cast %add3A_414 : i32 to index
        %swap3A_419 = tpu.vector_load %arg9[%swap3A_418] {strides = array<i32>} : memref<4096xf32, #tpu.memory_space<vmem>>, vector<16xf32>,
        tpu.vector_store %arg9[%swap3A_418], %gather3A_417 {strides = array<i32>} : memref<4096xf32, #tpu.memory_space<vmem>>, vector<16xf32>,
        %mul3A_420 = arith.constant 16 : i32
        %mul3A_421 = arith.muli %scan3A_135, %mul3A_420 : i32
        %mul3A_422 = arith.constant 32 : i32
        %mul3A_423 = arith.muli %mul3A_421, %mul3A_422 : i32
        %add3A_424 = arith.constant 416 : i32
        %add3A_425 = arith.addi %mul3A_423, %add3A_424 : i32
        %get3A_426 = arith.index_cast %add3A_425 : i32 to index
        %get3A_427 = tpu.vector_load %arg7[%get3A_426] {strides = array<i32>} : memref<4096xi32, #tpu.memory_space<vmem>>, vector<16xi32>,
        %gather3A_428 = tpu.vector_load_idx %arg5[%get3A_427] : memref<100000xf32, #tpu.memory_space<vmem>>[vector<16xi32>], vector<16xf32>,
        %swap3A_429 = arith.index_cast %add3A_425 : i32 to index
        %swap3A_430 = tpu.vector_load %arg9[%swap3A_429] {strides = array<i32>} : memref<4096xf32, #tpu.memory_space<vmem>>, vector<16xf32>,
        tpu.vector_store %arg9[%swap3A_429], %gather3A_428 {strides = array<i32>} : memref<4096xf32, #tpu.memory_space<vmem>>, vector<16xf32>,
        %mul3A_431 = arith.constant 16 : i32
        %mul3A_432 = arith.muli %scan3A_135, %mul3A_431 : i32
        %mul3A_433 = arith.constant 32 : i32
        %mul3A_434 = arith.muli %mul3A_432, %mul3A_433 : i32
        %add3A_435 = arith.constant 432 : i32
        %add3A_436 = arith.addi %mul3A_434, %add3A_435 : i32
        %get3A_437 = arith.index_cast %add3A_436 : i32 to index
        %get3A_438 = tpu.vector_load %arg7[%get3A_437] {strides = array<i32>} : memref<4096xi32, #tpu.memory_space<vmem>>, vector<16xi32>,
        %gather3A_439 = tpu.vector_load_idx %arg5[%get3A_438] : memref<100000xf32, #tpu.memory_space<vmem>>[vector<16xi32>], vector<16xf32>,
        %swap3A_440 = arith.index_cast %add3A_436 : i32 to index
        %swap3A_441 = tpu.vector_load %arg9[%swap3A_440] {strides = array<i32>} : memref<4096xf32, #tpu.memory_space<vmem>>, vector<16xf32>,
        tpu.vector_store %arg9[%swap3A_440], %gather3A_439 {strides = array<i32>} : memref<4096xf32, #tpu.memory_space<vmem>>, vector<16xf32>,
        %mul3A_442 = arith.constant 16 : i32
        %mul3A_443 = arith.muli %scan3A_135, %mul3A_442 : i32
        %mul3A_444 = arith.constant 32 : i32
        %mul3A_445 = arith.muli %mul3A_443, %mul3A_444 : i32
        %add3A_446 = arith.constant 448 : i32
        %add3A_447 = arith.addi %mul3A_445, %add3A_446 : i32
        %get3A_448 = arith.index_cast %add3A_447 : i32 to index
        %get3A_449 = tpu.vector_load %arg7[%get3A_448] {strides = array<i32>} : memref<4096xi32, #tpu.memory_space<vmem>>, vector<16xi32>,
        %gather3A_450 = tpu.vector_load_idx %arg5[%get3A_449] : memref<100000xf32, #tpu.memory_space<vmem>>[vector<16xi32>], vector<16xf32>,
        %swap3A_451 = arith.index_cast %add3A_447 : i32 to index
        %swap3A_452 = tpu.vector_load %arg9[%swap3A_451] {strides = array<i32>} : memref<4096xf32, #tpu.memory_space<vmem>>, vector<16xf32>,
        tpu.vector_store %arg9[%swap3A_451], %gather3A_450 {strides = array<i32>} : memref<4096xf32, #tpu.memory_space<vmem>>, vector<16xf32>,
        %mul3A_453 = arith.constant 16 : i32
        %mul3A_454 = arith.muli %scan3A_135, %mul3A_453 : i32
        %mul3A_455 = arith.constant 32 : i32
        %mul3A_456 = arith.muli %mul3A_454, %mul3A_455 : i32
        %add3A_457 = arith.constant 464 : i32
        %add3A_458 = arith.addi %mul3A_456, %add3A_457 : i32
        %get3A_459 = arith.index_cast %add3A_458 : i32 to index
        %get3A_460 = tpu.vector_load %arg7[%get3A_459] {strides = array<i32>} : memref<4096xi32, #tpu.memory_space<vmem>>, vector<16xi32>,
        %gather3A_461 = tpu.vector_load_idx %arg5[%get3A_460] : memref<100000xf32, #tpu.memory_space<vmem>>[vector<16xi32>], vector<16xf32>,
        %swap3A_462 = arith.index_cast %add3A_458 : i32 to index
        %swap3A_463 = tpu.vector_load %arg9[%swap3A_462] {strides = array<i32>} : memref<4096xf32, #tpu.memory_space<vmem>>, vector<16xf32>,
        tpu.vector_store %arg9[%swap3A_462], %gather3A_461 {strides = array<i32>} : memref<4096xf32, #tpu.memory_space<vmem>>, vector<16xf32>,
        %mul3A_464 = arith.constant 16 : i32
        %mul3A_465 = arith.muli %scan3A_135, %mul3A_464 : i32
        %mul3A_466 = arith.constant 32 : i32
        %mul3A_467 = arith.muli %mul3A_465, %mul3A_466 : i32
        %add3A_468 = arith.constant 480 : i32
        %add3A_469 = arith.addi %mul3A_467, %add3A_468 : i32
        %get3A_470 = arith.index_cast %add3A_469 : i32 to index
        %get3A_471 = tpu.vector_load %arg7[%get3A_470] {strides = array<i32>} : memref<4096xi32, #tpu.memory_space<vmem>>, vector<16xi32>,
        %gather3A_472 = tpu.vector_load_idx %arg5[%get3A_471] : memref<100000xf32, #tpu.memory_space<vmem>>[vector<16xi32>], vector<16xf32>,
        %swap3A_473 = arith.index_cast %add3A_469 : i32 to index
        %swap3A_474 = tpu.vector_load %arg9[%swap3A_473] {strides = array<i32>} : memref<4096xf32, #tpu.memory_space<vmem>>, vector<16xf32>,
        tpu.vector_store %arg9[%swap3A_473], %gather3A_472 {strides = array<i32>} : memref<4096xf32, #tpu.memory_space<vmem>>, vector<16xf32>,
        %mul3A_475 = arith.constant 16 : i32
        %mul3A_476 = arith.muli %scan3A_135, %mul3A_475 : i32
        %mul3A_477 = arith.constant 32 : i32
        %mul3A_478 = arith.muli %mul3A_476, %mul3A_477 : i32
        %add3A_479 = arith.constant 496 : i32
        %add3A_480 = arith.addi %mul3A_478, %add3A_479 : i32
        %get3A_481 = arith.index_cast %add3A_480 : i32 to index
        %get3A_482 = tpu.vector_load %arg7[%get3A_481] {strides = array<i32>} : memref<4096xi32, #tpu.memory_space<vmem>>, vector<16xi32>,
        %gather3A_483 = tpu.vector_load_idx %arg5[%get3A_482] : memref<100000xf32, #tpu.memory_space<vmem>>[vector<16xi32>], vector<16xf32>,
        %swap3A_484 = arith.index_cast %add3A_480 : i32 to index
        %swap3A_485 = tpu.vector_load %arg9[%swap3A_484] {strides = array<i32>} : memref<4096xf32, #tpu.memory_space<vmem>>, vector<16xf32>,
        tpu.vector_store %arg9[%swap3A_484], %gather3A_483 {strides = array<i32>} : memref<4096xf32, #tpu.memory_space<vmem>>, vector<16xf32>,
        %scan3A_486 = arith.constant 0 : i32
        scf.yield %scan3A_486 : i32
      }
      %scan3A_59 = arith.constant 8 : i32
      %dma_start3A_60 = arith.constant 12288 : i32
      %dma_start3A_61 = tpu.memref_slice %arg3[%scan3A_7, %dma_start3A_60] : memref<26x16384xi32, #tpu.memory_space<hbm>> -> memref<1x4096xi32, #tpu.memory_space<hbm>>
      %dma_start3A_62 = tpu.memref_squeeze %dma_start3A_61 : memref<1x4096xi32, #tpu.memory_space<hbm>> -> memref<4096xi32, #tpu.memory_space<hbm>>
      %dma_start3A_63 = arith.constant 12288 : i32
      %dma_start3A_64 = tpu.memref_slice %arg3[%scan3A_7, %dma_start3A_63] : memref<26x16384xi32, #tpu.memory_space<hbm>> -> memref<1x4096xi32, #tpu.memory_space<hbm>>
      %dma_start3A_65 = tpu.memref_squeeze %dma_start3A_64 : memref<1x4096xi32, #tpu.memory_space<hbm>> -> memref<4096xi32, #tpu.memory_space<hbm>>
      tpu.enqueue_dma source(%dma_start3A_65 : memref<4096xi32, #tpu.memory_space<hbm>>) target(%arg7 : memref<4096xi32, #tpu.memory_space<vmem>>) target_semaphore(%arg11 : memref<!tpu.dma_semaphore, #tpu.memory_space<semaphore_mem>>)
      %dma_start3A_66 = arith.constant 4096 : i32
      %dma_start3A_67 = tpu.memref_slice %arg4[%add3A_11, %dma_start3A_66] : memref<832x16384xf32, #tpu.memory_space<hbm>> -> memref<1x4096xf32, #tpu.memory_space<hbm>>
      %dma_start3A_68 = tpu.memref_squeeze %dma_start3A_67 : memref<1x4096xf32, #tpu.memory_space<hbm>> -> memref<4096xf32, #tpu.memory_space<hbm>>
      %dma_start3A_69 = arith.constant 4096 : i32
      %dma_start3A_70 = tpu.memref_slice %arg4[%add3A_11, %dma_start3A_69] : memref<832x16384xf32, #tpu.memory_space<hbm>> -> memref<1x4096xf32, #tpu.memory_space<hbm>>
      %dma_start3A_71 = tpu.memref_squeeze %dma_start3A_70 : memref<1x4096xf32, #tpu.memory_space<hbm>> -> memref<4096xf32, #tpu.memory_space<hbm>>
      tpu.enqueue_dma source(%arg9 : memref<4096xf32, #tpu.memory_space<vmem>>) target(%dma_start3A_71 : memref<4096xf32, #tpu.memory_space<hbm>>) target_semaphore(%arg13 : memref<!tpu.dma_semaphore, #tpu.memory_space<semaphore_mem>>)
      %dma_wait3A_72 = arith.constant 8192 : i32
      %dma_wait3A_73 = tpu.memref_slice %arg3[%scan3A_7, %dma_wait3A_72] : memref<26x16384xi32, #tpu.memory_space<hbm>> -> memref<1x4096xi32, #tpu.memory_space<hbm>>
      %dma_wait3A_74 = tpu.memref_squeeze %dma_wait3A_73 : memref<1x4096xi32, #tpu.memory_space<hbm>> -> memref<4096xi32, #tpu.memory_space<hbm>>
      %dma_wait3A_75 = arith.constant 8192 : i32
      %dma_wait3A_76 = tpu.memref_slice %arg3[%scan3A_7, %dma_wait3A_75] : memref<26x16384xi32, #tpu.memory_space<hbm>> -> memref<1x4096xi32, #tpu.memory_space<hbm>>
      %dma_wait3A_77 = tpu.memref_squeeze %dma_wait3A_76 : memref<1x4096xi32, #tpu.memory_space<hbm>> -> memref<4096xi32, #tpu.memory_space<hbm>>
      tpu.wait_dma2 semaphore(%arg10 : memref<!tpu.dma_semaphore, #tpu.memory_space<semaphore_mem>>) src(%dma_wait3A_77 : memref<4096xi32, #tpu.memory_space<hbm>>) dst(%arg6 : memref<4096xi32, #tpu.memory_space<vmem>>)
      %dma_wait3A_78 = arith.constant 0 : i32
      %dma_wait3A_79 = tpu.memref_slice %arg4[%add3A_11, %dma_wait3A_78] : memref<832x16384xf32, #tpu.memory_space<hbm>> -> memref<1x4096xf32, #tpu.memory_space<hbm>>
      %dma_wait3A_80 = tpu.memref_squeeze %dma_wait3A_79 : memref<1x4096xf32, #tpu.memory_space<hbm>> -> memref<4096xf32, #tpu.memory_space<hbm>>
      %dma_wait3A_81 = arith.constant 0 : i32
      %dma_wait3A_82 = tpu.memref_slice %arg4[%add3A_11, %dma_wait3A_81] : memref<832x16384xf32, #tpu.memory_space<hbm>> -> memref<1x4096xf32, #tpu.memory_space<hbm>>
      %dma_wait3A_83 = tpu.memref_squeeze %dma_wait3A_82 : memref<1x4096xf32, #tpu.memory_space<hbm>> -> memref<4096xf32, #tpu.memory_space<hbm>>
      tpu.wait_dma2 semaphore(%arg12 : memref<!tpu.dma_semaphore, #tpu.memory_space<semaphore_mem>>) src(%arg8 : memref<4096xf32, #tpu.memory_space<vmem>>) dst(%dma_wait3A_83 : memref<4096xf32, #tpu.memory_space<hbm>>)
      %scan3A_84 = arith.constant 0 : i32
      %scan3A_85 = arith.constant 0 : i32
      %scan3A_86 = arith.constant 8 : i32
      %scan3A_87 = arith.addi %scan3A_85, %scan3A_86 : i32
      %scan3A_88 = arith.constant 1 : i32
      %scan3A_89 = scf.for %scan3A_135 = %scan3A_85 to %scan3A_87 step %scan3A_88 iter_args(%scan3A_136 = %scan3A_84) -> (i32)  : i32 {
        %mul3A_137 = arith.constant 16 : i32
        %mul3A_138 = arith.muli %scan3A_135, %mul3A_137 : i32
        %mul3A_139 = arith.constant 32 : i32
        %mul3A_140 = arith.muli %mul3A_138, %mul3A_139 : i32
        %add3A_141 = arith.constant 0 : i32
        %add3A_142 = arith.addi %mul3A_140, %add3A_141 : i32
        %get3A = arith.index_cast %add3A_142 : i32 to index
        %get3A_143 = tpu.vector_load %arg6[%get3A] {strides = array<i32>} : memref<4096xi32, #tpu.memory_space<vmem>>, vector<16xi32>,
        %gather3A = tpu.vector_load_idx %arg5[%get3A_143] : memref<100000xf32, #tpu.memory_space<vmem>>[vector<16xi32>], vector<16xf32>,
        %swap3A = arith.index_cast %add3A_142 : i32 to index
        %swap3A_144 = tpu.vector_load %arg8[%swap3A] {strides = array<i32>} : memref<4096xf32, #tpu.memory_space<vmem>>, vector<16xf32>,
        tpu.vector_store %arg8[%swap3A], %gather3A {strides = array<i32>} : memref<4096xf32, #tpu.memory_space<vmem>>, vector<16xf32>,
        %mul3A_145 = arith.constant 16 : i32
        %mul3A_146 = arith.muli %scan3A_135, %mul3A_145 : i32
        %mul3A_147 = arith.constant 32 : i32
        %mul3A_148 = arith.muli %mul3A_146, %mul3A_147 : i32
        %add3A_149 = arith.constant 16 : i32
        %add3A_150 = arith.addi %mul3A_148, %add3A_149 : i32
        %get3A_151 = arith.index_cast %add3A_150 : i32 to index
        %get3A_152 = tpu.vector_load %arg6[%get3A_151] {strides = array<i32>} : memref<4096xi32, #tpu.memory_space<vmem>>, vector<16xi32>,
        %gather3A_153 = tpu.vector_load_idx %arg5[%get3A_152] : memref<100000xf32, #tpu.memory_space<vmem>>[vector<16xi32>], vector<16xf32>,
        %swap3A_154 = arith.index_cast %add3A_150 : i32 to index
        %swap3A_155 = tpu.vector_load %arg8[%swap3A_154] {strides = array<i32>} : memref<4096xf32, #tpu.memory_space<vmem>>, vector<16xf32>,
        tpu.vector_store %arg8[%swap3A_154], %gather3A_153 {strides = array<i32>} : memref<4096xf32, #tpu.memory_space<vmem>>, vector<16xf32>,
        %mul3A_156 = arith.constant 16 : i32
        %mul3A_157 = arith.muli %scan3A_135, %mul3A_156 : i32
        %mul3A_158 = arith.constant 32 : i32
        %mul3A_159 = arith.muli %mul3A_157, %mul3A_158 : i32
        %add3A_160 = arith.constant 32 : i32
        %add3A_161 = arith.addi %mul3A_159, %add3A_160 : i32
        %get3A_162 = arith.index_cast %add3A_161 : i32 to index
        %get3A_163 = tpu.vector_load %arg6[%get3A_162] {strides = array<i32>} : memref<4096xi32, #tpu.memory_space<vmem>>, vector<16xi32>,
        %gather3A_164 = tpu.vector_load_idx %arg5[%get3A_163] : memref<100000xf32, #tpu.memory_space<vmem>>[vector<16xi32>], vector<16xf32>,
        %swap3A_165 = arith.index_cast %add3A_161 : i32 to index
        %swap3A_166 = tpu.vector_load %arg8[%swap3A_165] {strides = array<i32>} : memref<4096xf32, #tpu.memory_space<vmem>>, vector<16xf32>,
        tpu.vector_store %arg8[%swap3A_165], %gather3A_164 {strides = array<i32>} : memref<4096xf32, #tpu.memory_space<vmem>>, vector<16xf32>,
        %mul3A_167 = arith.constant 16 : i32
        %mul3A_168 = arith.muli %scan3A_135, %mul3A_167 : i32
        %mul3A_169 = arith.constant 32 : i32
        %mul3A_170 = arith.muli %mul3A_168, %mul3A_169 : i32
        %add3A_171 = arith.constant 48 : i32
        %add3A_172 = arith.addi %mul3A_170, %add3A_171 : i32
        %get3A_173 = arith.index_cast %add3A_172 : i32 to index
        %get3A_174 = tpu.vector_load %arg6[%get3A_173] {strides = array<i32>} : memref<4096xi32, #tpu.memory_space<vmem>>, vector<16xi32>,
        %gather3A_175 = tpu.vector_load_idx %arg5[%get3A_174] : memref<100000xf32, #tpu.memory_space<vmem>>[vector<16xi32>], vector<16xf32>,
        %swap3A_176 = arith.index_cast %add3A_172 : i32 to index
        %swap3A_177 = tpu.vector_load %arg8[%swap3A_176] {strides = array<i32>} : memref<4096xf32, #tpu.memory_space<vmem>>, vector<16xf32>,
        tpu.vector_store %arg8[%swap3A_176], %gather3A_175 {strides = array<i32>} : memref<4096xf32, #tpu.memory_space<vmem>>, vector<16xf32>,
        %mul3A_178 = arith.constant 16 : i32
        %mul3A_179 = arith.muli %scan3A_135, %mul3A_178 : i32
        %mul3A_180 = arith.constant 32 : i32
        %mul3A_181 = arith.muli %mul3A_179, %mul3A_180 : i32
        %add3A_182 = arith.constant 64 : i32
        %add3A_183 = arith.addi %mul3A_181, %add3A_182 : i32
        %get3A_184 = arith.index_cast %add3A_183 : i32 to index
        %get3A_185 = tpu.vector_load %arg6[%get3A_184] {strides = array<i32>} : memref<4096xi32, #tpu.memory_space<vmem>>, vector<16xi32>,
        %gather3A_186 = tpu.vector_load_idx %arg5[%get3A_185] : memref<100000xf32, #tpu.memory_space<vmem>>[vector<16xi32>], vector<16xf32>,
        %swap3A_187 = arith.index_cast %add3A_183 : i32 to index
        %swap3A_188 = tpu.vector_load %arg8[%swap3A_187] {strides = array<i32>} : memref<4096xf32, #tpu.memory_space<vmem>>, vector<16xf32>,
        tpu.vector_store %arg8[%swap3A_187], %gather3A_186 {strides = array<i32>} : memref<4096xf32, #tpu.memory_space<vmem>>, vector<16xf32>,
        %mul3A_189 = arith.constant 16 : i32
        %mul3A_190 = arith.muli %scan3A_135, %mul3A_189 : i32
        %mul3A_191 = arith.constant 32 : i32
        %mul3A_192 = arith.muli %mul3A_190, %mul3A_191 : i32
        %add3A_193 = arith.constant 80 : i32
        %add3A_194 = arith.addi %mul3A_192, %add3A_193 : i32
        %get3A_195 = arith.index_cast %add3A_194 : i32 to index
        %get3A_196 = tpu.vector_load %arg6[%get3A_195] {strides = array<i32>} : memref<4096xi32, #tpu.memory_space<vmem>>, vector<16xi32>,
        %gather3A_197 = tpu.vector_load_idx %arg5[%get3A_196] : memref<100000xf32, #tpu.memory_space<vmem>>[vector<16xi32>], vector<16xf32>,
        %swap3A_198 = arith.index_cast %add3A_194 : i32 to index
        %swap3A_199 = tpu.vector_load %arg8[%swap3A_198] {strides = array<i32>} : memref<4096xf32, #tpu.memory_space<vmem>>, vector<16xf32>,
        tpu.vector_store %arg8[%swap3A_198], %gather3A_197 {strides = array<i32>} : memref<4096xf32, #tpu.memory_space<vmem>>, vector<16xf32>,
        %mul3A_200 = arith.constant 16 : i32
        %mul3A_201 = arith.muli %scan3A_135, %mul3A_200 : i32
        %mul3A_202 = arith.constant 32 : i32
        %mul3A_203 = arith.muli %mul3A_201, %mul3A_202 : i32
        %add3A_204 = arith.constant 96 : i32
        %add3A_205 = arith.addi %mul3A_203, %add3A_204 : i32
        %get3A_206 = arith.index_cast %add3A_205 : i32 to index
        %get3A_207 = tpu.vector_load %arg6[%get3A_206] {strides = array<i32>} : memref<4096xi32, #tpu.memory_space<vmem>>, vector<16xi32>,
        %gather3A_208 = tpu.vector_load_idx %arg5[%get3A_207] : memref<100000xf32, #tpu.memory_space<vmem>>[vector<16xi32>], vector<16xf32>,
        %swap3A_209 = arith.index_cast %add3A_205 : i32 to index
        %swap3A_210 = tpu.vector_load %arg8[%swap3A_209] {strides = array<i32>} : memref<4096xf32, #tpu.memory_space<vmem>>, vector<16xf32>,
        tpu.vector_store %arg8[%swap3A_209], %gather3A_208 {strides = array<i32>} : memref<4096xf32, #tpu.memory_space<vmem>>, vector<16xf32>,
        %mul3A_211 = arith.constant 16 : i32
        %mul3A_212 = arith.muli %scan3A_135, %mul3A_211 : i32
        %mul3A_213 = arith.constant 32 : i32
        %mul3A_214 = arith.muli %mul3A_212, %mul3A_213 : i32
        %add3A_215 = arith.constant 112 : i32
        %add3A_216 = arith.addi %mul3A_214, %add3A_215 : i32
        %get3A_217 = arith.index_cast %add3A_216 : i32 to index
        %get3A_218 = tpu.vector_load %arg6[%get3A_217] {strides = array<i32>} : memref<4096xi32, #tpu.memory_space<vmem>>, vector<16xi32>,
        %gather3A_219 = tpu.vector_load_idx %arg5[%get3A_218] : memref<100000xf32, #tpu.memory_space<vmem>>[vector<16xi32>], vector<16xf32>,
        %swap3A_220 = arith.index_cast %add3A_216 : i32 to index
        %swap3A_221 = tpu.vector_load %arg8[%swap3A_220] {strides = array<i32>} : memref<4096xf32, #tpu.memory_space<vmem>>, vector<16xf32>,
        tpu.vector_store %arg8[%swap3A_220], %gather3A_219 {strides = array<i32>} : memref<4096xf32, #tpu.memory_space<vmem>>, vector<16xf32>,
        %mul3A_222 = arith.constant 16 : i32
        %mul3A_223 = arith.muli %scan3A_135, %mul3A_222 : i32
        %mul3A_224 = arith.constant 32 : i32
        %mul3A_225 = arith.muli %mul3A_223, %mul3A_224 : i32
        %add3A_226 = arith.constant 128 : i32
        %add3A_227 = arith.addi %mul3A_225, %add3A_226 : i32
        %get3A_228 = arith.index_cast %add3A_227 : i32 to index
        %get3A_229 = tpu.vector_load %arg6[%get3A_228] {strides = array<i32>} : memref<4096xi32, #tpu.memory_space<vmem>>, vector<16xi32>,
        %gather3A_230 = tpu.vector_load_idx %arg5[%get3A_229] : memref<100000xf32, #tpu.memory_space<vmem>>[vector<16xi32>], vector<16xf32>,
        %swap3A_231 = arith.index_cast %add3A_227 : i32 to index
        %swap3A_232 = tpu.vector_load %arg8[%swap3A_231] {strides = array<i32>} : memref<4096xf32, #tpu.memory_space<vmem>>, vector<16xf32>,
        tpu.vector_store %arg8[%swap3A_231], %gather3A_230 {strides = array<i32>} : memref<4096xf32, #tpu.memory_space<vmem>>, vector<16xf32>,
        %mul3A_233 = arith.constant 16 : i32
        %mul3A_234 = arith.muli %scan3A_135, %mul3A_233 : i32
        %mul3A_235 = arith.constant 32 : i32
        %mul3A_236 = arith.muli %mul3A_234, %mul3A_235 : i32
        %add3A_237 = arith.constant 144 : i32
        %add3A_238 = arith.addi %mul3A_236, %add3A_237 : i32
        %get3A_239 = arith.index_cast %add3A_238 : i32 to index
        %get3A_240 = tpu.vector_load %arg6[%get3A_239] {strides = array<i32>} : memref<4096xi32, #tpu.memory_space<vmem>>, vector<16xi32>,
        %gather3A_241 = tpu.vector_load_idx %arg5[%get3A_240] : memref<100000xf32, #tpu.memory_space<vmem>>[vector<16xi32>], vector<16xf32>,
        %swap3A_242 = arith.index_cast %add3A_238 : i32 to index
        %swap3A_243 = tpu.vector_load %arg8[%swap3A_242] {strides = array<i32>} : memref<4096xf32, #tpu.memory_space<vmem>>, vector<16xf32>,
        tpu.vector_store %arg8[%swap3A_242], %gather3A_241 {strides = array<i32>} : memref<4096xf32, #tpu.memory_space<vmem>>, vector<16xf32>,
        %mul3A_244 = arith.constant 16 : i32
        %mul3A_245 = arith.muli %scan3A_135, %mul3A_244 : i32
        %mul3A_246 = arith.constant 32 : i32
        %mul3A_247 = arith.muli %mul3A_245, %mul3A_246 : i32
        %add3A_248 = arith.constant 160 : i32
        %add3A_249 = arith.addi %mul3A_247, %add3A_248 : i32
        %get3A_250 = arith.index_cast %add3A_249 : i32 to index
        %get3A_251 = tpu.vector_load %arg6[%get3A_250] {strides = array<i32>} : memref<4096xi32, #tpu.memory_space<vmem>>, vector<16xi32>,
        %gather3A_252 = tpu.vector_load_idx %arg5[%get3A_251] : memref<100000xf32, #tpu.memory_space<vmem>>[vector<16xi32>], vector<16xf32>,
        %swap3A_253 = arith.index_cast %add3A_249 : i32 to index
        %swap3A_254 = tpu.vector_load %arg8[%swap3A_253] {strides = array<i32>} : memref<4096xf32, #tpu.memory_space<vmem>>, vector<16xf32>,
        tpu.vector_store %arg8[%swap3A_253], %gather3A_252 {strides = array<i32>} : memref<4096xf32, #tpu.memory_space<vmem>>, vector<16xf32>,
        %mul3A_255 = arith.constant 16 : i32
        %mul3A_256 = arith.muli %scan3A_135, %mul3A_255 : i32
        %mul3A_257 = arith.constant 32 : i32
        %mul3A_258 = arith.muli %mul3A_256, %mul3A_257 : i32
        %add3A_259 = arith.constant 176 : i32
        %add3A_260 = arith.addi %mul3A_258, %add3A_259 : i32
        %get3A_261 = arith.index_cast %add3A_260 : i32 to index
        %get3A_262 = tpu.vector_load %arg6[%get3A_261] {strides = array<i32>} : memref<4096xi32, #tpu.memory_space<vmem>>, vector<16xi32>,
        %gather3A_263 = tpu.vector_load_idx %arg5[%get3A_262] : memref<100000xf32, #tpu.memory_space<vmem>>[vector<16xi32>], vector<16xf32>,
        %swap3A_264 = arith.index_cast %add3A_260 : i32 to index
        %swap3A_265 = tpu.vector_load %arg8[%swap3A_264] {strides = array<i32>} : memref<4096xf32, #tpu.memory_space<vmem>>, vector<16xf32>,
        tpu.vector_store %arg8[%swap3A_264], %gather3A_263 {strides = array<i32>} : memref<4096xf32, #tpu.memory_space<vmem>>, vector<16xf32>,
        %mul3A_266 = arith.constant 16 : i32
        %mul3A_267 = arith.muli %scan3A_135, %mul3A_266 : i32
        %mul3A_268 = arith.constant 32 : i32
        %mul3A_269 = arith.muli %mul3A_267, %mul3A_268 : i32
        %add3A_270 = arith.constant 192 : i32
        %add3A_271 = arith.addi %mul3A_269, %add3A_270 : i32
        %get3A_272 = arith.index_cast %add3A_271 : i32 to index
        %get3A_273 = tpu.vector_load %arg6[%get3A_272] {strides = array<i32>} : memref<4096xi32, #tpu.memory_space<vmem>>, vector<16xi32>,
        %gather3A_274 = tpu.vector_load_idx %arg5[%get3A_273] : memref<100000xf32, #tpu.memory_space<vmem>>[vector<16xi32>], vector<16xf32>,
        %swap3A_275 = arith.index_cast %add3A_271 : i32 to index
        %swap3A_276 = tpu.vector_load %arg8[%swap3A_275] {strides = array<i32>} : memref<4096xf32, #tpu.memory_space<vmem>>, vector<16xf32>,
        tpu.vector_store %arg8[%swap3A_275], %gather3A_274 {strides = array<i32>} : memref<4096xf32, #tpu.memory_space<vmem>>, vector<16xf32>,
        %mul3A_277 = arith.constant 16 : i32
        %mul3A_278 = arith.muli %scan3A_135, %mul3A_277 : i32
        %mul3A_279 = arith.constant 32 : i32
        %mul3A_280 = arith.muli %mul3A_278, %mul3A_279 : i32
        %add3A_281 = arith.constant 208 : i32
        %add3A_282 = arith.addi %mul3A_280, %add3A_281 : i32
        %get3A_283 = arith.index_cast %add3A_282 : i32 to index
        %get3A_284 = tpu.vector_load %arg6[%get3A_283] {strides = array<i32>} : memref<4096xi32, #tpu.memory_space<vmem>>, vector<16xi32>,
        %gather3A_285 = tpu.vector_load_idx %arg5[%get3A_284] : memref<100000xf32, #tpu.memory_space<vmem>>[vector<16xi32>], vector<16xf32>,
        %swap3A_286 = arith.index_cast %add3A_282 : i32 to index
        %swap3A_287 = tpu.vector_load %arg8[%swap3A_286] {strides = array<i32>} : memref<4096xf32, #tpu.memory_space<vmem>>, vector<16xf32>,
        tpu.vector_store %arg8[%swap3A_286], %gather3A_285 {strides = array<i32>} : memref<4096xf32, #tpu.memory_space<vmem>>, vector<16xf32>,
        %mul3A_288 = arith.constant 16 : i32
        %mul3A_289 = arith.muli %scan3A_135, %mul3A_288 : i32
        %mul3A_290 = arith.constant 32 : i32
        %mul3A_291 = arith.muli %mul3A_289, %mul3A_290 : i32
        %add3A_292 = arith.constant 224 : i32
        %add3A_293 = arith.addi %mul3A_291, %add3A_292 : i32
        %get3A_294 = arith.index_cast %add3A_293 : i32 to index
        %get3A_295 = tpu.vector_load %arg6[%get3A_294] {strides = array<i32>} : memref<4096xi32, #tpu.memory_space<vmem>>, vector<16xi32>,
        %gather3A_296 = tpu.vector_load_idx %arg5[%get3A_295] : memref<100000xf32, #tpu.memory_space<vmem>>[vector<16xi32>], vector<16xf32>,
        %swap3A_297 = arith.index_cast %add3A_293 : i32 to index
        %swap3A_298 = tpu.vector_load %arg8[%swap3A_297] {strides = array<i32>} : memref<4096xf32, #tpu.memory_space<vmem>>, vector<16xf32>,
        tpu.vector_store %arg8[%swap3A_297], %gather3A_296 {strides = array<i32>} : memref<4096xf32, #tpu.memory_space<vmem>>, vector<16xf32>,
        %mul3A_299 = arith.constant 16 : i32
        %mul3A_300 = arith.muli %scan3A_135, %mul3A_299 : i32
        %mul3A_301 = arith.constant 32 : i32
        %mul3A_302 = arith.muli %mul3A_300, %mul3A_301 : i32
        %add3A_303 = arith.constant 240 : i32
        %add3A_304 = arith.addi %mul3A_302, %add3A_303 : i32
        %get3A_305 = arith.index_cast %add3A_304 : i32 to index
        %get3A_306 = tpu.vector_load %arg6[%get3A_305] {strides = array<i32>} : memref<4096xi32, #tpu.memory_space<vmem>>, vector<16xi32>,
        %gather3A_307 = tpu.vector_load_idx %arg5[%get3A_306] : memref<100000xf32, #tpu.memory_space<vmem>>[vector<16xi32>], vector<16xf32>,
        %swap3A_308 = arith.index_cast %add3A_304 : i32 to index
        %swap3A_309 = tpu.vector_load %arg8[%swap3A_308] {strides = array<i32>} : memref<4096xf32, #tpu.memory_space<vmem>>, vector<16xf32>,
        tpu.vector_store %arg8[%swap3A_308], %gather3A_307 {strides = array<i32>} : memref<4096xf32, #tpu.memory_space<vmem>>, vector<16xf32>,
        %mul3A_310 = arith.constant 16 : i32
        %mul3A_311 = arith.muli %scan3A_135, %mul3A_310 : i32
        %mul3A_312 = arith.constant 32 : i32
        %mul3A_313 = arith.muli %mul3A_311, %mul3A_312 : i32
        %add3A_314 = arith.constant 256 : i32
        %add3A_315 = arith.addi %mul3A_313, %add3A_314 : i32
        %get3A_316 = arith.index_cast %add3A_315 : i32 to index
        %get3A_317 = tpu.vector_load %arg6[%get3A_316] {strides = array<i32>} : memref<4096xi32, #tpu.memory_space<vmem>>, vector<16xi32>,
        %gather3A_318 = tpu.vector_load_idx %arg5[%get3A_317] : memref<100000xf32, #tpu.memory_space<vmem>>[vector<16xi32>], vector<16xf32>,
        %swap3A_319 = arith.index_cast %add3A_315 : i32 to index
        %swap3A_320 = tpu.vector_load %arg8[%swap3A_319] {strides = array<i32>} : memref<4096xf32, #tpu.memory_space<vmem>>, vector<16xf32>,
        tpu.vector_store %arg8[%swap3A_319], %gather3A_318 {strides = array<i32>} : memref<4096xf32, #tpu.memory_space<vmem>>, vector<16xf32>,
        %mul3A_321 = arith.constant 16 : i32
        %mul3A_322 = arith.muli %scan3A_135, %mul3A_321 : i32
        %mul3A_323 = arith.constant 32 : i32
        %mul3A_324 = arith.muli %mul3A_322, %mul3A_323 : i32
        %add3A_325 = arith.constant 272 : i32
        %add3A_326 = arith.addi %mul3A_324, %add3A_325 : i32
        %get3A_327 = arith.index_cast %add3A_326 : i32 to index
        %get3A_328 = tpu.vector_load %arg6[%get3A_327] {strides = array<i32>} : memref<4096xi32, #tpu.memory_space<vmem>>, vector<16xi32>,
        %gather3A_329 = tpu.vector_load_idx %arg5[%get3A_328] : memref<100000xf32, #tpu.memory_space<vmem>>[vector<16xi32>], vector<16xf32>,
        %swap3A_330 = arith.index_cast %add3A_326 : i32 to index
        %swap3A_331 = tpu.vector_load %arg8[%swap3A_330] {strides = array<i32>} : memref<4096xf32, #tpu.memory_space<vmem>>, vector<16xf32>,
        tpu.vector_store %arg8[%swap3A_330], %gather3A_329 {strides = array<i32>} : memref<4096xf32, #tpu.memory_space<vmem>>, vector<16xf32>,
        %mul3A_332 = arith.constant 16 : i32
        %mul3A_333 = arith.muli %scan3A_135, %mul3A_332 : i32
        %mul3A_334 = arith.constant 32 : i32
        %mul3A_335 = arith.muli %mul3A_333, %mul3A_334 : i32
        %add3A_336 = arith.constant 288 : i32
        %add3A_337 = arith.addi %mul3A_335, %add3A_336 : i32
        %get3A_338 = arith.index_cast %add3A_337 : i32 to index
        %get3A_339 = tpu.vector_load %arg6[%get3A_338] {strides = array<i32>} : memref<4096xi32, #tpu.memory_space<vmem>>, vector<16xi32>,
        %gather3A_340 = tpu.vector_load_idx %arg5[%get3A_339] : memref<100000xf32, #tpu.memory_space<vmem>>[vector<16xi32>], vector<16xf32>,
        %swap3A_341 = arith.index_cast %add3A_337 : i32 to index
        %swap3A_342 = tpu.vector_load %arg8[%swap3A_341] {strides = array<i32>} : memref<4096xf32, #tpu.memory_space<vmem>>, vector<16xf32>,
        tpu.vector_store %arg8[%swap3A_341], %gather3A_340 {strides = array<i32>} : memref<4096xf32, #tpu.memory_space<vmem>>, vector<16xf32>,
        %mul3A_343 = arith.constant 16 : i32
        %mul3A_344 = arith.muli %scan3A_135, %mul3A_343 : i32
        %mul3A_345 = arith.constant 32 : i32
        %mul3A_346 = arith.muli %mul3A_344, %mul3A_345 : i32
        %add3A_347 = arith.constant 304 : i32
        %add3A_348 = arith.addi %mul3A_346, %add3A_347 : i32
        %get3A_349 = arith.index_cast %add3A_348 : i32 to index
        %get3A_350 = tpu.vector_load %arg6[%get3A_349] {strides = array<i32>} : memref<4096xi32, #tpu.memory_space<vmem>>, vector<16xi32>,
        %gather3A_351 = tpu.vector_load_idx %arg5[%get3A_350] : memref<100000xf32, #tpu.memory_space<vmem>>[vector<16xi32>], vector<16xf32>,
        %swap3A_352 = arith.index_cast %add3A_348 : i32 to index
        %swap3A_353 = tpu.vector_load %arg8[%swap3A_352] {strides = array<i32>} : memref<4096xf32, #tpu.memory_space<vmem>>, vector<16xf32>,
        tpu.vector_store %arg8[%swap3A_352], %gather3A_351 {strides = array<i32>} : memref<4096xf32, #tpu.memory_space<vmem>>, vector<16xf32>,
        %mul3A_354 = arith.constant 16 : i32
        %mul3A_355 = arith.muli %scan3A_135, %mul3A_354 : i32
        %mul3A_356 = arith.constant 32 : i32
        %mul3A_357 = arith.muli %mul3A_355, %mul3A_356 : i32
        %add3A_358 = arith.constant 320 : i32
        %add3A_359 = arith.addi %mul3A_357, %add3A_358 : i32
        %get3A_360 = arith.index_cast %add3A_359 : i32 to index
        %get3A_361 = tpu.vector_load %arg6[%get3A_360] {strides = array<i32>} : memref<4096xi32, #tpu.memory_space<vmem>>, vector<16xi32>,
        %gather3A_362 = tpu.vector_load_idx %arg5[%get3A_361] : memref<100000xf32, #tpu.memory_space<vmem>>[vector<16xi32>], vector<16xf32>,
        %swap3A_363 = arith.index_cast %add3A_359 : i32 to index
        %swap3A_364 = tpu.vector_load %arg8[%swap3A_363] {strides = array<i32>} : memref<4096xf32, #tpu.memory_space<vmem>>, vector<16xf32>,
        tpu.vector_store %arg8[%swap3A_363], %gather3A_362 {strides = array<i32>} : memref<4096xf32, #tpu.memory_space<vmem>>, vector<16xf32>,
        %mul3A_365 = arith.constant 16 : i32
        %mul3A_366 = arith.muli %scan3A_135, %mul3A_365 : i32
        %mul3A_367 = arith.constant 32 : i32
        %mul3A_368 = arith.muli %mul3A_366, %mul3A_367 : i32
        %add3A_369 = arith.constant 336 : i32
        %add3A_370 = arith.addi %mul3A_368, %add3A_369 : i32
        %get3A_371 = arith.index_cast %add3A_370 : i32 to index
        %get3A_372 = tpu.vector_load %arg6[%get3A_371] {strides = array<i32>} : memref<4096xi32, #tpu.memory_space<vmem>>, vector<16xi32>,
        %gather3A_373 = tpu.vector_load_idx %arg5[%get3A_372] : memref<100000xf32, #tpu.memory_space<vmem>>[vector<16xi32>], vector<16xf32>,
        %swap3A_374 = arith.index_cast %add3A_370 : i32 to index
        %swap3A_375 = tpu.vector_load %arg8[%swap3A_374] {strides = array<i32>} : memref<4096xf32, #tpu.memory_space<vmem>>, vector<16xf32>,
        tpu.vector_store %arg8[%swap3A_374], %gather3A_373 {strides = array<i32>} : memref<4096xf32, #tpu.memory_space<vmem>>, vector<16xf32>,
        %mul3A_376 = arith.constant 16 : i32
        %mul3A_377 = arith.muli %scan3A_135, %mul3A_376 : i32
        %mul3A_378 = arith.constant 32 : i32
        %mul3A_379 = arith.muli %mul3A_377, %mul3A_378 : i32
        %add3A_380 = arith.constant 352 : i32
        %add3A_381 = arith.addi %mul3A_379, %add3A_380 : i32
        %get3A_382 = arith.index_cast %add3A_381 : i32 to index
        %get3A_383 = tpu.vector_load %arg6[%get3A_382] {strides = array<i32>} : memref<4096xi32, #tpu.memory_space<vmem>>, vector<16xi32>,
        %gather3A_384 = tpu.vector_load_idx %arg5[%get3A_383] : memref<100000xf32, #tpu.memory_space<vmem>>[vector<16xi32>], vector<16xf32>,
        %swap3A_385 = arith.index_cast %add3A_381 : i32 to index
        %swap3A_386 = tpu.vector_load %arg8[%swap3A_385] {strides = array<i32>} : memref<4096xf32, #tpu.memory_space<vmem>>, vector<16xf32>,
        tpu.vector_store %arg8[%swap3A_385], %gather3A_384 {strides = array<i32>} : memref<4096xf32, #tpu.memory_space<vmem>>, vector<16xf32>,
        %mul3A_387 = arith.constant 16 : i32
        %mul3A_388 = arith.muli %scan3A_135, %mul3A_387 : i32
        %mul3A_389 = arith.constant 32 : i32
        %mul3A_390 = arith.muli %mul3A_388, %mul3A_389 : i32
        %add3A_391 = arith.constant 368 : i32
        %add3A_392 = arith.addi %mul3A_390, %add3A_391 : i32
        %get3A_393 = arith.index_cast %add3A_392 : i32 to index
        %get3A_394 = tpu.vector_load %arg6[%get3A_393] {strides = array<i32>} : memref<4096xi32, #tpu.memory_space<vmem>>, vector<16xi32>,
        %gather3A_395 = tpu.vector_load_idx %arg5[%get3A_394] : memref<100000xf32, #tpu.memory_space<vmem>>[vector<16xi32>], vector<16xf32>,
        %swap3A_396 = arith.index_cast %add3A_392 : i32 to index
        %swap3A_397 = tpu.vector_load %arg8[%swap3A_396] {strides = array<i32>} : memref<4096xf32, #tpu.memory_space<vmem>>, vector<16xf32>,
        tpu.vector_store %arg8[%swap3A_396], %gather3A_395 {strides = array<i32>} : memref<4096xf32, #tpu.memory_space<vmem>>, vector<16xf32>,
        %mul3A_398 = arith.constant 16 : i32
        %mul3A_399 = arith.muli %scan3A_135, %mul3A_398 : i32
        %mul3A_400 = arith.constant 32 : i32
        %mul3A_401 = arith.muli %mul3A_399, %mul3A_400 : i32
        %add3A_402 = arith.constant 384 : i32
        %add3A_403 = arith.addi %mul3A_401, %add3A_402 : i32
        %get3A_404 = arith.index_cast %add3A_403 : i32 to index
        %get3A_405 = tpu.vector_load %arg6[%get3A_404] {strides = array<i32>} : memref<4096xi32, #tpu.memory_space<vmem>>, vector<16xi32>,
        %gather3A_406 = tpu.vector_load_idx %arg5[%get3A_405] : memref<100000xf32, #tpu.memory_space<vmem>>[vector<16xi32>], vector<16xf32>,
        %swap3A_407 = arith.index_cast %add3A_403 : i32 to index
        %swap3A_408 = tpu.vector_load %arg8[%swap3A_407] {strides = array<i32>} : memref<4096xf32, #tpu.memory_space<vmem>>, vector<16xf32>,
        tpu.vector_store %arg8[%swap3A_407], %gather3A_406 {strides = array<i32>} : memref<4096xf32, #tpu.memory_space<vmem>>, vector<16xf32>,
        %mul3A_409 = arith.constant 16 : i32
        %mul3A_410 = arith.muli %scan3A_135, %mul3A_409 : i32
        %mul3A_411 = arith.constant 32 : i32
        %mul3A_412 = arith.muli %mul3A_410, %mul3A_411 : i32
        %add3A_413 = arith.constant 400 : i32
        %add3A_414 = arith.addi %mul3A_412, %add3A_413 : i32
        %get3A_415 = arith.index_cast %add3A_414 : i32 to index
        %get3A_416 = tpu.vector_load %arg6[%get3A_415] {strides = array<i32>} : memref<4096xi32, #tpu.memory_space<vmem>>, vector<16xi32>,
        %gather3A_417 = tpu.vector_load_idx %arg5[%get3A_416] : memref<100000xf32, #tpu.memory_space<vmem>>[vector<16xi32>], vector<16xf32>,
        %swap3A_418 = arith.index_cast %add3A_414 : i32 to index
        %swap3A_419 = tpu.vector_load %arg8[%swap3A_418] {strides = array<i32>} : memref<4096xf32, #tpu.memory_space<vmem>>, vector<16xf32>,
        tpu.vector_store %arg8[%swap3A_418], %gather3A_417 {strides = array<i32>} : memref<4096xf32, #tpu.memory_space<vmem>>, vector<16xf32>,
        %mul3A_420 = arith.constant 16 : i32
        %mul3A_421 = arith.muli %scan3A_135, %mul3A_420 : i32
        %mul3A_422 = arith.constant 32 : i32
        %mul3A_423 = arith.muli %mul3A_421, %mul3A_422 : i32
        %add3A_424 = arith.constant 416 : i32
        %add3A_425 = arith.addi %mul3A_423, %add3A_424 : i32
        %get3A_426 = arith.index_cast %add3A_425 : i32 to index
        %get3A_427 = tpu.vector_load %arg6[%get3A_426] {strides = array<i32>} : memref<4096xi32, #tpu.memory_space<vmem>>, vector<16xi32>,
        %gather3A_428 = tpu.vector_load_idx %arg5[%get3A_427] : memref<100000xf32, #tpu.memory_space<vmem>>[vector<16xi32>], vector<16xf32>,
        %swap3A_429 = arith.index_cast %add3A_425 : i32 to index
        %swap3A_430 = tpu.vector_load %arg8[%swap3A_429] {strides = array<i32>} : memref<4096xf32, #tpu.memory_space<vmem>>, vector<16xf32>,
        tpu.vector_store %arg8[%swap3A_429], %gather3A_428 {strides = array<i32>} : memref<4096xf32, #tpu.memory_space<vmem>>, vector<16xf32>,
        %mul3A_431 = arith.constant 16 : i32
        %mul3A_432 = arith.muli %scan3A_135, %mul3A_431 : i32
        %mul3A_433 = arith.constant 32 : i32
        %mul3A_434 = arith.muli %mul3A_432, %mul3A_433 : i32
        %add3A_435 = arith.constant 432 : i32
        %add3A_436 = arith.addi %mul3A_434, %add3A_435 : i32
        %get3A_437 = arith.index_cast %add3A_436 : i32 to index
        %get3A_438 = tpu.vector_load %arg6[%get3A_437] {strides = array<i32>} : memref<4096xi32, #tpu.memory_space<vmem>>, vector<16xi32>,
        %gather3A_439 = tpu.vector_load_idx %arg5[%get3A_438] : memref<100000xf32, #tpu.memory_space<vmem>>[vector<16xi32>], vector<16xf32>,
        %swap3A_440 = arith.index_cast %add3A_436 : i32 to index
        %swap3A_441 = tpu.vector_load %arg8[%swap3A_440] {strides = array<i32>} : memref<4096xf32, #tpu.memory_space<vmem>>, vector<16xf32>,
        tpu.vector_store %arg8[%swap3A_440], %gather3A_439 {strides = array<i32>} : memref<4096xf32, #tpu.memory_space<vmem>>, vector<16xf32>,
        %mul3A_442 = arith.constant 16 : i32
        %mul3A_443 = arith.muli %scan3A_135, %mul3A_442 : i32
        %mul3A_444 = arith.constant 32 : i32
        %mul3A_445 = arith.muli %mul3A_443, %mul3A_444 : i32
        %add3A_446 = arith.constant 448 : i32
        %add3A_447 = arith.addi %mul3A_445, %add3A_446 : i32
        %get3A_448 = arith.index_cast %add3A_447 : i32 to index
        %get3A_449 = tpu.vector_load %arg6[%get3A_448] {strides = array<i32>} : memref<4096xi32, #tpu.memory_space<vmem>>, vector<16xi32>,
        %gather3A_450 = tpu.vector_load_idx %arg5[%get3A_449] : memref<100000xf32, #tpu.memory_space<vmem>>[vector<16xi32>], vector<16xf32>,
        %swap3A_451 = arith.index_cast %add3A_447 : i32 to index
        %swap3A_452 = tpu.vector_load %arg8[%swap3A_451] {strides = array<i32>} : memref<4096xf32, #tpu.memory_space<vmem>>, vector<16xf32>,
        tpu.vector_store %arg8[%swap3A_451], %gather3A_450 {strides = array<i32>} : memref<4096xf32, #tpu.memory_space<vmem>>, vector<16xf32>,
        %mul3A_453 = arith.constant 16 : i32
        %mul3A_454 = arith.muli %scan3A_135, %mul3A_453 : i32
        %mul3A_455 = arith.constant 32 : i32
        %mul3A_456 = arith.muli %mul3A_454, %mul3A_455 : i32
        %add3A_457 = arith.constant 464 : i32
        %add3A_458 = arith.addi %mul3A_456, %add3A_457 : i32
        %get3A_459 = arith.index_cast %add3A_458 : i32 to index
        %get3A_460 = tpu.vector_load %arg6[%get3A_459] {strides = array<i32>} : memref<4096xi32, #tpu.memory_space<vmem>>, vector<16xi32>,
        %gather3A_461 = tpu.vector_load_idx %arg5[%get3A_460] : memref<100000xf32, #tpu.memory_space<vmem>>[vector<16xi32>], vector<16xf32>,
        %swap3A_462 = arith.index_cast %add3A_458 : i32 to index
        %swap3A_463 = tpu.vector_load %arg8[%swap3A_462] {strides = array<i32>} : memref<4096xf32, #tpu.memory_space<vmem>>, vector<16xf32>,
        tpu.vector_store %arg8[%swap3A_462], %gather3A_461 {strides = array<i32>} : memref<4096xf32, #tpu.memory_space<vmem>>, vector<16xf32>,
        %mul3A_464 = arith.constant 16 : i32
        %mul3A_465 = arith.muli %scan3A_135, %mul3A_464 : i32
        %mul3A_466 = arith.constant 32 : i32
        %mul3A_467 = arith.muli %mul3A_465, %mul3A_466 : i32
        %add3A_468 = arith.constant 480 : i32
        %add3A_469 = arith.addi %mul3A_467, %add3A_468 : i32
        %get3A_470 = arith.index_cast %add3A_469 : i32 to index
        %get3A_471 = tpu.vector_load %arg6[%get3A_470] {strides = array<i32>} : memref<4096xi32, #tpu.memory_space<vmem>>, vector<16xi32>,
        %gather3A_472 = tpu.vector_load_idx %arg5[%get3A_471] : memref<100000xf32, #tpu.memory_space<vmem>>[vector<16xi32>], vector<16xf32>,
        %swap3A_473 = arith.index_cast %add3A_469 : i32 to index
        %swap3A_474 = tpu.vector_load %arg8[%swap3A_473] {strides = array<i32>} : memref<4096xf32, #tpu.memory_space<vmem>>, vector<16xf32>,
        tpu.vector_store %arg8[%swap3A_473], %gather3A_472 {strides = array<i32>} : memref<4096xf32, #tpu.memory_space<vmem>>, vector<16xf32>,
        %mul3A_475 = arith.constant 16 : i32
        %mul3A_476 = arith.muli %scan3A_135, %mul3A_475 : i32
        %mul3A_477 = arith.constant 32 : i32
        %mul3A_478 = arith.muli %mul3A_476, %mul3A_477 : i32
        %add3A_479 = arith.constant 496 : i32
        %add3A_480 = arith.addi %mul3A_478, %add3A_479 : i32
        %get3A_481 = arith.index_cast %add3A_480 : i32 to index
        %get3A_482 = tpu.vector_load %arg6[%get3A_481] {strides = array<i32>} : memref<4096xi32, #tpu.memory_space<vmem>>, vector<16xi32>,
        %gather3A_483 = tpu.vector_load_idx %arg5[%get3A_482] : memref<100000xf32, #tpu.memory_space<vmem>>[vector<16xi32>], vector<16xf32>,
        %swap3A_484 = arith.index_cast %add3A_480 : i32 to index
        %swap3A_485 = tpu.vector_load %arg8[%swap3A_484] {strides = array<i32>} : memref<4096xf32, #tpu.memory_space<vmem>>, vector<16xf32>,
        tpu.vector_store %arg8[%swap3A_484], %gather3A_483 {strides = array<i32>} : memref<4096xf32, #tpu.memory_space<vmem>>, vector<16xf32>,
        %scan3A_486 = arith.constant 0 : i32
        scf.yield %scan3A_486 : i32
      }
      %scan3A_90 = arith.constant 8 : i32
      %dma_start3A_91 = arith.constant 8192 : i32
      %dma_start3A_92 = tpu.memref_slice %arg4[%add3A_11, %dma_start3A_91] : memref<832x16384xf32, #tpu.memory_space<hbm>> -> memref<1x4096xf32, #tpu.memory_space<hbm>>
      %dma_start3A_93 = tpu.memref_squeeze %dma_start3A_92 : memref<1x4096xf32, #tpu.memory_space<hbm>> -> memref<4096xf32, #tpu.memory_space<hbm>>
      %dma_start3A_94 = arith.constant 8192 : i32
      %dma_start3A_95 = tpu.memref_slice %arg4[%add3A_11, %dma_start3A_94] : memref<832x16384xf32, #tpu.memory_space<hbm>> -> memref<1x4096xf32, #tpu.memory_space<hbm>>
      %dma_start3A_96 = tpu.memref_squeeze %dma_start3A_95 : memref<1x4096xf32, #tpu.memory_space<hbm>> -> memref<4096xf32, #tpu.memory_space<hbm>>
      tpu.enqueue_dma source(%arg8 : memref<4096xf32, #tpu.memory_space<vmem>>) target(%dma_start3A_96 : memref<4096xf32, #tpu.memory_space<hbm>>) target_semaphore(%arg12 : memref<!tpu.dma_semaphore, #tpu.memory_space<semaphore_mem>>)
      %dma_wait3A_97 = arith.constant 12288 : i32
      %dma_wait3A_98 = tpu.memref_slice %arg3[%scan3A_7, %dma_wait3A_97] : memref<26x16384xi32, #tpu.memory_space<hbm>> -> memref<1x4096xi32, #tpu.memory_space<hbm>>
      %dma_wait3A_99 = tpu.memref_squeeze %dma_wait3A_98 : memref<1x4096xi32, #tpu.memory_space<hbm>> -> memref<4096xi32, #tpu.memory_space<hbm>>
      %dma_wait3A_100 = arith.constant 12288 : i32
      %dma_wait3A_101 = tpu.memref_slice %arg3[%scan3A_7, %dma_wait3A_100] : memref<26x16384xi32, #tpu.memory_space<hbm>> -> memref<1x4096xi32, #tpu.memory_space<hbm>>
      %dma_wait3A_102 = tpu.memref_squeeze %dma_wait3A_101 : memref<1x4096xi32, #tpu.memory_space<hbm>> -> memref<4096xi32, #tpu.memory_space<hbm>>
      tpu.wait_dma2 semaphore(%arg11 : memref<!tpu.dma_semaphore, #tpu.memory_space<semaphore_mem>>) src(%dma_wait3A_102 : memref<4096xi32, #tpu.memory_space<hbm>>) dst(%arg7 : memref<4096xi32, #tpu.memory_space<vmem>>)
      %dma_wait3A_103 = arith.constant 4096 : i32
      %dma_wait3A_104 = tpu.memref_slice %arg4[%add3A_11, %dma_wait3A_103] : memref<832x16384xf32, #tpu.memory_space<hbm>> -> memref<1x4096xf32, #tpu.memory_space<hbm>>
      %dma_wait3A_105 = tpu.memref_squeeze %dma_wait3A_104 : memref<1x4096xf32, #tpu.memory_space<hbm>> -> memref<4096xf32, #tpu.memory_space<hbm>>
      %dma_wait3A_106 = arith.constant 4096 : i32
      %dma_wait3A_107 = tpu.memref_slice %arg4[%add3A_11, %dma_wait3A_106] : memref<832x16384xf32, #tpu.memory_space<hbm>> -> memref<1x4096xf32, #tpu.memory_space<hbm>>
      %dma_wait3A_108 = tpu.memref_squeeze %dma_wait3A_107 : memref<1x4096xf32, #tpu.memory_space<hbm>> -> memref<4096xf32, #tpu.memory_space<hbm>>
      tpu.wait_dma2 semaphore(%arg13 : memref<!tpu.dma_semaphore, #tpu.memory_space<semaphore_mem>>) src(%arg9 : memref<4096xf32, #tpu.memory_space<vmem>>) dst(%dma_wait3A_108 : memref<4096xf32, #tpu.memory_space<hbm>>)
      %scan3A_109 = arith.constant 0 : i32
      %scan3A_110 = arith.constant 0 : i32
      %scan3A_111 = arith.constant 8 : i32
      %scan3A_112 = arith.addi %scan3A_110, %scan3A_111 : i32
      %scan3A_113 = arith.constant 1 : i32
      %scan3A_114 = scf.for %scan3A_135 = %scan3A_110 to %scan3A_112 step %scan3A_113 iter_args(%scan3A_136 = %scan3A_109) -> (i32)  : i32 {
        %mul3A_137 = arith.constant 16 : i32
        %mul3A_138 = arith.muli %scan3A_135, %mul3A_137 : i32
        %mul3A_139 = arith.constant 32 : i32
        %mul3A_140 = arith.muli %mul3A_138, %mul3A_139 : i32
        %add3A_141 = arith.constant 0 : i32
        %add3A_142 = arith.addi %mul3A_140, %add3A_141 : i32
        %get3A = arith.index_cast %add3A_142 : i32 to index
        %get3A_143 = tpu.vector_load %arg7[%get3A] {strides = array<i32>} : memref<4096xi32, #tpu.memory_space<vmem>>, vector<16xi32>,
        %gather3A = tpu.vector_load_idx %arg5[%get3A_143] : memref<100000xf32, #tpu.memory_space<vmem>>[vector<16xi32>], vector<16xf32>,
        %swap3A = arith.index_cast %add3A_142 : i32 to index
        %swap3A_144 = tpu.vector_load %arg9[%swap3A] {strides = array<i32>} : memref<4096xf32, #tpu.memory_space<vmem>>, vector<16xf32>,
        tpu.vector_store %arg9[%swap3A], %gather3A {strides = array<i32>} : memref<4096xf32, #tpu.memory_space<vmem>>, vector<16xf32>,
        %mul3A_145 = arith.constant 16 : i32
        %mul3A_146 = arith.muli %scan3A_135, %mul3A_145 : i32
        %mul3A_147 = arith.constant 32 : i32
        %mul3A_148 = arith.muli %mul3A_146, %mul3A_147 : i32
        %add3A_149 = arith.constant 16 : i32
        %add3A_150 = arith.addi %mul3A_148, %add3A_149 : i32
        %get3A_151 = arith.index_cast %add3A_150 : i32 to index
        %get3A_152 = tpu.vector_load %arg7[%get3A_151] {strides = array<i32>} : memref<4096xi32, #tpu.memory_space<vmem>>, vector<16xi32>,
        %gather3A_153 = tpu.vector_load_idx %arg5[%get3A_152] : memref<100000xf32, #tpu.memory_space<vmem>>[vector<16xi32>], vector<16xf32>,
        %swap3A_154 = arith.index_cast %add3A_150 : i32 to index
        %swap3A_155 = tpu.vector_load %arg9[%swap3A_154] {strides = array<i32>} : memref<4096xf32, #tpu.memory_space<vmem>>, vector<16xf32>,
        tpu.vector_store %arg9[%swap3A_154], %gather3A_153 {strides = array<i32>} : memref<4096xf32, #tpu.memory_space<vmem>>, vector<16xf32>,
        %mul3A_156 = arith.constant 16 : i32
        %mul3A_157 = arith.muli %scan3A_135, %mul3A_156 : i32
        %mul3A_158 = arith.constant 32 : i32
        %mul3A_159 = arith.muli %mul3A_157, %mul3A_158 : i32
        %add3A_160 = arith.constant 32 : i32
        %add3A_161 = arith.addi %mul3A_159, %add3A_160 : i32
        %get3A_162 = arith.index_cast %add3A_161 : i32 to index
        %get3A_163 = tpu.vector_load %arg7[%get3A_162] {strides = array<i32>} : memref<4096xi32, #tpu.memory_space<vmem>>, vector<16xi32>,
        %gather3A_164 = tpu.vector_load_idx %arg5[%get3A_163] : memref<100000xf32, #tpu.memory_space<vmem>>[vector<16xi32>], vector<16xf32>,
        %swap3A_165 = arith.index_cast %add3A_161 : i32 to index
        %swap3A_166 = tpu.vector_load %arg9[%swap3A_165] {strides = array<i32>} : memref<4096xf32, #tpu.memory_space<vmem>>, vector<16xf32>,
        tpu.vector_store %arg9[%swap3A_165], %gather3A_164 {strides = array<i32>} : memref<4096xf32, #tpu.memory_space<vmem>>, vector<16xf32>,
        %mul3A_167 = arith.constant 16 : i32
        %mul3A_168 = arith.muli %scan3A_135, %mul3A_167 : i32
        %mul3A_169 = arith.constant 32 : i32
        %mul3A_170 = arith.muli %mul3A_168, %mul3A_169 : i32
        %add3A_171 = arith.constant 48 : i32
        %add3A_172 = arith.addi %mul3A_170, %add3A_171 : i32
        %get3A_173 = arith.index_cast %add3A_172 : i32 to index
        %get3A_174 = tpu.vector_load %arg7[%get3A_173] {strides = array<i32>} : memref<4096xi32, #tpu.memory_space<vmem>>, vector<16xi32>,
        %gather3A_175 = tpu.vector_load_idx %arg5[%get3A_174] : memref<100000xf32, #tpu.memory_space<vmem>>[vector<16xi32>], vector<16xf32>,
        %swap3A_176 = arith.index_cast %add3A_172 : i32 to index
        %swap3A_177 = tpu.vector_load %arg9[%swap3A_176] {strides = array<i32>} : memref<4096xf32, #tpu.memory_space<vmem>>, vector<16xf32>,
        tpu.vector_store %arg9[%swap3A_176], %gather3A_175 {strides = array<i32>} : memref<4096xf32, #tpu.memory_space<vmem>>, vector<16xf32>,
        %mul3A_178 = arith.constant 16 : i32
        %mul3A_179 = arith.muli %scan3A_135, %mul3A_178 : i32
        %mul3A_180 = arith.constant 32 : i32
        %mul3A_181 = arith.muli %mul3A_179, %mul3A_180 : i32
        %add3A_182 = arith.constant 64 : i32
        %add3A_183 = arith.addi %mul3A_181, %add3A_182 : i32
        %get3A_184 = arith.index_cast %add3A_183 : i32 to index
        %get3A_185 = tpu.vector_load %arg7[%get3A_184] {strides = array<i32>} : memref<4096xi32, #tpu.memory_space<vmem>>, vector<16xi32>,
        %gather3A_186 = tpu.vector_load_idx %arg5[%get3A_185] : memref<100000xf32, #tpu.memory_space<vmem>>[vector<16xi32>], vector<16xf32>,
        %swap3A_187 = arith.index_cast %add3A_183 : i32 to index
        %swap3A_188 = tpu.vector_load %arg9[%swap3A_187] {strides = array<i32>} : memref<4096xf32, #tpu.memory_space<vmem>>, vector<16xf32>,
        tpu.vector_store %arg9[%swap3A_187], %gather3A_186 {strides = array<i32>} : memref<4096xf32, #tpu.memory_space<vmem>>, vector<16xf32>,
        %mul3A_189 = arith.constant 16 : i32
        %mul3A_190 = arith.muli %scan3A_135, %mul3A_189 : i32
        %mul3A_191 = arith.constant 32 : i32
        %mul3A_192 = arith.muli %mul3A_190, %mul3A_191 : i32
        %add3A_193 = arith.constant 80 : i32
        %add3A_194 = arith.addi %mul3A_192, %add3A_193 : i32
        %get3A_195 = arith.index_cast %add3A_194 : i32 to index
        %get3A_196 = tpu.vector_load %arg7[%get3A_195] {strides = array<i32>} : memref<4096xi32, #tpu.memory_space<vmem>>, vector<16xi32>,
        %gather3A_197 = tpu.vector_load_idx %arg5[%get3A_196] : memref<100000xf32, #tpu.memory_space<vmem>>[vector<16xi32>], vector<16xf32>,
        %swap3A_198 = arith.index_cast %add3A_194 : i32 to index
        %swap3A_199 = tpu.vector_load %arg9[%swap3A_198] {strides = array<i32>} : memref<4096xf32, #tpu.memory_space<vmem>>, vector<16xf32>,
        tpu.vector_store %arg9[%swap3A_198], %gather3A_197 {strides = array<i32>} : memref<4096xf32, #tpu.memory_space<vmem>>, vector<16xf32>,
        %mul3A_200 = arith.constant 16 : i32
        %mul3A_201 = arith.muli %scan3A_135, %mul3A_200 : i32
        %mul3A_202 = arith.constant 32 : i32
        %mul3A_203 = arith.muli %mul3A_201, %mul3A_202 : i32
        %add3A_204 = arith.constant 96 : i32
        %add3A_205 = arith.addi %mul3A_203, %add3A_204 : i32
        %get3A_206 = arith.index_cast %add3A_205 : i32 to index
        %get3A_207 = tpu.vector_load %arg7[%get3A_206] {strides = array<i32>} : memref<4096xi32, #tpu.memory_space<vmem>>, vector<16xi32>,
        %gather3A_208 = tpu.vector_load_idx %arg5[%get3A_207] : memref<100000xf32, #tpu.memory_space<vmem>>[vector<16xi32>], vector<16xf32>,
        %swap3A_209 = arith.index_cast %add3A_205 : i32 to index
        %swap3A_210 = tpu.vector_load %arg9[%swap3A_209] {strides = array<i32>} : memref<4096xf32, #tpu.memory_space<vmem>>, vector<16xf32>,
        tpu.vector_store %arg9[%swap3A_209], %gather3A_208 {strides = array<i32>} : memref<4096xf32, #tpu.memory_space<vmem>>, vector<16xf32>,
        %mul3A_211 = arith.constant 16 : i32
        %mul3A_212 = arith.muli %scan3A_135, %mul3A_211 : i32
        %mul3A_213 = arith.constant 32 : i32
        %mul3A_214 = arith.muli %mul3A_212, %mul3A_213 : i32
        %add3A_215 = arith.constant 112 : i32
        %add3A_216 = arith.addi %mul3A_214, %add3A_215 : i32
        %get3A_217 = arith.index_cast %add3A_216 : i32 to index
        %get3A_218 = tpu.vector_load %arg7[%get3A_217] {strides = array<i32>} : memref<4096xi32, #tpu.memory_space<vmem>>, vector<16xi32>,
        %gather3A_219 = tpu.vector_load_idx %arg5[%get3A_218] : memref<100000xf32, #tpu.memory_space<vmem>>[vector<16xi32>], vector<16xf32>,
        %swap3A_220 = arith.index_cast %add3A_216 : i32 to index
        %swap3A_221 = tpu.vector_load %arg9[%swap3A_220] {strides = array<i32>} : memref<4096xf32, #tpu.memory_space<vmem>>, vector<16xf32>,
        tpu.vector_store %arg9[%swap3A_220], %gather3A_219 {strides = array<i32>} : memref<4096xf32, #tpu.memory_space<vmem>>, vector<16xf32>,
        %mul3A_222 = arith.constant 16 : i32
        %mul3A_223 = arith.muli %scan3A_135, %mul3A_222 : i32
        %mul3A_224 = arith.constant 32 : i32
        %mul3A_225 = arith.muli %mul3A_223, %mul3A_224 : i32
        %add3A_226 = arith.constant 128 : i32
        %add3A_227 = arith.addi %mul3A_225, %add3A_226 : i32
        %get3A_228 = arith.index_cast %add3A_227 : i32 to index
        %get3A_229 = tpu.vector_load %arg7[%get3A_228] {strides = array<i32>} : memref<4096xi32, #tpu.memory_space<vmem>>, vector<16xi32>,
        %gather3A_230 = tpu.vector_load_idx %arg5[%get3A_229] : memref<100000xf32, #tpu.memory_space<vmem>>[vector<16xi32>], vector<16xf32>,
        %swap3A_231 = arith.index_cast %add3A_227 : i32 to index
        %swap3A_232 = tpu.vector_load %arg9[%swap3A_231] {strides = array<i32>} : memref<4096xf32, #tpu.memory_space<vmem>>, vector<16xf32>,
        tpu.vector_store %arg9[%swap3A_231], %gather3A_230 {strides = array<i32>} : memref<4096xf32, #tpu.memory_space<vmem>>, vector<16xf32>,
        %mul3A_233 = arith.constant 16 : i32
        %mul3A_234 = arith.muli %scan3A_135, %mul3A_233 : i32
        %mul3A_235 = arith.constant 32 : i32
        %mul3A_236 = arith.muli %mul3A_234, %mul3A_235 : i32
        %add3A_237 = arith.constant 144 : i32
        %add3A_238 = arith.addi %mul3A_236, %add3A_237 : i32
        %get3A_239 = arith.index_cast %add3A_238 : i32 to index
        %get3A_240 = tpu.vector_load %arg7[%get3A_239] {strides = array<i32>} : memref<4096xi32, #tpu.memory_space<vmem>>, vector<16xi32>,
        %gather3A_241 = tpu.vector_load_idx %arg5[%get3A_240] : memref<100000xf32, #tpu.memory_space<vmem>>[vector<16xi32>], vector<16xf32>,
        %swap3A_242 = arith.index_cast %add3A_238 : i32 to index
        %swap3A_243 = tpu.vector_load %arg9[%swap3A_242] {strides = array<i32>} : memref<4096xf32, #tpu.memory_space<vmem>>, vector<16xf32>,
        tpu.vector_store %arg9[%swap3A_242], %gather3A_241 {strides = array<i32>} : memref<4096xf32, #tpu.memory_space<vmem>>, vector<16xf32>,
        %mul3A_244 = arith.constant 16 : i32
        %mul3A_245 = arith.muli %scan3A_135, %mul3A_244 : i32
        %mul3A_246 = arith.constant 32 : i32
        %mul3A_247 = arith.muli %mul3A_245, %mul3A_246 : i32
        %add3A_248 = arith.constant 160 : i32
        %add3A_249 = arith.addi %mul3A_247, %add3A_248 : i32
        %get3A_250 = arith.index_cast %add3A_249 : i32 to index
        %get3A_251 = tpu.vector_load %arg7[%get3A_250] {strides = array<i32>} : memref<4096xi32, #tpu.memory_space<vmem>>, vector<16xi32>,
        %gather3A_252 = tpu.vector_load_idx %arg5[%get3A_251] : memref<100000xf32, #tpu.memory_space<vmem>>[vector<16xi32>], vector<16xf32>,
        %swap3A_253 = arith.index_cast %add3A_249 : i32 to index
        %swap3A_254 = tpu.vector_load %arg9[%swap3A_253] {strides = array<i32>} : memref<4096xf32, #tpu.memory_space<vmem>>, vector<16xf32>,
        tpu.vector_store %arg9[%swap3A_253], %gather3A_252 {strides = array<i32>} : memref<4096xf32, #tpu.memory_space<vmem>>, vector<16xf32>,
        %mul3A_255 = arith.constant 16 : i32
        %mul3A_256 = arith.muli %scan3A_135, %mul3A_255 : i32
        %mul3A_257 = arith.constant 32 : i32
        %mul3A_258 = arith.muli %mul3A_256, %mul3A_257 : i32
        %add3A_259 = arith.constant 176 : i32
        %add3A_260 = arith.addi %mul3A_258, %add3A_259 : i32
        %get3A_261 = arith.index_cast %add3A_260 : i32 to index
        %get3A_262 = tpu.vector_load %arg7[%get3A_261] {strides = array<i32>} : memref<4096xi32, #tpu.memory_space<vmem>>, vector<16xi32>,
        %gather3A_263 = tpu.vector_load_idx %arg5[%get3A_262] : memref<100000xf32, #tpu.memory_space<vmem>>[vector<16xi32>], vector<16xf32>,
        %swap3A_264 = arith.index_cast %add3A_260 : i32 to index
        %swap3A_265 = tpu.vector_load %arg9[%swap3A_264] {strides = array<i32>} : memref<4096xf32, #tpu.memory_space<vmem>>, vector<16xf32>,
        tpu.vector_store %arg9[%swap3A_264], %gather3A_263 {strides = array<i32>} : memref<4096xf32, #tpu.memory_space<vmem>>, vector<16xf32>,
        %mul3A_266 = arith.constant 16 : i32
        %mul3A_267 = arith.muli %scan3A_135, %mul3A_266 : i32
        %mul3A_268 = arith.constant 32 : i32
        %mul3A_269 = arith.muli %mul3A_267, %mul3A_268 : i32
        %add3A_270 = arith.constant 192 : i32
        %add3A_271 = arith.addi %mul3A_269, %add3A_270 : i32
        %get3A_272 = arith.index_cast %add3A_271 : i32 to index
        %get3A_273 = tpu.vector_load %arg7[%get3A_272] {strides = array<i32>} : memref<4096xi32, #tpu.memory_space<vmem>>, vector<16xi32>,
        %gather3A_274 = tpu.vector_load_idx %arg5[%get3A_273] : memref<100000xf32, #tpu.memory_space<vmem>>[vector<16xi32>], vector<16xf32>,
        %swap3A_275 = arith.index_cast %add3A_271 : i32 to index
        %swap3A_276 = tpu.vector_load %arg9[%swap3A_275] {strides = array<i32>} : memref<4096xf32, #tpu.memory_space<vmem>>, vector<16xf32>,
        tpu.vector_store %arg9[%swap3A_275], %gather3A_274 {strides = array<i32>} : memref<4096xf32, #tpu.memory_space<vmem>>, vector<16xf32>,
        %mul3A_277 = arith.constant 16 : i32
        %mul3A_278 = arith.muli %scan3A_135, %mul3A_277 : i32
        %mul3A_279 = arith.constant 32 : i32
        %mul3A_280 = arith.muli %mul3A_278, %mul3A_279 : i32
        %add3A_281 = arith.constant 208 : i32
        %add3A_282 = arith.addi %mul3A_280, %add3A_281 : i32
        %get3A_283 = arith.index_cast %add3A_282 : i32 to index
        %get3A_284 = tpu.vector_load %arg7[%get3A_283] {strides = array<i32>} : memref<4096xi32, #tpu.memory_space<vmem>>, vector<16xi32>,
        %gather3A_285 = tpu.vector_load_idx %arg5[%get3A_284] : memref<100000xf32, #tpu.memory_space<vmem>>[vector<16xi32>], vector<16xf32>,
        %swap3A_286 = arith.index_cast %add3A_282 : i32 to index
        %swap3A_287 = tpu.vector_load %arg9[%swap3A_286] {strides = array<i32>} : memref<4096xf32, #tpu.memory_space<vmem>>, vector<16xf32>,
        tpu.vector_store %arg9[%swap3A_286], %gather3A_285 {strides = array<i32>} : memref<4096xf32, #tpu.memory_space<vmem>>, vector<16xf32>,
        %mul3A_288 = arith.constant 16 : i32
        %mul3A_289 = arith.muli %scan3A_135, %mul3A_288 : i32
        %mul3A_290 = arith.constant 32 : i32
        %mul3A_291 = arith.muli %mul3A_289, %mul3A_290 : i32
        %add3A_292 = arith.constant 224 : i32
        %add3A_293 = arith.addi %mul3A_291, %add3A_292 : i32
        %get3A_294 = arith.index_cast %add3A_293 : i32 to index
        %get3A_295 = tpu.vector_load %arg7[%get3A_294] {strides = array<i32>} : memref<4096xi32, #tpu.memory_space<vmem>>, vector<16xi32>,
        %gather3A_296 = tpu.vector_load_idx %arg5[%get3A_295] : memref<100000xf32, #tpu.memory_space<vmem>>[vector<16xi32>], vector<16xf32>,
        %swap3A_297 = arith.index_cast %add3A_293 : i32 to index
        %swap3A_298 = tpu.vector_load %arg9[%swap3A_297] {strides = array<i32>} : memref<4096xf32, #tpu.memory_space<vmem>>, vector<16xf32>,
        tpu.vector_store %arg9[%swap3A_297], %gather3A_296 {strides = array<i32>} : memref<4096xf32, #tpu.memory_space<vmem>>, vector<16xf32>,
        %mul3A_299 = arith.constant 16 : i32
        %mul3A_300 = arith.muli %scan3A_135, %mul3A_299 : i32
        %mul3A_301 = arith.constant 32 : i32
        %mul3A_302 = arith.muli %mul3A_300, %mul3A_301 : i32
        %add3A_303 = arith.constant 240 : i32
        %add3A_304 = arith.addi %mul3A_302, %add3A_303 : i32
        %get3A_305 = arith.index_cast %add3A_304 : i32 to index
        %get3A_306 = tpu.vector_load %arg7[%get3A_305] {strides = array<i32>} : memref<4096xi32, #tpu.memory_space<vmem>>, vector<16xi32>,
        %gather3A_307 = tpu.vector_load_idx %arg5[%get3A_306] : memref<100000xf32, #tpu.memory_space<vmem>>[vector<16xi32>], vector<16xf32>,
        %swap3A_308 = arith.index_cast %add3A_304 : i32 to index
        %swap3A_309 = tpu.vector_load %arg9[%swap3A_308] {strides = array<i32>} : memref<4096xf32, #tpu.memory_space<vmem>>, vector<16xf32>,
        tpu.vector_store %arg9[%swap3A_308], %gather3A_307 {strides = array<i32>} : memref<4096xf32, #tpu.memory_space<vmem>>, vector<16xf32>,
        %mul3A_310 = arith.constant 16 : i32
        %mul3A_311 = arith.muli %scan3A_135, %mul3A_310 : i32
        %mul3A_312 = arith.constant 32 : i32
        %mul3A_313 = arith.muli %mul3A_311, %mul3A_312 : i32
        %add3A_314 = arith.constant 256 : i32
        %add3A_315 = arith.addi %mul3A_313, %add3A_314 : i32
        %get3A_316 = arith.index_cast %add3A_315 : i32 to index
        %get3A_317 = tpu.vector_load %arg7[%get3A_316] {strides = array<i32>} : memref<4096xi32, #tpu.memory_space<vmem>>, vector<16xi32>,
        %gather3A_318 = tpu.vector_load_idx %arg5[%get3A_317] : memref<100000xf32, #tpu.memory_space<vmem>>[vector<16xi32>], vector<16xf32>,
        %swap3A_319 = arith.index_cast %add3A_315 : i32 to index
        %swap3A_320 = tpu.vector_load %arg9[%swap3A_319] {strides = array<i32>} : memref<4096xf32, #tpu.memory_space<vmem>>, vector<16xf32>,
        tpu.vector_store %arg9[%swap3A_319], %gather3A_318 {strides = array<i32>} : memref<4096xf32, #tpu.memory_space<vmem>>, vector<16xf32>,
        %mul3A_321 = arith.constant 16 : i32
        %mul3A_322 = arith.muli %scan3A_135, %mul3A_321 : i32
        %mul3A_323 = arith.constant 32 : i32
        %mul3A_324 = arith.muli %mul3A_322, %mul3A_323 : i32
        %add3A_325 = arith.constant 272 : i32
        %add3A_326 = arith.addi %mul3A_324, %add3A_325 : i32
        %get3A_327 = arith.index_cast %add3A_326 : i32 to index
        %get3A_328 = tpu.vector_load %arg7[%get3A_327] {strides = array<i32>} : memref<4096xi32, #tpu.memory_space<vmem>>, vector<16xi32>,
        %gather3A_329 = tpu.vector_load_idx %arg5[%get3A_328] : memref<100000xf32, #tpu.memory_space<vmem>>[vector<16xi32>], vector<16xf32>,
        %swap3A_330 = arith.index_cast %add3A_326 : i32 to index
        %swap3A_331 = tpu.vector_load %arg9[%swap3A_330] {strides = array<i32>} : memref<4096xf32, #tpu.memory_space<vmem>>, vector<16xf32>,
        tpu.vector_store %arg9[%swap3A_330], %gather3A_329 {strides = array<i32>} : memref<4096xf32, #tpu.memory_space<vmem>>, vector<16xf32>,
        %mul3A_332 = arith.constant 16 : i32
        %mul3A_333 = arith.muli %scan3A_135, %mul3A_332 : i32
        %mul3A_334 = arith.constant 32 : i32
        %mul3A_335 = arith.muli %mul3A_333, %mul3A_334 : i32
        %add3A_336 = arith.constant 288 : i32
        %add3A_337 = arith.addi %mul3A_335, %add3A_336 : i32
        %get3A_338 = arith.index_cast %add3A_337 : i32 to index
        %get3A_339 = tpu.vector_load %arg7[%get3A_338] {strides = array<i32>} : memref<4096xi32, #tpu.memory_space<vmem>>, vector<16xi32>,
        %gather3A_340 = tpu.vector_load_idx %arg5[%get3A_339] : memref<100000xf32, #tpu.memory_space<vmem>>[vector<16xi32>], vector<16xf32>,
        %swap3A_341 = arith.index_cast %add3A_337 : i32 to index
        %swap3A_342 = tpu.vector_load %arg9[%swap3A_341] {strides = array<i32>} : memref<4096xf32, #tpu.memory_space<vmem>>, vector<16xf32>,
        tpu.vector_store %arg9[%swap3A_341], %gather3A_340 {strides = array<i32>} : memref<4096xf32, #tpu.memory_space<vmem>>, vector<16xf32>,
        %mul3A_343 = arith.constant 16 : i32
        %mul3A_344 = arith.muli %scan3A_135, %mul3A_343 : i32
        %mul3A_345 = arith.constant 32 : i32
        %mul3A_346 = arith.muli %mul3A_344, %mul3A_345 : i32
        %add3A_347 = arith.constant 304 : i32
        %add3A_348 = arith.addi %mul3A_346, %add3A_347 : i32
        %get3A_349 = arith.index_cast %add3A_348 : i32 to index
        %get3A_350 = tpu.vector_load %arg7[%get3A_349] {strides = array<i32>} : memref<4096xi32, #tpu.memory_space<vmem>>, vector<16xi32>,
        %gather3A_351 = tpu.vector_load_idx %arg5[%get3A_350] : memref<100000xf32, #tpu.memory_space<vmem>>[vector<16xi32>], vector<16xf32>,
        %swap3A_352 = arith.index_cast %add3A_348 : i32 to index
        %swap3A_353 = tpu.vector_load %arg9[%swap3A_352] {strides = array<i32>} : memref<4096xf32, #tpu.memory_space<vmem>>, vector<16xf32>,
        tpu.vector_store %arg9[%swap3A_352], %gather3A_351 {strides = array<i32>} : memref<4096xf32, #tpu.memory_space<vmem>>, vector<16xf32>,
        %mul3A_354 = arith.constant 16 : i32
        %mul3A_355 = arith.muli %scan3A_135, %mul3A_354 : i32
        %mul3A_356 = arith.constant 32 : i32
        %mul3A_357 = arith.muli %mul3A_355, %mul3A_356 : i32
        %add3A_358 = arith.constant 320 : i32
        %add3A_359 = arith.addi %mul3A_357, %add3A_358 : i32
        %get3A_360 = arith.index_cast %add3A_359 : i32 to index
        %get3A_361 = tpu.vector_load %arg7[%get3A_360] {strides = array<i32>} : memref<4096xi32, #tpu.memory_space<vmem>>, vector<16xi32>,
        %gather3A_362 = tpu.vector_load_idx %arg5[%get3A_361] : memref<100000xf32, #tpu.memory_space<vmem>>[vector<16xi32>], vector<16xf32>,
        %swap3A_363 = arith.index_cast %add3A_359 : i32 to index
        %swap3A_364 = tpu.vector_load %arg9[%swap3A_363] {strides = array<i32>} : memref<4096xf32, #tpu.memory_space<vmem>>, vector<16xf32>,
        tpu.vector_store %arg9[%swap3A_363], %gather3A_362 {strides = array<i32>} : memref<4096xf32, #tpu.memory_space<vmem>>, vector<16xf32>,
        %mul3A_365 = arith.constant 16 : i32
        %mul3A_366 = arith.muli %scan3A_135, %mul3A_365 : i32
        %mul3A_367 = arith.constant 32 : i32
        %mul3A_368 = arith.muli %mul3A_366, %mul3A_367 : i32
        %add3A_369 = arith.constant 336 : i32
        %add3A_370 = arith.addi %mul3A_368, %add3A_369 : i32
        %get3A_371 = arith.index_cast %add3A_370 : i32 to index
        %get3A_372 = tpu.vector_load %arg7[%get3A_371] {strides = array<i32>} : memref<4096xi32, #tpu.memory_space<vmem>>, vector<16xi32>,
        %gather3A_373 = tpu.vector_load_idx %arg5[%get3A_372] : memref<100000xf32, #tpu.memory_space<vmem>>[vector<16xi32>], vector<16xf32>,
        %swap3A_374 = arith.index_cast %add3A_370 : i32 to index
        %swap3A_375 = tpu.vector_load %arg9[%swap3A_374] {strides = array<i32>} : memref<4096xf32, #tpu.memory_space<vmem>>, vector<16xf32>,
        tpu.vector_store %arg9[%swap3A_374], %gather3A_373 {strides = array<i32>} : memref<4096xf32, #tpu.memory_space<vmem>>, vector<16xf32>,
        %mul3A_376 = arith.constant 16 : i32
        %mul3A_377 = arith.muli %scan3A_135, %mul3A_376 : i32
        %mul3A_378 = arith.constant 32 : i32
        %mul3A_379 = arith.muli %mul3A_377, %mul3A_378 : i32
        %add3A_380 = arith.constant 352 : i32
        %add3A_381 = arith.addi %mul3A_379, %add3A_380 : i32
        %get3A_382 = arith.index_cast %add3A_381 : i32 to index
        %get3A_383 = tpu.vector_load %arg7[%get3A_382] {strides = array<i32>} : memref<4096xi32, #tpu.memory_space<vmem>>, vector<16xi32>,
        %gather3A_384 = tpu.vector_load_idx %arg5[%get3A_383] : memref<100000xf32, #tpu.memory_space<vmem>>[vector<16xi32>], vector<16xf32>,
        %swap3A_385 = arith.index_cast %add3A_381 : i32 to index
        %swap3A_386 = tpu.vector_load %arg9[%swap3A_385] {strides = array<i32>} : memref<4096xf32, #tpu.memory_space<vmem>>, vector<16xf32>,
        tpu.vector_store %arg9[%swap3A_385], %gather3A_384 {strides = array<i32>} : memref<4096xf32, #tpu.memory_space<vmem>>, vector<16xf32>,
        %mul3A_387 = arith.constant 16 : i32
        %mul3A_388 = arith.muli %scan3A_135, %mul3A_387 : i32
        %mul3A_389 = arith.constant 32 : i32
        %mul3A_390 = arith.muli %mul3A_388, %mul3A_389 : i32
        %add3A_391 = arith.constant 368 : i32
        %add3A_392 = arith.addi %mul3A_390, %add3A_391 : i32
        %get3A_393 = arith.index_cast %add3A_392 : i32 to index
        %get3A_394 = tpu.vector_load %arg7[%get3A_393] {strides = array<i32>} : memref<4096xi32, #tpu.memory_space<vmem>>, vector<16xi32>,
        %gather3A_395 = tpu.vector_load_idx %arg5[%get3A_394] : memref<100000xf32, #tpu.memory_space<vmem>>[vector<16xi32>], vector<16xf32>,
        %swap3A_396 = arith.index_cast %add3A_392 : i32 to index
        %swap3A_397 = tpu.vector_load %arg9[%swap3A_396] {strides = array<i32>} : memref<4096xf32, #tpu.memory_space<vmem>>, vector<16xf32>,
        tpu.vector_store %arg9[%swap3A_396], %gather3A_395 {strides = array<i32>} : memref<4096xf32, #tpu.memory_space<vmem>>, vector<16xf32>,
        %mul3A_398 = arith.constant 16 : i32
        %mul3A_399 = arith.muli %scan3A_135, %mul3A_398 : i32
        %mul3A_400 = arith.constant 32 : i32
        %mul3A_401 = arith.muli %mul3A_399, %mul3A_400 : i32
        %add3A_402 = arith.constant 384 : i32
        %add3A_403 = arith.addi %mul3A_401, %add3A_402 : i32
        %get3A_404 = arith.index_cast %add3A_403 : i32 to index
        %get3A_405 = tpu.vector_load %arg7[%get3A_404] {strides = array<i32>} : memref<4096xi32, #tpu.memory_space<vmem>>, vector<16xi32>,
        %gather3A_406 = tpu.vector_load_idx %arg5[%get3A_405] : memref<100000xf32, #tpu.memory_space<vmem>>[vector<16xi32>], vector<16xf32>,
        %swap3A_407 = arith.index_cast %add3A_403 : i32 to index
        %swap3A_408 = tpu.vector_load %arg9[%swap3A_407] {strides = array<i32>} : memref<4096xf32, #tpu.memory_space<vmem>>, vector<16xf32>,
        tpu.vector_store %arg9[%swap3A_407], %gather3A_406 {strides = array<i32>} : memref<4096xf32, #tpu.memory_space<vmem>>, vector<16xf32>,
        %mul3A_409 = arith.constant 16 : i32
        %mul3A_410 = arith.muli %scan3A_135, %mul3A_409 : i32
        %mul3A_411 = arith.constant 32 : i32
        %mul3A_412 = arith.muli %mul3A_410, %mul3A_411 : i32
        %add3A_413 = arith.constant 400 : i32
        %add3A_414 = arith.addi %mul3A_412, %add3A_413 : i32
        %get3A_415 = arith.index_cast %add3A_414 : i32 to index
        %get3A_416 = tpu.vector_load %arg7[%get3A_415] {strides = array<i32>} : memref<4096xi32, #tpu.memory_space<vmem>>, vector<16xi32>,
        %gather3A_417 = tpu.vector_load_idx %arg5[%get3A_416] : memref<100000xf32, #tpu.memory_space<vmem>>[vector<16xi32>], vector<16xf32>,
        %swap3A_418 = arith.index_cast %add3A_414 : i32 to index
        %swap3A_419 = tpu.vector_load %arg9[%swap3A_418] {strides = array<i32>} : memref<4096xf32, #tpu.memory_space<vmem>>, vector<16xf32>,
        tpu.vector_store %arg9[%swap3A_418], %gather3A_417 {strides = array<i32>} : memref<4096xf32, #tpu.memory_space<vmem>>, vector<16xf32>,
        %mul3A_420 = arith.constant 16 : i32
        %mul3A_421 = arith.muli %scan3A_135, %mul3A_420 : i32
        %mul3A_422 = arith.constant 32 : i32
        %mul3A_423 = arith.muli %mul3A_421, %mul3A_422 : i32
        %add3A_424 = arith.constant 416 : i32
        %add3A_425 = arith.addi %mul3A_423, %add3A_424 : i32
        %get3A_426 = arith.index_cast %add3A_425 : i32 to index
        %get3A_427 = tpu.vector_load %arg7[%get3A_426] {strides = array<i32>} : memref<4096xi32, #tpu.memory_space<vmem>>, vector<16xi32>,
        %gather3A_428 = tpu.vector_load_idx %arg5[%get3A_427] : memref<100000xf32, #tpu.memory_space<vmem>>[vector<16xi32>], vector<16xf32>,
        %swap3A_429 = arith.index_cast %add3A_425 : i32 to index
        %swap3A_430 = tpu.vector_load %arg9[%swap3A_429] {strides = array<i32>} : memref<4096xf32, #tpu.memory_space<vmem>>, vector<16xf32>,
        tpu.vector_store %arg9[%swap3A_429], %gather3A_428 {strides = array<i32>} : memref<4096xf32, #tpu.memory_space<vmem>>, vector<16xf32>,
        %mul3A_431 = arith.constant 16 : i32
        %mul3A_432 = arith.muli %scan3A_135, %mul3A_431 : i32
        %mul3A_433 = arith.constant 32 : i32
        %mul3A_434 = arith.muli %mul3A_432, %mul3A_433 : i32
        %add3A_435 = arith.constant 432 : i32
        %add3A_436 = arith.addi %mul3A_434, %add3A_435 : i32
        %get3A_437 = arith.index_cast %add3A_436 : i32 to index
        %get3A_438 = tpu.vector_load %arg7[%get3A_437] {strides = array<i32>} : memref<4096xi32, #tpu.memory_space<vmem>>, vector<16xi32>,
        %gather3A_439 = tpu.vector_load_idx %arg5[%get3A_438] : memref<100000xf32, #tpu.memory_space<vmem>>[vector<16xi32>], vector<16xf32>,
        %swap3A_440 = arith.index_cast %add3A_436 : i32 to index
        %swap3A_441 = tpu.vector_load %arg9[%swap3A_440] {strides = array<i32>} : memref<4096xf32, #tpu.memory_space<vmem>>, vector<16xf32>,
        tpu.vector_store %arg9[%swap3A_440], %gather3A_439 {strides = array<i32>} : memref<4096xf32, #tpu.memory_space<vmem>>, vector<16xf32>,
        %mul3A_442 = arith.constant 16 : i32
        %mul3A_443 = arith.muli %scan3A_135, %mul3A_442 : i32
        %mul3A_444 = arith.constant 32 : i32
        %mul3A_445 = arith.muli %mul3A_443, %mul3A_444 : i32
        %add3A_446 = arith.constant 448 : i32
        %add3A_447 = arith.addi %mul3A_445, %add3A_446 : i32
        %get3A_448 = arith.index_cast %add3A_447 : i32 to index
        %get3A_449 = tpu.vector_load %arg7[%get3A_448] {strides = array<i32>} : memref<4096xi32, #tpu.memory_space<vmem>>, vector<16xi32>,
        %gather3A_450 = tpu.vector_load_idx %arg5[%get3A_449] : memref<100000xf32, #tpu.memory_space<vmem>>[vector<16xi32>], vector<16xf32>,
        %swap3A_451 = arith.index_cast %add3A_447 : i32 to index
        %swap3A_452 = tpu.vector_load %arg9[%swap3A_451] {strides = array<i32>} : memref<4096xf32, #tpu.memory_space<vmem>>, vector<16xf32>,
        tpu.vector_store %arg9[%swap3A_451], %gather3A_450 {strides = array<i32>} : memref<4096xf32, #tpu.memory_space<vmem>>, vector<16xf32>,
        %mul3A_453 = arith.constant 16 : i32
        %mul3A_454 = arith.muli %scan3A_135, %mul3A_453 : i32
        %mul3A_455 = arith.constant 32 : i32
        %mul3A_456 = arith.muli %mul3A_454, %mul3A_455 : i32
        %add3A_457 = arith.constant 464 : i32
        %add3A_458 = arith.addi %mul3A_456, %add3A_457 : i32
        %get3A_459 = arith.index_cast %add3A_458 : i32 to index
        %get3A_460 = tpu.vector_load %arg7[%get3A_459] {strides = array<i32>} : memref<4096xi32, #tpu.memory_space<vmem>>, vector<16xi32>,
        %gather3A_461 = tpu.vector_load_idx %arg5[%get3A_460] : memref<100000xf32, #tpu.memory_space<vmem>>[vector<16xi32>], vector<16xf32>,
        %swap3A_462 = arith.index_cast %add3A_458 : i32 to index
        %swap3A_463 = tpu.vector_load %arg9[%swap3A_462] {strides = array<i32>} : memref<4096xf32, #tpu.memory_space<vmem>>, vector<16xf32>,
        tpu.vector_store %arg9[%swap3A_462], %gather3A_461 {strides = array<i32>} : memref<4096xf32, #tpu.memory_space<vmem>>, vector<16xf32>,
        %mul3A_464 = arith.constant 16 : i32
        %mul3A_465 = arith.muli %scan3A_135, %mul3A_464 : i32
        %mul3A_466 = arith.constant 32 : i32
        %mul3A_467 = arith.muli %mul3A_465, %mul3A_466 : i32
        %add3A_468 = arith.constant 480 : i32
        %add3A_469 = arith.addi %mul3A_467, %add3A_468 : i32
        %get3A_470 = arith.index_cast %add3A_469 : i32 to index
        %get3A_471 = tpu.vector_load %arg7[%get3A_470] {strides = array<i32>} : memref<4096xi32, #tpu.memory_space<vmem>>, vector<16xi32>,
        %gather3A_472 = tpu.vector_load_idx %arg5[%get3A_471] : memref<100000xf32, #tpu.memory_space<vmem>>[vector<16xi32>], vector<16xf32>,
        %swap3A_473 = arith.index_cast %add3A_469 : i32 to index
        %swap3A_474 = tpu.vector_load %arg9[%swap3A_473] {strides = array<i32>} : memref<4096xf32, #tpu.memory_space<vmem>>, vector<16xf32>,
        tpu.vector_store %arg9[%swap3A_473], %gather3A_472 {strides = array<i32>} : memref<4096xf32, #tpu.memory_space<vmem>>, vector<16xf32>,
        %mul3A_475 = arith.constant 16 : i32
        %mul3A_476 = arith.muli %scan3A_135, %mul3A_475 : i32
        %mul3A_477 = arith.constant 32 : i32
        %mul3A_478 = arith.muli %mul3A_476, %mul3A_477 : i32
        %add3A_479 = arith.constant 496 : i32
        %add3A_480 = arith.addi %mul3A_478, %add3A_479 : i32
        %get3A_481 = arith.index_cast %add3A_480 : i32 to index
        %get3A_482 = tpu.vector_load %arg7[%get3A_481] {strides = array<i32>} : memref<4096xi32, #tpu.memory_space<vmem>>, vector<16xi32>,
        %gather3A_483 = tpu.vector_load_idx %arg5[%get3A_482] : memref<100000xf32, #tpu.memory_space<vmem>>[vector<16xi32>], vector<16xf32>,
        %swap3A_484 = arith.index_cast %add3A_480 : i32 to index
        %swap3A_485 = tpu.vector_load %arg9[%swap3A_484] {strides = array<i32>} : memref<4096xf32, #tpu.memory_space<vmem>>, vector<16xf32>,
        tpu.vector_store %arg9[%swap3A_484], %gather3A_483 {strides = array<i32>} : memref<4096xf32, #tpu.memory_space<vmem>>, vector<16xf32>,
        %scan3A_486 = arith.constant 0 : i32
        scf.yield %scan3A_486 : i32
      }
      %scan3A_115 = arith.constant 8 : i32
      %dma_start3A_116 = arith.constant 12288 : i32
      %dma_start3A_117 = tpu.memref_slice %arg4[%add3A_11, %dma_start3A_116] : memref<832x16384xf32, #tpu.memory_space<hbm>> -> memref<1x4096xf32, #tpu.memory_space<hbm>>
      %dma_start3A_118 = tpu.memref_squeeze %dma_start3A_117 : memref<1x4096xf32, #tpu.memory_space<hbm>> -> memref<4096xf32, #tpu.memory_space<hbm>>
      %dma_start3A_119 = arith.constant 12288 : i32
      %dma_start3A_120 = tpu.memref_slice %arg4[%add3A_11, %dma_start3A_119] : memref<832x16384xf32, #tpu.memory_space<hbm>> -> memref<1x4096xf32, #tpu.memory_space<hbm>>
      %dma_start3A_121 = tpu.memref_squeeze %dma_start3A_120 : memref<1x4096xf32, #tpu.memory_space<hbm>> -> memref<4096xf32, #tpu.memory_space<hbm>>
      tpu.enqueue_dma source(%arg9 : memref<4096xf32, #tpu.memory_space<vmem>>) target(%dma_start3A_121 : memref<4096xf32, #tpu.memory_space<hbm>>) target_semaphore(%arg13 : memref<!tpu.dma_semaphore, #tpu.memory_space<semaphore_mem>>)
      %dma_wait3A_122 = arith.constant 8192 : i32
      %dma_wait3A_123 = tpu.memref_slice %arg4[%add3A_11, %dma_wait3A_122] : memref<832x16384xf32, #tpu.memory_space<hbm>> -> memref<1x4096xf32, #tpu.memory_space<hbm>>
      %dma_wait3A_124 = tpu.memref_squeeze %dma_wait3A_123 : memref<1x4096xf32, #tpu.memory_space<hbm>> -> memref<4096xf32, #tpu.memory_space<hbm>>
      %dma_wait3A_125 = arith.constant 8192 : i32
      %dma_wait3A_126 = tpu.memref_slice %arg4[%add3A_11, %dma_wait3A_125] : memref<832x16384xf32, #tpu.memory_space<hbm>> -> memref<1x4096xf32, #tpu.memory_space<hbm>>
      %dma_wait3A_127 = tpu.memref_squeeze %dma_wait3A_126 : memref<1x4096xf32, #tpu.memory_space<hbm>> -> memref<4096xf32, #tpu.memory_space<hbm>>
      tpu.wait_dma2 semaphore(%arg12 : memref<!tpu.dma_semaphore, #tpu.memory_space<semaphore_mem>>) src(%arg8 : memref<4096xf32, #tpu.memory_space<vmem>>) dst(%dma_wait3A_127 : memref<4096xf32, #tpu.memory_space<hbm>>)
      %dma_wait3A_128 = arith.constant 12288 : i32
      %dma_wait3A_129 = tpu.memref_slice %arg4[%add3A_11, %dma_wait3A_128] : memref<832x16384xf32, #tpu.memory_space<hbm>> -> memref<1x4096xf32, #tpu.memory_space<hbm>>
      %dma_wait3A_130 = tpu.memref_squeeze %dma_wait3A_129 : memref<1x4096xf32, #tpu.memory_space<hbm>> -> memref<4096xf32, #tpu.memory_space<hbm>>
      %dma_wait3A_131 = arith.constant 12288 : i32
      %dma_wait3A_132 = tpu.memref_slice %arg4[%add3A_11, %dma_wait3A_131] : memref<832x16384xf32, #tpu.memory_space<hbm>> -> memref<1x4096xf32, #tpu.memory_space<hbm>>
      %dma_wait3A_133 = tpu.memref_squeeze %dma_wait3A_132 : memref<1x4096xf32, #tpu.memory_space<hbm>> -> memref<4096xf32, #tpu.memory_space<hbm>>
      tpu.wait_dma2 semaphore(%arg13 : memref<!tpu.dma_semaphore, #tpu.memory_space<semaphore_mem>>) src(%arg9 : memref<4096xf32, #tpu.memory_space<vmem>>) dst(%dma_wait3A_133 : memref<4096xf32, #tpu.memory_space<hbm>>)
      %scan3A_134 = arith.constant 0 : i32
      scf.yield %scan3A_134 : i32
    }
    %scan3A_6 = arith.constant 26 : i32
    return
  }
}

</mosaic_0001>

<sc_bundles>
// kernel: kernel.3.cloned.1.call-start
scs
__scs_entry_jumppad:
0x0: {  	(pc) =	sbr.rel $0x88, $3  }
0x1: {  	(tag) =	ssettag $0x0;
	lr =	simm.s32 $0x1  }
0x2: {  	[smem:$0x3F9F] =	sst lr;
	_ =	strace $0xD0000000  }
0x3: {  	_ = 	snop  }
0x4: {  	_ = 	snop  }
0x5: {  	_ = 	snop  }
0x6: {  	_ = 	snop  }
0x7: {  	_ = 	snop  }
__scs_overlays_trampoline_lowered:
0x8: {  	[smem:$0x3FAE] =	sst s0  }
0x9: {  	[smem:$0x3FAF] =	sst s1  }
0xa: {  	[smem:$0x3FB0] =	sst s2  }
0xb: {  	[smem:$0x3FB1] =	sst s3  }
0xc: {  	[smem:$0x3FB2] =	sst s4  }
0xd: {  	[smem:$0x3FB3] =	sst s5  }
0xe: {  	[smem:$0x3FB4] =	sst s6  }
0xf: {  	[smem:$0x3FB5] =	sst s7  }
0x10: {  	[smem:$0x3FB6] =	sst s8  }
0x11: {  	[smem:$0x3FB7] =	sst s9;
	s0 =	simm.s32 @!p0 $0x0  }
0x12: {  	s1 =	sld [smem:$0x3F9D];
	s0 =	simm.s32 @p0 $0x1  }
0x13: {  	[smem:$0x3FB8] =	sst s0;
	s0 =	simm.s32 @!p1 $0x0  }
0x14: {  	s2 =	sld [smem:$0x3F9C];
	s0 =	simm.s32 @p1 $0x1  }
0x15: {  	[smem:$0x3FB9] =	sst s0;
	s0 =	simm.s32 @!p2 $0x0  }
0x16: {  	s3 =	sld [smem:$0x3FDB];
	s0 =	simm.s32 @p2 $0x1  }
0x17: {  	s4 =	simm.s32 $0x1BF5;
	[smem:$0x3FBB] =	sst s0  }
0x18: {  	s0 =	sld [smem:$0x3F9E];
	_ =	swait.ge [sflag:s4], $0x0  }
0x19: {  	s7 =	sld [smem:$0x3F9F]  }
0x1a: {  	s8 =	sadd.s32 $0xFFFFE003, lr  }
0x1b: {  	s9 =	sadd.s32 $0xFFFFFEF7, lr;
	s5 =	simm.s32 $0xFFFFFFFF;
	p2 =	slt.u32 s8, $0xFFFFF086  }
0x1c: {  	p1 =	slt.u32 s9, $0xF7A;
	s5 =	simm.s32 @!p2 $0x0  }
0x1d: {  	s5 =	simm.s32 @p1 $0x1;
	p0 =	seq.s32 s7, s2  }
0x1e: {  	s7 =	smul.u32 @!p0 $0xF7A, s2;
	p2 =	seq.s32 @!p0 s5, $0x0  }
0x1f: {  	s9 =	smul.u32 $0xF7A, s1;
	s8 =	simm.s32 @!p0 $0x1BF5;
	p2 =	por !p2, p0  }
0x20: {  	[sflag:s8] =	ssyncset.s32 @!p0 $0xFFFFF086;
	s6 =	sadd.s32 @!p0 s3, s7;
	s7 =	simm.s32 @!p0 $0x108  }
0x21: {  	s3 =	sadd.s32 s3, s9;
	s6 =	sadd.s32 @!p0 $0x88, s6;
	s7 =	simm.s32 @p2 $0x1082  }
0x22: {  	[simem:s7], [sflag:s8] =	dma.local @!p0 [hbm:s6], $0xF7A  }
0x23: {  	s9 =	sor.u32 $0xD0000000, s2;
	s6 =	simm.s32 $0x108;
	_ =	swait.ge @!p0 [sflag:s8], $0x0  }
0x24: {  	s3 =	sadd.s32 $0x88, s3;
	s6 =	simm.s32 @!p1 $0x1082;
	[sflag:s4] =	ssyncset.s32 $0xFFFFF086  }
0x25: {  	[simem:s6], [sflag:s4] =	dma.local [hbm:s3], $0xF7A  }
0x26: {  	[smem:$0x3F9F] =	sst s1;
	(tag) =	ssettag s2;
	_ =	strace s9  }
0x27: {  	s1 =	sld [smem:$0x3FAF]  }
0x28: {  	s2 =	sld [smem:$0x3FB0]  }
0x29: {  	s4 =	sld [smem:$0x3FB2]  }
0x2a: {  	p0 =	seq.s32 s5, $0x0;
	s5 =	sld [smem:$0x3FB3]  }
0x2b: {  	s6 =	sld [smem:$0x3FB4]  }
0x2c: {  	s7 =	sld [smem:$0x3FB5]  }
0x2d: {  	s3 =	simm.s32 $0x108;
	s8 =	sld [smem:$0x3FB6]  }
0x2e: {  	s3 =	simm.s32 @!p0 $0x1082;
	s9 =	sld [smem:$0x3FB7]  }
0x2f: {  	lr =	sadd.s32 s0, s3;
	s0 =	sld [smem:$0x3FAE]  }
0x30: {  	s3 =	sld [smem:$0x3FB1]  }
0x31: {  	[smem:$0x3FBA] =	sst s10  }
0x32: {  	s10 =	sld [smem:$0x3FB8];
	_ =	sdelay $0x3  }
0x33: {  	p0 =	seq.s32 s10, $0x1;
	s10 =	sld [smem:$0x3FBA];
	_ =	sdelay $0x3  }
0x34: {  	[smem:$0x3FBA] =	sst s10  }
0x35: {  	s10 =	sld [smem:$0x3FB9];
	_ =	sdelay $0x3  }
0x36: {  	p1 =	seq.s32 s10, $0x1;
	s10 =	sld [smem:$0x3FBA];
	_ =	sdelay $0x3  }
0x37: {  	[smem:$0x3FBA] =	sst s10  }
0x38: {  	s10 =	sld [smem:$0x3FBB]  }
0x39: {  	_ = 	snop;
	(pc) =	sbr.ind lr, $3  }
0x3a: {  	_ = 	snop  }
0x3b: {  	_ = 	snop  }
0x3c: {  	p2 =	seq.s32 s10, $0x1;
	s10 =	sld [smem:$0x3FBA]  }
0x3d: {  	_ =	shalt  }
0x3e: {  	_ =	shalt  }
0x3f: {  	_ =	shalt  }
0x40: {  	_ =	shalt  }
0x41: {  	_ =	shalt  }
0x42: {  	_ =	shalt  }
0x43: {  	_ =	shalt  }
0x44: {  	_ =	shalt  }
0x45: {  	_ =	shalt  }
0x46: {  	_ =	shalt  }
0x47: {  	_ =	shalt  }
0x48: {  	_ =	shalt  }
0x49: {  	_ =	shalt  }
0x4a: {  	_ =	shalt  }
0x4b: {  	_ =	shalt  }
0x4c: {  	_ =	shalt  }
0x4d: {  	_ =	shalt  }
0x4e: {  	_ =	shalt  }
0x4f: {  	_ =	shalt  }
0x50: {  	_ =	shalt  }
0x51: {  	_ =	shalt  }
0x52: {  	_ =	shalt  }
0x53: {  	_ =	shalt  }
0x54: {  	_ =	shalt  }
0x55: {  	_ =	shalt  }
0x56: {  	_ =	shalt  }
0x57: {  	_ =	shalt  }
0x58: {  	_ =	shalt  }
0x59: {  	_ =	shalt  }
0x5a: {  	_ =	shalt  }
0x5b: {  	_ =	shalt  }
0x5c: {  	_ =	shalt  }
0x5d: {  	_ =	shalt  }
0x5e: {  	_ =	shalt  }
0x5f: {  	_ =	shalt  }
0x60: {  	_ =	shalt  }
0x61: {  	_ =	shalt  }
0x62: {  	_ =	shalt  }
0x63: {  	_ =	shalt  }
0x64: {  	_ =	shalt  }
0x65: {  	_ =	shalt  }
0x66: {  	_ =	shalt  }
0x67: {  	_ =	shalt  }
0x68: {  	_ =	shalt  }
0x69: {  	_ =	shalt  }
0x6a: {  	_ =	shalt  }
0x6b: {  	_ =	shalt  }
0x6c: {  	_ =	shalt  }
0x6d: {  	_ =	shalt  }
0x6e: {  	_ =	shalt  }
0x6f: {  	_ =	shalt  }
0x70: {  	_ =	shalt  }
0x71: {  	_ =	shalt  }
0x72: {  	_ =	shalt  }
0x73: {  	_ =	shalt  }
0x74: {  	_ =	shalt  }
0x75: {  	_ =	shalt  }
0x76: {  	_ =	shalt  }
0x77: {  	_ =	shalt  }
0x78: {  	_ =	shalt  }
0x79: {  	_ =	shalt  }
0x7a: {  	_ =	shalt  }
0x7b: {  	_ =	shalt  }
0x7c: {  	_ =	shalt  }
0x7d: {  	_ =	shalt  }
0x7e: {  	_ =	shalt  }
0x7f: {  	_ =	shalt  }
0x80: {  	_ =	shalt  }
0x81: {  	_ =	shalt  }
0x82: {  	_ =	shalt  }
0x83: {  	_ =	shalt  }
0x84: {  	_ =	shalt  }
0x85: {  	_ =	shalt  }
0x86: {  	_ =	shalt  }
0x87: {  	_ =	shalt  }
.Lfunc_end0:
.L_simem_size_0:
called_computation_lowered:
.L_overlay_start_0:
0x88: {  	s2 =	sld [smem:$0x3FD9]  }
0x89: {  	s3 =	sld [smem:$0x3FFE];
	_ =	sdelay $0x1  }
0x8a: {  	s1 =	srdreg.scid  }
0x8b: {  	s0 =	sand.u32 $0x1, s1  }
0x8c: {  	s18 =	sshll.u32 s0, $0xA;
	s2 =	sadd.s32 s3, s2  }
0x8d: {  	s2 =	sadd.s32 s2, s18  }
0x8e: {  	[smem:$0x3FC6] =	sst s2  }
0x8f: {  	_ = 	snop  }
0x90: {  	s2 =	sld [smem:$0x3FC9]  }
0x91: {  	s19 =	sld [smem:$0x3FC8]  }
0x92: {  	s4 =	sld [smem:$0x3FD0];
	(tm) =	ssettm $0x1  }
0x93: {  	s5 =	sld [smem:$0x3FFB];
	_ =	sdelay $0x3  }
0x94: {  	_ =	strace s5  }
0x95: {  	s5 =	sld [smem:$0x3FFC];
	_ =	sdelay $0x3  }
0x96: {  	_ =	strace s5  }
0x97: {  	s5 =	sld [smem:$0x3FFD];
	_ =	sdelay $0x3  }
0x98: {  	_ =	strace s5  }
0x99: {  	_ =	strace $0x8FFFFFFF  }
0x9a: {  	s20 =	sld [smem:$0x3FDB];
	_ =	sdelay $0x1  }
0x9b: {  	s6 =	simm.s32 $_scs_section_size  }
0x9c: {  	s7 =	simm.s32 $_size__tile_overlayer_lowered;
	s8 =	simm.s32 $_tile_overlayer_lowered  }
0x9d: {  	s23 =	simm.s32 $0x1BFF;
	s22 =	sshll.u32 s8, $0x1;
	s5 =	sadd.s32 s6, s20  }
0x9e: {  	s9 =	simm.s32 $0x0;
	s21 =	sshll.u32 s7, $0x1;
	s7 =	sadd.s32 s22, s5  }
0x9f: {  	[timem:s9], [sflag:s23] =	dma.local [hbm:s7], s21  }
0xa0: {  	_ =	swait.ge [sflag:s23], s21  }
0xa1: {  	s6 =	ssub.s32 $0x0, s21;
	[sflag:s23] =	ssyncset.done $0x0  }
0xa2: {  	[sflag:s23] =	ssyncadd.s32 s6;
	_ =	sdelay $0x1  }
0xa3: {  	s24 =	simm.s32 $0x1B8B  }
0xa4: {  	_ =	swait.ge [sflag:s24], $0x1  }
0xa5: {  	[sflag:s24] =	ssyncset.done $0x0  }
0xa6: {  	s25 =	simm.s32 $0x1B8E;
	[sflag:s24] =	ssyncadd.s32 $0xFFFFFFFF  }
0xa7: {  	s26 =	simm.s32 $execute0_lowered;
	[smem:$0x3FD2] =	sst s25  }
0xa8: {  	s6 =	sshll.u32 s26, $0x1;
	_ =	strace $0x80000046;
	[dreg:$0x1] =	wrdreg $0xFFFFFFFF  }
0xa9: {  	s28 =	simm.s32 $_size_execute0_lowered;
	s5 =	sadd.s32 s5, s6;
	[dreg:$0x0] =	wrdreg $0x0  }
0xaa: {  	s6 =	sshll.u32 s28, $0x1;
	[dreg:$0x2] =	wrdreg s5  }
0xab: {  	[dreg:$0x3] =	wrdreg s6  }
0xac: {  	[dreg:$0x4] =	wrdreg $0xC0  }
0xad: {  	_ =	task [dreg:s9], $0x5FFFF  }
0xae: {  	[dreg:$0x1] =	wrdreg $0xFFFFFFFF  }
0xaf: {  	[dreg:$0x0] =	wrdreg $0x60  }
0xb0: {  	[dreg:$0x2] =	wrdreg s19  }
0xb1: {  	[dreg:$0x3] =	wrdreg s2  }
0xb2: {  	[dreg:$0x4] =	wrdreg s4  }
0xb3: {  	[dreg:$0x5] =	wrdreg $0x9  }
0xb4: {  	_ =	task.clear_ibuf [dreg:s9], $0x6FFFF;
	_ =	strace $0x90000046  }
0xb5: {  	s29 =	simm.s32 $0x9;
	_ =	strace $0x80000048  }
0xb6: {  	_ =	swait.ge [sflag:s29], $0x1  }
0xb7: {  	[sflag:s29] =	ssyncadd.s32 $0xFFFFFFFF  }
0xb8: {  	_ =	strace $0x90000048  }
0xb9: {  	_ =	sfence  }
0xba: {  	s30 =	sld [smem:$0x0];
	_ =	sdelay $0x2  }
0xbb: {  	s31 =	sshll.u32 s1, $0xD;
	s1 =	sshrl.u32 s1, $0x2  }
0xbc: {  	s3 =	sand.u32 $0x4000, s31;
	s1 =	sadd.s32 s1, s30  }
0xbd: {  	s0 =	sor.u32 s3, s0;
	s1 =	sshll.u32 s1, $0x11  }
0xbe: {  	s0 =	sor.u32 s1, s0  }
0xbf: {  	s0 =	sadd.s32 $0x8F2B, s0  }
0xc0: {  	[sflag:s0] =	ssyncadd.remote.s32 $0x1  }
0xc1: {  	_ =	sfence.sel $0xFFFF  }
0xc2: {  	[dreg:$0x0] =	wrdreg $0xFFFFFFFF;
	(pc) =	sbr.abs _section_cstart, $3  }
0xc3: {  	[dreg:$0x1] =	wrdreg $0xFFFFFFFF  }
0xc4: {  	_ =	task.clear_ibuf [dreg:s9], $0x2FFFF;
	_ =	strace $0x9FFFFFFF  }
0xc5: {  	(tm) =	ssettm $0x7FFFFFFF  }
tec
execute0_lowered:
.L_overlay_start_1:
0x0: {  	(tag) =	ssettag $0x1  }
0x1: {  	s1 =	rddreg [dreg:$0x0]  }
0x2: {  	s2 =	rddreg [dreg:$0x1]  }
0x3: {  	s3 =	rddreg [dreg:$0x2];
	s4 =	simm.s32 $0x0;
	s0 =	srdreg.scid  }
0x4: {  	s10 =	stileid.u32;
	s16 =	simm.s32 $0x80;
	s17 =	simm.s32 $0x400  }
0x5: {  	s18 =	simm.s32 $0x18700;
	s19 =	simm.s32 $0x19700;
	s20 =	simm.s32 $0x5  }
0x6: {  	s21 =	simm.s32 $0x1;
	s22 =	simm.s32 $0x1A700;
	s23 =	simm.s32 $0x2  }
0x7: {  	s24 =	simm.s32 $0x1B700;
	s25 =	simm.s32 $0x3;
	s26 =	simm.s32 $0x4  }
0x8: {  	s28 =	simm.s32 $0x0;
	[smem:$0x7FF] =	sst s4;
	s0 =	sand.u32 $0x1, s0  }
0x9: {  	s7 =	sshrl.u32 s10, $0x2;
	s8 =	sshll.u32 s10, $0x8;
	s30 =	sshll.u32 s10, $0xF  }
0xa: {  	s11 =	sadd.s32 $0x3000, s2;
	s12 =	sadd.s32 $0x1000, s3;
	s13 =	sadd.s32 $0x2000, s3  }
0xb: {  	s14 =	sadd.s32 $0x3000, s3;
	_ =	strace $0x80000047;
	s5 =	ssub.s32 $0x2, s0  }
0xc: {  	s9 =	smul.u32 $0xC3800, s7;
	s0 =	sshll.u32 s0, $0x7;
	s6 =	sshrl.u32 s5, $0x1  }
0xd: {  	s29 =	sand.u32 $0x300, s8;
	s10 =	sand.u32 $0x60000, s30;
	s5 =	ssub.s32 s5, s6  }
0xe: {  	s7 =	sor.u32 s0, s29;
	s6 =	sadd.s32 $0x1000, s2;
	s31 =	smax.u32 s5, $0x1  }
0xf: {  	s8 =	sor.u32 s7, s9;
	s9 =	sadd.s32 $0x2000, s2;
	[dreg:$0x4] =	wrdreg s31  }
.LBB2_1:
0x10: {  	s29 =	simm.s32 $0x0  }
.LBB2_2:
0x11: {  	s0 =	sshll.u32 s29, $0xB;
	s5 =	sshll.u32 s29, $0x4  }
0x12: {  	s0 =	sand.u32 $0xC000, s0;
	s5 =	sand.u32 $0x70, s5  }
0x13: {  	s31 =	sor.u32 s5, s0  }
0x14: {  	s0 =	sadd.s32 s2, s31  }
0x15: {  	[tilespmem:s18], [sflag:$0x1] =	stream.strided.gather [hbm4b:s0+s16], $0x1000, s17, s16, $0x38;
	[tilespmem:$0x1C700] =	vst v63  }
0x16: {  	s15 =	smul.u32 $0x30E000, s29;
	s5 =	sadd.s32 s31, s6  }
0x17: {  	[tilespmem:s19], [sflag:$0x2] =	stream.strided.gather [hbm4b:s5+s16], $0x1000, s17, s16, $0x38;
	[tilespmem:$0x1C700] =	vst v63  }
0x18: {  	s5 =	sadd.s32 s8, s15  }
0x19: {  	s0 =	sshrl.u32 s5, $0x3  }
0x1a: {  	s15 =	simm.s32 $0x0;
	s0 =	sadd.s32 s1, s0  }
0x1b: {  	[tilespmem:s15], [sflag:$0x5] =	stream.strided.gather [hbm4b:s0+s16], $0x18700, s17, s16, $0x38;
	[tilespmem:$0x1C700] =	vst v63  }
0x1c: {  	_ =	swait.ge [sflag:s20], $0x18700  }
0x1d: {  	[sflag:s20] =	ssyncset.done $0x0  }
0x1e: {  	[sflag:s20] =	ssyncadd.s32 $0xFFFE7900  }
0x1f: {  	_ =	swait.ge [sflag:s21], $0x1000  }
0x20: {  	[sflag:s21] =	ssyncset.done $0x0  }
0x21: {  	s30 =	simm.s32 $0x0;
	[sflag:s21] =	ssyncadd.s32 $0xFFFFF000  }
0x22: {  	v0 =	vld [tilespmem:s30+$0x18700];
	_ =	sdelay $0x5  }
0x23: {  	v1 =	vld [tilespmem:s30+$0x18710];
	_ =	sdelay $0x1  }
0x24: {  	v0 =	vld.idx.msk [tilespmem:v0+s4+$0x0], $0xffff;
	_ =	sdelay $0x4  }
0x25: {  	[tilespmem:s30+$0x1A700] =	vst v0;
	v0 =	vld [tilespmem:s30+$0x18720]  }
0x26: {  	v1 =	vld.idx.msk [tilespmem:v1+s4+$0x0], $0xffff;
	_ =	sdelay $0x4  }
0x27: {  	[tilespmem:s30+$0x1A710] =	vst v1;
	v1 =	vld [tilespmem:s30+$0x18730];
	_ =	sdelay $0x1  }
0x28: {  	v0 =	vld.idx.msk [tilespmem:v0+s4+$0x0], $0xffff;
	_ =	sdelay $0x4  }
0x29: {  	[tilespmem:s30+$0x1A720] =	vst v0;
	v0 =	vld [tilespmem:s30+$0x18740]  }
0x2a: {  	v1 =	vld.idx.msk [tilespmem:v1+s4+$0x0], $0xffff;
	_ =	sdelay $0x4  }
0x2b: {  	[tilespmem:s30+$0x1A730] =	vst v1;
	v1 =	vld [tilespmem:s30+$0x18750];
	_ =	sdelay $0x1  }
0x2c: {  	v0 =	vld.idx.msk [tilespmem:v0+s4+$0x0], $0xffff;
	_ =	sdelay $0x4  }
0x2d: {  	[tilespmem:s30+$0x1A740] =	vst v0;
	v0 =	vld [tilespmem:s30+$0x18760]  }
0x2e: {  	v1 =	vld.idx.msk [tilespmem:v1+s4+$0x0], $0xffff;
	_ =	sdelay $0x4  }
0x2f: {  	[tilespmem:s30+$0x1A750] =	vst v1;
	v1 =	vld [tilespmem:s30+$0x18770];
	_ =	sdelay $0x1  }
0x30: {  	v0 =	vld.idx.msk [tilespmem:v0+s4+$0x0], $0xffff;
	_ =	sdelay $0x4  }
0x31: {  	[tilespmem:s30+$0x1A760] =	vst v0;
	v0 =	vld [tilespmem:s30+$0x18780]  }
0x32: {  	v1 =	vld.idx.msk [tilespmem:v1+s4+$0x0], $0xffff;
	_ =	sdelay $0x4  }
0x33: {  	[tilespmem:s30+$0x1A770] =	vst v1;
	v1 =	vld [tilespmem:s30+$0x18790];
	_ =	sdelay $0x1  }
0x34: {  	v0 =	vld.idx.msk [tilespmem:v0+s4+$0x0], $0xffff;
	_ =	sdelay $0x4  }
0x35: {  	[tilespmem:s30+$0x1A780] =	vst v0;
	v0 =	vld [tilespmem:s30+$0x187A0]  }
0x36: {  	v1 =	vld.idx.msk [tilespmem:v1+s4+$0x0], $0xffff;
	_ =	sdelay $0x4  }
0x37: {  	[tilespmem:s30+$0x1A790] =	vst v1;
	v1 =	vld [tilespmem:s30+$0x187B0];
	_ =	sdelay $0x1  }
0x38: {  	v0 =	vld.idx.msk [tilespmem:v0+s4+$0x0], $0xffff;
	_ =	sdelay $0x4  }
0x39: {  	[tilespmem:s30+$0x1A7A0] =	vst v0;
	v0 =	vld [tilespmem:s30+$0x187C0]  }
0x3a: {  	v1 =	vld.idx.msk [tilespmem:v1+s4+$0x0], $0xffff;
	_ =	sdelay $0x4  }
0x3b: {  	[tilespmem:s30+$0x1A7B0] =	vst v1;
	v1 =	vld [tilespmem:s30+$0x187D0];
	_ =	sdelay $0x1  }
0x3c: {  	v0 =	vld.idx.msk [tilespmem:v0+s4+$0x0], $0xffff;
	_ =	sdelay $0x4  }
0x3d: {  	[tilespmem:s30+$0x1A7C0] =	vst v0;
	v0 =	vld [tilespmem:s30+$0x187E0]  }
0x3e: {  	v1 =	vld.idx.msk [tilespmem:v1+s4+$0x0], $0xffff;
	_ =	sdelay $0x4  }
0x3f: {  	[tilespmem:s30+$0x1A7D0] =	vst v1;
	v1 =	vld [tilespmem:s30+$0x187F0];
	_ =	sdelay $0x1  }
0x40: {  	v0 =	vld.idx.msk [tilespmem:v0+s4+$0x0], $0xffff;
	_ =	sdelay $0x4  }
0x41: {  	[tilespmem:s30+$0x1A7E0] =	vst v0;
	v0 =	vld [tilespmem:s30+$0x18800]  }
0x42: {  	v1 =	vld.idx.msk [tilespmem:v1+s4+$0x0], $0xffff;
	_ =	sdelay $0x4  }
0x43: {  	[tilespmem:s30+$0x1A7F0] =	vst v1;
	v1 =	vld [tilespmem:s30+$0x18810];
	_ =	sdelay $0x1  }
0x44: {  	v0 =	vld.idx.msk [tilespmem:v0+s4+$0x0], $0xffff;
	_ =	sdelay $0x4  }
0x45: {  	[tilespmem:s30+$0x1A800] =	vst v0;
	v0 =	vld [tilespmem:s30+$0x18820]  }
0x46: {  	v1 =	vld.idx.msk [tilespmem:v1+s4+$0x0], $0xffff;
	_ =	sdelay $0x4  }
0x47: {  	[tilespmem:s30+$0x1A810] =	vst v1;
	v1 =	vld [tilespmem:s30+$0x18830];
	_ =	sdelay $0x1  }
0x48: {  	v0 =	vld.idx.msk [tilespmem:v0+s4+$0x0], $0xffff;
	_ =	sdelay $0x4  }
0x49: {  	[tilespmem:s30+$0x1A820] =	vst v0;
	v0 =	vld [tilespmem:s30+$0x18840]  }
0x4a: {  	v1 =	vld.idx.msk [tilespmem:v1+s4+$0x0], $0xffff;
	_ =	sdelay $0x4  }
0x4b: {  	[tilespmem:s30+$0x1A830] =	vst v1;
	v1 =	vld [tilespmem:s30+$0x18850];
	_ =	sdelay $0x1  }
0x4c: {  	v0 =	vld.idx.msk [tilespmem:v0+s4+$0x0], $0xffff;
	_ =	sdelay $0x4  }
0x4d: {  	[tilespmem:s30+$0x1A840] =	vst v0;
	v0 =	vld [tilespmem:s30+$0x18860]  }
0x4e: {  	v1 =	vld.idx.msk [tilespmem:v1+s4+$0x0], $0xffff;
	_ =	sdelay $0x4  }
0x4f: {  	[tilespmem:s30+$0x1A850] =	vst v1;
	v1 =	vld [tilespmem:s30+$0x18870];
	_ =	sdelay $0x1  }
0x50: {  	v0 =	vld.idx.msk [tilespmem:v0+s4+$0x0], $0xffff;
	_ =	sdelay $0x4  }
0x51: {  	[tilespmem:s30+$0x1A860] =	vst v0;
	v0 =	vld [tilespmem:s30+$0x18880]  }
0x52: {  	v1 =	vld.idx.msk [tilespmem:v1+s4+$0x0], $0xffff;
	_ =	sdelay $0x4  }
0x53: {  	[tilespmem:s30+$0x1A870] =	vst v1;
	v1 =	vld [tilespmem:s30+$0x18890];
	_ =	sdelay $0x1  }
0x54: {  	v0 =	vld.idx.msk [tilespmem:v0+s4+$0x0], $0xffff;
	_ =	sdelay $0x4  }
0x55: {  	[tilespmem:s30+$0x1A880] =	vst v0;
	v0 =	vld [tilespmem:s30+$0x188A0]  }
0x56: {  	v1 =	vld.idx.msk [tilespmem:v1+s4+$0x0], $0xffff;
	_ =	sdelay $0x4  }
0x57: {  	[tilespmem:s30+$0x1A890] =	vst v1;
	v1 =	vld [tilespmem:s30+$0x188B0];
	_ =	sdelay $0x1  }
0x58: {  	v0 =	vld.idx.msk [tilespmem:v0+s4+$0x0], $0xffff;
	_ =	sdelay $0x4  }
0x59: {  	[tilespmem:s30+$0x1A8A0] =	vst v0;
	v0 =	vld [tilespmem:s30+$0x188C0]  }
0x5a: {  	v1 =	vld.idx.msk [tilespmem:v1+s4+$0x0], $0xffff;
	_ =	sdelay $0x4  }
0x5b: {  	[tilespmem:s30+$0x1A8B0] =	vst v1;
	v1 =	vld [tilespmem:s30+$0x188D0];
	_ =	sdelay $0x1  }
0x5c: {  	v0 =	vld.idx.msk [tilespmem:v0+s4+$0x0], $0xffff;
	_ =	sdelay $0x4  }
0x5d: {  	v2 =	vld [tilespmem:s30+$0x188E0];
	[tilespmem:s30+$0x1A8C0] =	vst v0  }
0x5e: {  	v0 =	vld.idx.msk [tilespmem:v1+s4+$0x0], $0xffff;
	_ =	sdelay $0x4  }
0x5f: {  	[tilespmem:s30+$0x1A8D0] =	vst v0;
	v0 =	vld [tilespmem:s30+$0x188F0];
	_ =	sdelay $0x1  }
0x60: {  	v1 =	vld.idx.msk [tilespmem:v2+s4+$0x0], $0xffff;
	_ =	sdelay $0x3  }
0x61: {  	s5 =	simm.s32 $0x200;
	s0 =	simm.s32 $0x1000  }
.LBB2_3:
0x62: {  	p0 =	sne.s32 s0, $0x3800;
	v2 =	vld [tilespmem:s5+$0x18700];
	[tilespmem:s30+$0x1A8E0] =	vst v1  }
0x63: {  	v0 =	vld.idx.msk [tilespmem:v0+s4+$0x0], $0xffff;
	_ =	sdelay $0x5  }
0x64: {  	v1 =	vld [tilespmem:s5+$0x18710];
	[tilespmem:s30+$0x1A8F0] =	vst v0;
	s30 =	smov.u32 s5  }
0x65: {  	v0 =	vld.idx.msk [tilespmem:v2+s4+$0x0], $0xffff;
	_ =	sdelay $0x5  }
0x66: {  	[tilespmem:s30+$0x1A700] =	vst v0;
	v0 =	vld [tilespmem:s30+$0x18720]  }
0x67: {  	v1 =	vld.idx.msk [tilespmem:v1+s4+$0x0], $0xffff;
	_ =	sdelay $0x5  }
0x68: {  	[tilespmem:s30+$0x1A710] =	vst v1;
	v1 =	vld [tilespmem:s30+$0x18730]  }
0x69: {  	v0 =	vld.idx.msk [tilespmem:v0+s4+$0x0], $0xffff;
	_ =	sdelay $0x5  }
0x6a: {  	[tilespmem:s30+$0x1A720] =	vst v0;
	v0 =	vld [tilespmem:s30+$0x18740]  }
0x6b: {  	v1 =	vld.idx.msk [tilespmem:v1+s4+$0x0], $0xffff;
	_ =	sdelay $0x5  }
0x6c: {  	[tilespmem:s30+$0x1A730] =	vst v1;
	v1 =	vld [tilespmem:s30+$0x18750]  }
0x6d: {  	v0 =	vld.idx.msk [tilespmem:v0+s4+$0x0], $0xffff;
	_ =	sdelay $0x5  }
0x6e: {  	[tilespmem:s30+$0x1A740] =	vst v0;
	v0 =	vld [tilespmem:s30+$0x18760]  }
0x6f: {  	v1 =	vld.idx.msk [tilespmem:v1+s4+$0x0], $0xffff;
	_ =	sdelay $0x5  }
0x70: {  	[tilespmem:s30+$0x1A750] =	vst v1;
	v1 =	vld [tilespmem:s30+$0x18770]  }
0x71: {  	v0 =	vld.idx.msk [tilespmem:v0+s4+$0x0], $0xffff;
	_ =	sdelay $0x5  }
0x72: {  	[tilespmem:s30+$0x1A760] =	vst v0;
	v0 =	vld [tilespmem:s30+$0x18780]  }
0x73: {  	v1 =	vld.idx.msk [tilespmem:v1+s4+$0x0], $0xffff;
	_ =	sdelay $0x5  }
0x74: {  	[tilespmem:s30+$0x1A770] =	vst v1;
	v1 =	vld [tilespmem:s30+$0x18790]  }
0x75: {  	v0 =	vld.idx.msk [tilespmem:v0+s4+$0x0], $0xffff;
	_ =	sdelay $0x5  }
0x76: {  	[tilespmem:s30+$0x1A780] =	vst v0;
	v0 =	vld [tilespmem:s30+$0x187A0]  }
0x77: {  	v1 =	vld.idx.msk [tilespmem:v1+s4+$0x0], $0xffff;
	_ =	sdelay $0x5  }
0x78: {  	[tilespmem:s30+$0x1A790] =	vst v1;
	v1 =	vld [tilespmem:s30+$0x187B0]  }
0x79: {  	v0 =	vld.idx.msk [tilespmem:v0+s4+$0x0], $0xffff;
	_ =	sdelay $0x5  }
0x7a: {  	[tilespmem:s30+$0x1A7A0] =	vst v0;
	v0 =	vld [tilespmem:s30+$0x187C0]  }
0x7b: {  	v1 =	vld.idx.msk [tilespmem:v1+s4+$0x0], $0xffff;
	_ =	sdelay $0x5  }
0x7c: {  	[tilespmem:s30+$0x1A7B0] =	vst v1;
	v1 =	vld [tilespmem:s30+$0x187D0]  }
0x7d: {  	v0 =	vld.idx.msk [tilespmem:v0+s4+$0x0], $0xffff;
	_ =	sdelay $0x5  }
0x7e: {  	[tilespmem:s30+$0x1A7C0] =	vst v0;
	v0 =	vld [tilespmem:s30+$0x187E0]  }
0x7f: {  	v1 =	vld.idx.msk [tilespmem:v1+s4+$0x0], $0xffff;
	_ =	sdelay $0x5  }
0x80: {  	[tilespmem:s30+$0x1A7D0] =	vst v1;
	v1 =	vld [tilespmem:s30+$0x187F0]  }
0x81: {  	v0 =	vld.idx.msk [tilespmem:v0+s4+$0x0], $0xffff;
	_ =	sdelay $0x5  }
0x82: {  	[tilespmem:s30+$0x1A7E0] =	vst v0;
	v0 =	vld [tilespmem:s30+$0x18800]  }
0x83: {  	v1 =	vld.idx.msk [tilespmem:v1+s4+$0x0], $0xffff;
	_ =	sdelay $0x5  }
0x84: {  	[tilespmem:s30+$0x1A7F0] =	vst v1;
	v1 =	vld [tilespmem:s30+$0x18810]  }
0x85: {  	v0 =	vld.idx.msk [tilespmem:v0+s4+$0x0], $0xffff;
	_ =	sdelay $0x5  }
0x86: {  	[tilespmem:s30+$0x1A800] =	vst v0;
	v0 =	vld [tilespmem:s30+$0x18820]  }
0x87: {  	v1 =	vld.idx.msk [tilespmem:v1+s4+$0x0], $0xffff;
	_ =	sdelay $0x5  }
0x88: {  	[tilespmem:s30+$0x1A810] =	vst v1;
	v1 =	vld [tilespmem:s30+$0x18830]  }
0x89: {  	v0 =	vld.idx.msk [tilespmem:v0+s4+$0x0], $0xffff;
	_ =	sdelay $0x5  }
0x8a: {  	[tilespmem:s30+$0x1A820] =	vst v0;
	v0 =	vld [tilespmem:s30+$0x18840]  }
0x8b: {  	v1 =	vld.idx.msk [tilespmem:v1+s4+$0x0], $0xffff;
	_ =	sdelay $0x5  }
0x8c: {  	[tilespmem:s30+$0x1A830] =	vst v1;
	v1 =	vld [tilespmem:s30+$0x18850]  }
0x8d: {  	v0 =	vld.idx.msk [tilespmem:v0+s4+$0x0], $0xffff;
	_ =	sdelay $0x5  }
0x8e: {  	[tilespmem:s30+$0x1A840] =	vst v0;
	v0 =	vld [tilespmem:s30+$0x18860]  }
0x8f: {  	v1 =	vld.idx.msk [tilespmem:v1+s4+$0x0], $0xffff;
	_ =	sdelay $0x5  }
0x90: {  	[tilespmem:s30+$0x1A850] =	vst v1;
	v1 =	vld [tilespmem:s30+$0x18870]  }
0x91: {  	v0 =	vld.idx.msk [tilespmem:v0+s4+$0x0], $0xffff;
	_ =	sdelay $0x5  }
0x92: {  	[tilespmem:s30+$0x1A860] =	vst v0;
	v0 =	vld [tilespmem:s30+$0x18880]  }
0x93: {  	v1 =	vld.idx.msk [tilespmem:v1+s4+$0x0], $0xffff;
	_ =	sdelay $0x5  }
0x94: {  	[tilespmem:s30+$0x1A870] =	vst v1;
	v1 =	vld [tilespmem:s30+$0x18890]  }
0x95: {  	v0 =	vld.idx.msk [tilespmem:v0+s4+$0x0], $0xffff;
	_ =	sdelay $0x5  }
0x96: {  	[tilespmem:s30+$0x1A880] =	vst v0;
	v0 =	vld [tilespmem:s30+$0x188A0]  }
0x97: {  	v1 =	vld.idx.msk [tilespmem:v1+s4+$0x0], $0xffff;
	_ =	sdelay $0x5  }
0x98: {  	[tilespmem:s30+$0x1A890] =	vst v1;
	v1 =	vld [tilespmem:s30+$0x188B0]  }
0x99: {  	v0 =	vld.idx.msk [tilespmem:v0+s4+$0x0], $0xffff;
	_ =	sdelay $0x5  }
0x9a: {  	[tilespmem:s30+$0x1A8A0] =	vst v0;
	v0 =	vld [tilespmem:s30+$0x188C0]  }
0x9b: {  	v1 =	vld.idx.msk [tilespmem:v1+s4+$0x0], $0xffff;
	_ =	sdelay $0x5  }
0x9c: {  	[tilespmem:s30+$0x1A8B0] =	vst v1;
	v1 =	vld [tilespmem:s30+$0x188D0]  }
0x9d: {  	v0 =	vld.idx.msk [tilespmem:v0+s4+$0x0], $0xffff;
	_ =	sdelay $0x5  }
0x9e: {  	[tilespmem:s30+$0x1A8C0] =	vst v0;
	v2 =	vld [tilespmem:s30+$0x188E0]  }
0x9f: {  	v0 =	vld.idx.msk [tilespmem:v1+s4+$0x0], $0xffff;
	_ =	sdelay $0x5  }
0xa0: {  	[tilespmem:s30+$0x1A8D0] =	vst v0;
	v0 =	vld [tilespmem:s30+$0x188F0]  }
0xa1: {  	v1 =	vld.idx.msk [tilespmem:v2+s4+$0x0], $0xffff  }
.Ltmp0:
0xa2: {  	(pc) =	sbr.rel @p0 .LBB2_3-.Ltmp0, $2  }
0xa3: {  	_ =	sdelay $0x2  }
0xa4: {  	s5 =	sshra.s32 s0, $0x2;
	s0 =	sadd.s32 $0x800, s0  }
0xa5: {  	_ =	sdelay $0x1  }
0xa6: {  	v2 =	vld [tilespmem:s5+$0x18700]  }
0xa7: {  	[tilespmem:s30+$0x1A8E0] =	vst v1  }
0xa8: {  	v0 =	vld.idx.msk [tilespmem:v0+s4+$0x0], $0xffff;
	_ =	sdelay $0x3  }
0xa9: {  	v1 =	vld [tilespmem:s5+$0x18710]  }
0xaa: {  	[tilespmem:s30+$0x1A8F0] =	vst v0  }
0xab: {  	v0 =	vld.idx.msk [tilespmem:v2+s4+$0x0], $0xffff;
	_ =	sdelay $0x4  }
0xac: {  	[tilespmem:s5+$0x1A700] =	vst v0;
	v0 =	vld [tilespmem:s5+$0x18720]  }
0xad: {  	v1 =	vld.idx.msk [tilespmem:v1+s4+$0x0], $0xffff;
	_ =	sdelay $0x4  }
0xae: {  	[tilespmem:s5+$0x1A710] =	vst v1;
	v1 =	vld [tilespmem:s5+$0x18730];
	_ =	sdelay $0x1  }
0xaf: {  	v0 =	vld.idx.msk [tilespmem:v0+s4+$0x0], $0xffff;
	_ =	sdelay $0x4  }
0xb0: {  	[tilespmem:s5+$0x1A720] =	vst v0;
	v0 =	vld [tilespmem:s5+$0x18740]  }
0xb1: {  	v1 =	vld.idx.msk [tilespmem:v1+s4+$0x0], $0xffff;
	_ =	sdelay $0x4  }
0xb2: {  	[tilespmem:s5+$0x1A730] =	vst v1;
	v1 =	vld [tilespmem:s5+$0x18750];
	_ =	sdelay $0x1  }
0xb3: {  	v0 =	vld.idx.msk [tilespmem:v0+s4+$0x0], $0xffff;
	_ =	sdelay $0x4  }
0xb4: {  	[tilespmem:s5+$0x1A740] =	vst v0;
	v0 =	vld [tilespmem:s5+$0x18760]  }
0xb5: {  	v1 =	vld.idx.msk [tilespmem:v1+s4+$0x0], $0xffff;
	_ =	sdelay $0x4  }
0xb6: {  	[tilespmem:s5+$0x1A750] =	vst v1;
	v1 =	vld [tilespmem:s5+$0x18770];
	_ =	sdelay $0x1  }
0xb7: {  	v0 =	vld.idx.msk [tilespmem:v0+s4+$0x0], $0xffff;
	_ =	sdelay $0x4  }
0xb8: {  	[tilespmem:s5+$0x1A760] =	vst v0;
	v0 =	vld [tilespmem:s5+$0x18780]  }
0xb9: {  	v1 =	vld.idx.msk [tilespmem:v1+s4+$0x0], $0xffff;
	_ =	sdelay $0x4  }
0xba: {  	[tilespmem:s5+$0x1A770] =	vst v1;
	v1 =	vld [tilespmem:s5+$0x18790];
	_ =	sdelay $0x1  }
0xbb: {  	v0 =	vld.idx.msk [tilespmem:v0+s4+$0x0], $0xffff;
	_ =	sdelay $0x4  }
0xbc: {  	[tilespmem:s5+$0x1A780] =	vst v0;
	v0 =	vld [tilespmem:s5+$0x187A0]  }
0xbd: {  	v1 =	vld.idx.msk [tilespmem:v1+s4+$0x0], $0xffff;
	_ =	sdelay $0x4  }
0xbe: {  	[tilespmem:s5+$0x1A790] =	vst v1;
	v1 =	vld [tilespmem:s5+$0x187B0];
	_ =	sdelay $0x1  }
0xbf: {  	v0 =	vld.idx.msk [tilespmem:v0+s4+$0x0], $0xffff;
	_ =	sdelay $0x4  }
0xc0: {  	[tilespmem:s5+$0x1A7A0] =	vst v0;
	v0 =	vld [tilespmem:s5+$0x187C0]  }
0xc1: {  	v1 =	vld.idx.msk [tilespmem:v1+s4+$0x0], $0xffff;
	_ =	sdelay $0x4  }
0xc2: {  	[tilespmem:s5+$0x1A7B0] =	vst v1;
	v1 =	vld [tilespmem:s5+$0x187D0];
	_ =	sdelay $0x1  }
0xc3: {  	v0 =	vld.idx.msk [tilespmem:v0+s4+$0x0], $0xffff;
	_ =	sdelay $0x4  }
0xc4: {  	[tilespmem:s5+$0x1A7C0] =	vst v0;
	v0 =	vld [tilespmem:s5+$0x187E0]  }
0xc5: {  	v1 =	vld.idx.msk [tilespmem:v1+s4+$0x0], $0xffff;
	_ =	sdelay $0x4  }
0xc6: {  	[tilespmem:s5+$0x1A7D0] =	vst v1;
	v1 =	vld [tilespmem:s5+$0x187F0];
	_ =	sdelay $0x1  }
0xc7: {  	v0 =	vld.idx.msk [tilespmem:v0+s4+$0x0], $0xffff;
	_ =	sdelay $0x4  }
0xc8: {  	[tilespmem:s5+$0x1A7E0] =	vst v0;
	v0 =	vld [tilespmem:s5+$0x18800]  }
0xc9: {  	v1 =	vld.idx.msk [tilespmem:v1+s4+$0x0], $0xffff;
	_ =	sdelay $0x4  }
0xca: {  	[tilespmem:s5+$0x1A7F0] =	vst v1;
	v1 =	vld [tilespmem:s5+$0x18810];
	_ =	sdelay $0x1  }
0xcb: {  	v0 =	vld.idx.msk [tilespmem:v0+s4+$0x0], $0xffff;
	_ =	sdelay $0x4  }
0xcc: {  	[tilespmem:s5+$0x1A800] =	vst v0;
	v0 =	vld [tilespmem:s5+$0x18820]  }
0xcd: {  	v1 =	vld.idx.msk [tilespmem:v1+s4+$0x0], $0xffff;
	_ =	sdelay $0x4  }
0xce: {  	[tilespmem:s5+$0x1A810] =	vst v1;
	v1 =	vld [tilespmem:s5+$0x18830];
	_ =	sdelay $0x1  }
0xcf: {  	v0 =	vld.idx.msk [tilespmem:v0+s4+$0x0], $0xffff;
	_ =	sdelay $0x4  }
0xd0: {  	[tilespmem:s5+$0x1A820] =	vst v0;
	v0 =	vld [tilespmem:s5+$0x18840]  }
0xd1: {  	v1 =	vld.idx.msk [tilespmem:v1+s4+$0x0], $0xffff;
	_ =	sdelay $0x4  }
0xd2: {  	[tilespmem:s5+$0x1A830] =	vst v1;
	v1 =	vld [tilespmem:s5+$0x18850];
	_ =	sdelay $0x1  }
0xd3: {  	v0 =	vld.idx.msk [tilespmem:v0+s4+$0x0], $0xffff;
	_ =	sdelay $0x4  }
0xd4: {  	[tilespmem:s5+$0x1A840] =	vst v0;
	v0 =	vld [tilespmem:s5+$0x18860]  }
0xd5: {  	v1 =	vld.idx.msk [tilespmem:v1+s4+$0x0], $0xffff;
	_ =	sdelay $0x4  }
0xd6: {  	[tilespmem:s5+$0x1A850] =	vst v1;
	v1 =	vld [tilespmem:s5+$0x18870];
	_ =	sdelay $0x1  }
0xd7: {  	v0 =	vld.idx.msk [tilespmem:v0+s4+$0x0], $0xffff;
	_ =	sdelay $0x4  }
0xd8: {  	[tilespmem:s5+$0x1A860] =	vst v0;
	v0 =	vld [tilespmem:s5+$0x18880]  }
0xd9: {  	v1 =	vld.idx.msk [tilespmem:v1+s4+$0x0], $0xffff;
	_ =	sdelay $0x4  }
0xda: {  	[tilespmem:s5+$0x1A870] =	vst v1;
	v1 =	vld [tilespmem:s5+$0x18890];
	_ =	sdelay $0x1  }
0xdb: {  	v0 =	vld.idx.msk [tilespmem:v0+s4+$0x0], $0xffff;
	_ =	sdelay $0x4  }
0xdc: {  	[tilespmem:s5+$0x1A880] =	vst v0;
	v0 =	vld [tilespmem:s5+$0x188A0]  }
0xdd: {  	v1 =	vld.idx.msk [tilespmem:v1+s4+$0x0], $0xffff;
	_ =	sdelay $0x4  }
0xde: {  	[tilespmem:s5+$0x1A890] =	vst v1;
	v1 =	vld [tilespmem:s5+$0x188B0];
	_ =	sdelay $0x1  }
0xdf: {  	v0 =	vld.idx.msk [tilespmem:v0+s4+$0x0], $0xffff;
	_ =	sdelay $0x4  }
0xe0: {  	[tilespmem:s5+$0x1A8A0] =	vst v0;
	v0 =	vld [tilespmem:s5+$0x188C0]  }
0xe1: {  	v1 =	vld.idx.msk [tilespmem:v1+s4+$0x0], $0xffff;
	_ =	sdelay $0x4  }
0xe2: {  	[tilespmem:s5+$0x1A8B0] =	vst v1;
	v1 =	vld [tilespmem:s5+$0x188D0];
	_ =	sdelay $0x1  }
0xe3: {  	v0 =	vld.idx.msk [tilespmem:v0+s4+$0x0], $0xffff;
	_ =	sdelay $0x4  }
0xe4: {  	[tilespmem:s5+$0x1A8C0] =	vst v0;
	v0 =	vld [tilespmem:s5+$0x188E0]  }
0xe5: {  	v1 =	vld.idx.msk [tilespmem:v1+s4+$0x0], $0xffff;
	_ =	sdelay $0x4  }
0xe6: {  	[tilespmem:s5+$0x1A8D0] =	vst v1;
	v1 =	vld [tilespmem:s5+$0x188F0];
	_ =	sdelay $0x1  }
0xe7: {  	v0 =	vld.idx.msk [tilespmem:v0+s4+$0x0], $0xffff;
	_ =	sdelay $0x4  }
0xe8: {  	[tilespmem:s5+$0x1A8E0] =	vst v0  }
0xe9: {  	v0 =	vld.idx.msk [tilespmem:v1+s4+$0x0], $0xffff;
	_ =	sdelay $0x4  }
0xea: {  	s0 =	sadd.s32 s31, s9;
	s15 =	sshll.u32 s29, $0x13;
	[tilespmem:s5+$0x1A8F0] =	vst v0  }
0xeb: {  	[tilespmem:s18], [sflag:$0x1] =	stream.strided.gather [hbm4b:s0+s16], $0x1000, s17, s16, $0x38;
	[tilespmem:$0x1C700] =	vst v63  }
0xec: {  	s0 =	sor.u32 s15, s10  }
0xed: {  	s0 =	sor.u32 s7, s0  }
0xee: {  	s30 =	sshrl.u32 s0, $0x3  }
0xef: {  	s0 =	sadd.s32 s3, s30  }
0xf0: {  	[hbm4b:s0+s16] =	stream.strided.scatter [tilespmem:s22], [sflag:$0x3], $0x1000, s17, s16, $0x38;
	[tilespmem:$0x1C700] =	vst v63  }
0xf1: {  	_ =	swait.ge [sflag:s23], $0x1000  }
0xf2: {  	[sflag:s23] =	ssyncset.done $0x0  }
0xf3: {  	s0 =	simm.s32 $0x0;
	[sflag:s23] =	ssyncadd.s32 $0xFFFFF000  }
0xf4: {  	v0 =	vld [tilespmem:s0+$0x19700];
	_ =	sdelay $0x5  }
0xf5: {  	v1 =	vld [tilespmem:s0+$0x19710];
	_ =	sdelay $0x1  }
0xf6: {  	v0 =	vld.idx.msk [tilespmem:v0+s4+$0x0], $0xffff;
	_ =	sdelay $0x4  }
0xf7: {  	[tilespmem:s0+$0x1B700] =	vst v0;
	v0 =	vld [tilespmem:s0+$0x19720]  }
0xf8: {  	v1 =	vld.idx.msk [tilespmem:v1+s4+$0x0], $0xffff;
	_ =	sdelay $0x4  }
0xf9: {  	[tilespmem:s0+$0x1B710] =	vst v1;
	v1 =	vld [tilespmem:s0+$0x19730];
	_ =	sdelay $0x1  }
0xfa: {  	v0 =	vld.idx.msk [tilespmem:v0+s4+$0x0], $0xffff;
	_ =	sdelay $0x4  }
0xfb: {  	[tilespmem:s0+$0x1B720] =	vst v0;
	v0 =	vld [tilespmem:s0+$0x19740]  }
0xfc: {  	v1 =	vld.idx.msk [tilespmem:v1+s4+$0x0], $0xffff;
	_ =	sdelay $0x4  }
0xfd: {  	[tilespmem:s0+$0x1B730] =	vst v1;
	v1 =	vld [tilespmem:s0+$0x19750];
	_ =	sdelay $0x1  }
0xfe: {  	v0 =	vld.idx.msk [tilespmem:v0+s4+$0x0], $0xffff;
	_ =	sdelay $0x4  }
0xff: {  	[tilespmem:s0+$0x1B740] =	vst v0;
	v0 =	vld [tilespmem:s0+$0x19760]  }
0x100: {  	v1 =	vld.idx.msk [tilespmem:v1+s4+$0x0], $0xffff;
	_ =	sdelay $0x4  }
0x101: {  	[tilespmem:s0+$0x1B750] =	vst v1;
	v1 =	vld [tilespmem:s0+$0x19770];
	_ =	sdelay $0x1  }
0x102: {  	v0 =	vld.idx.msk [tilespmem:v0+s4+$0x0], $0xffff;
	_ =	sdelay $0x4  }
0x103: {  	[tilespmem:s0+$0x1B760] =	vst v0;
	v0 =	vld [tilespmem:s0+$0x19780]  }
0x104: {  	v1 =	vld.idx.msk [tilespmem:v1+s4+$0x0], $0xffff;
	_ =	sdelay $0x4  }
0x105: {  	[tilespmem:s0+$0x1B770] =	vst v1;
	v1 =	vld [tilespmem:s0+$0x19790];
	_ =	sdelay $0x1  }
0x106: {  	v0 =	vld.idx.msk [tilespmem:v0+s4+$0x0], $0xffff;
	_ =	sdelay $0x4  }
0x107: {  	[tilespmem:s0+$0x1B780] =	vst v0;
	v0 =	vld [tilespmem:s0+$0x197A0]  }
0x108: {  	v1 =	vld.idx.msk [tilespmem:v1+s4+$0x0], $0xffff;
	_ =	sdelay $0x4  }
0x109: {  	[tilespmem:s0+$0x1B790] =	vst v1;
	v1 =	vld [tilespmem:s0+$0x197B0];
	_ =	sdelay $0x1  }
0x10a: {  	v0 =	vld.idx.msk [tilespmem:v0+s4+$0x0], $0xffff;
	_ =	sdelay $0x4  }
0x10b: {  	[tilespmem:s0+$0x1B7A0] =	vst v0;
	v0 =	vld [tilespmem:s0+$0x197C0]  }
0x10c: {  	v1 =	vld.idx.msk [tilespmem:v1+s4+$0x0], $0xffff;
	_ =	sdelay $0x4  }
0x10d: {  	[tilespmem:s0+$0x1B7B0] =	vst v1;
	v1 =	vld [tilespmem:s0+$0x197D0];
	_ =	sdelay $0x1  }
0x10e: {  	v0 =	vld.idx.msk [tilespmem:v0+s4+$0x0], $0xffff;
	_ =	sdelay $0x4  }
0x10f: {  	[tilespmem:s0+$0x1B7C0] =	vst v0;
	v0 =	vld [tilespmem:s0+$0x197E0]  }
0x110: {  	v1 =	vld.idx.msk [tilespmem:v1+s4+$0x0], $0xffff;
	_ =	sdelay $0x4  }
0x111: {  	[tilespmem:s0+$0x1B7D0] =	vst v1;
	v1 =	vld [tilespmem:s0+$0x197F0];
	_ =	sdelay $0x1  }
0x112: {  	v0 =	vld.idx.msk [tilespmem:v0+s4+$0x0], $0xffff;
	_ =	sdelay $0x4  }
0x113: {  	[tilespmem:s0+$0x1B7E0] =	vst v0;
	v0 =	vld [tilespmem:s0+$0x19800]  }
0x114: {  	v1 =	vld.idx.msk [tilespmem:v1+s4+$0x0], $0xffff;
	_ =	sdelay $0x4  }
0x115: {  	[tilespmem:s0+$0x1B7F0] =	vst v1;
	v1 =	vld [tilespmem:s0+$0x19810];
	_ =	sdelay $0x1  }
0x116: {  	v0 =	vld.idx.msk [tilespmem:v0+s4+$0x0], $0xffff;
	_ =	sdelay $0x4  }
0x117: {  	[tilespmem:s0+$0x1B800] =	vst v0;
	v0 =	vld [tilespmem:s0+$0x19820]  }
0x118: {  	v1 =	vld.idx.msk [tilespmem:v1+s4+$0x0], $0xffff;
	_ =	sdelay $0x4  }
0x119: {  	[tilespmem:s0+$0x1B810] =	vst v1;
	v1 =	vld [tilespmem:s0+$0x19830];
	_ =	sdelay $0x1  }
0x11a: {  	v0 =	vld.idx.msk [tilespmem:v0+s4+$0x0], $0xffff;
	_ =	sdelay $0x4  }
0x11b: {  	[tilespmem:s0+$0x1B820] =	vst v0;
	v0 =	vld [tilespmem:s0+$0x19840]  }
0x11c: {  	v1 =	vld.idx.msk [tilespmem:v1+s4+$0x0], $0xffff;
	_ =	sdelay $0x4  }
0x11d: {  	[tilespmem:s0+$0x1B830] =	vst v1;
	v1 =	vld [tilespmem:s0+$0x19850];
	_ =	sdelay $0x1  }
0x11e: {  	v0 =	vld.idx.msk [tilespmem:v0+s4+$0x0], $0xffff;
	_ =	sdelay $0x4  }
0x11f: {  	[tilespmem:s0+$0x1B840] =	vst v0;
	v0 =	vld [tilespmem:s0+$0x19860]  }
0x120: {  	v1 =	vld.idx.msk [tilespmem:v1+s4+$0x0], $0xffff;
	_ =	sdelay $0x4  }
0x121: {  	[tilespmem:s0+$0x1B850] =	vst v1;
	v1 =	vld [tilespmem:s0+$0x19870];
	_ =	sdelay $0x1  }
0x122: {  	v0 =	vld.idx.msk [tilespmem:v0+s4+$0x0], $0xffff;
	_ =	sdelay $0x4  }
0x123: {  	[tilespmem:s0+$0x1B860] =	vst v0;
	v0 =	vld [tilespmem:s0+$0x19880]  }
0x124: {  	v1 =	vld.idx.msk [tilespmem:v1+s4+$0x0], $0xffff;
	_ =	sdelay $0x4  }
0x125: {  	[tilespmem:s0+$0x1B870] =	vst v1;
	v1 =	vld [tilespmem:s0+$0x19890];
	_ =	sdelay $0x1  }
0x126: {  	v0 =	vld.idx.msk [tilespmem:v0+s4+$0x0], $0xffff;
	_ =	sdelay $0x4  }
0x127: {  	[tilespmem:s0+$0x1B880] =	vst v0;
	v0 =	vld [tilespmem:s0+$0x198A0]  }
0x128: {  	v1 =	vld.idx.msk [tilespmem:v1+s4+$0x0], $0xffff;
	_ =	sdelay $0x4  }
0x129: {  	[tilespmem:s0+$0x1B890] =	vst v1;
	v1 =	vld [tilespmem:s0+$0x198B0];
	_ =	sdelay $0x1  }
0x12a: {  	v0 =	vld.idx.msk [tilespmem:v0+s4+$0x0], $0xffff;
	_ =	sdelay $0x4  }
0x12b: {  	[tilespmem:s0+$0x1B8A0] =	vst v0;
	v0 =	vld [tilespmem:s0+$0x198C0]  }
0x12c: {  	v1 =	vld.idx.msk [tilespmem:v1+s4+$0x0], $0xffff;
	_ =	sdelay $0x4  }
0x12d: {  	[tilespmem:s0+$0x1B8B0] =	vst v1;
	v1 =	vld [tilespmem:s0+$0x198D0];
	_ =	sdelay $0x1  }
0x12e: {  	v0 =	vld.idx.msk [tilespmem:v0+s4+$0x0], $0xffff;
	_ =	sdelay $0x4  }
0x12f: {  	v2 =	vld [tilespmem:s0+$0x198E0];
	[tilespmem:s0+$0x1B8C0] =	vst v0  }
0x130: {  	v0 =	vld.idx.msk [tilespmem:v1+s4+$0x0], $0xffff;
	_ =	sdelay $0x4  }
0x131: {  	[tilespmem:s0+$0x1B8D0] =	vst v0;
	v0 =	vld [tilespmem:s0+$0x198F0];
	_ =	sdelay $0x1  }
0x132: {  	v1 =	vld.idx.msk [tilespmem:v2+s4+$0x0], $0xffff;
	_ =	sdelay $0x3  }
0x133: {  	s5 =	simm.s32 $0x1000;
	s15 =	simm.s32 $0x200  }
.LBB2_5:
0x134: {  	p0 =	sne.s32 s5, $0x3800;
	v2 =	vld [tilespmem:s15+$0x19700];
	[tilespmem:s0+$0x1B8E0] =	vst v1  }
0x135: {  	v0 =	vld.idx.msk [tilespmem:v0+s4+$0x0], $0xffff;
	_ =	sdelay $0x5  }
0x136: {  	v1 =	vld [tilespmem:s15+$0x19710];
	[tilespmem:s0+$0x1B8F0] =	vst v0;
	s0 =	smov.u32 s15  }
0x137: {  	v0 =	vld.idx.msk [tilespmem:v2+s4+$0x0], $0xffff;
	_ =	sdelay $0x5  }
0x138: {  	[tilespmem:s0+$0x1B700] =	vst v0;
	v0 =	vld [tilespmem:s0+$0x19720]  }
0x139: {  	v1 =	vld.idx.msk [tilespmem:v1+s4+$0x0], $0xffff;
	_ =	sdelay $0x5  }
0x13a: {  	[tilespmem:s0+$0x1B710] =	vst v1;
	v1 =	vld [tilespmem:s0+$0x19730]  }
0x13b: {  	v0 =	vld.idx.msk [tilespmem:v0+s4+$0x0], $0xffff;
	_ =	sdelay $0x5  }
0x13c: {  	[tilespmem:s0+$0x1B720] =	vst v0;
	v0 =	vld [tilespmem:s0+$0x19740]  }
0x13d: {  	v1 =	vld.idx.msk [tilespmem:v1+s4+$0x0], $0xffff;
	_ =	sdelay $0x5  }
0x13e: {  	[tilespmem:s0+$0x1B730] =	vst v1;
	v1 =	vld [tilespmem:s0+$0x19750]  }
0x13f: {  	v0 =	vld.idx.msk [tilespmem:v0+s4+$0x0], $0xffff;
	_ =	sdelay $0x5  }
0x140: {  	[tilespmem:s0+$0x1B740] =	vst v0;
	v0 =	vld [tilespmem:s0+$0x19760]  }
0x141: {  	v1 =	vld.idx.msk [tilespmem:v1+s4+$0x0], $0xffff;
	_ =	sdelay $0x5  }
0x142: {  	[tilespmem:s0+$0x1B750] =	vst v1;
	v1 =	vld [tilespmem:s0+$0x19770]  }
0x143: {  	v0 =	vld.idx.msk [tilespmem:v0+s4+$0x0], $0xffff;
	_ =	sdelay $0x5  }
0x144: {  	[tilespmem:s0+$0x1B760] =	vst v0;
	v0 =	vld [tilespmem:s0+$0x19780]  }
0x145: {  	v1 =	vld.idx.msk [tilespmem:v1+s4+$0x0], $0xffff;
	_ =	sdelay $0x5  }
0x146: {  	[tilespmem:s0+$0x1B770] =	vst v1;
	v1 =	vld [tilespmem:s0+$0x19790]  }
0x147: {  	v0 =	vld.idx.msk [tilespmem:v0+s4+$0x0], $0xffff;
	_ =	sdelay $0x5  }
0x148: {  	[tilespmem:s0+$0x1B780] =	vst v0;
	v0 =	vld [tilespmem:s0+$0x197A0]  }
0x149: {  	v1 =	vld.idx.msk [tilespmem:v1+s4+$0x0], $0xffff;
	_ =	sdelay $0x5  }
0x14a: {  	[tilespmem:s0+$0x1B790] =	vst v1;
	v1 =	vld [tilespmem:s0+$0x197B0]  }
0x14b: {  	v0 =	vld.idx.msk [tilespmem:v0+s4+$0x0], $0xffff;
	_ =	sdelay $0x5  }
0x14c: {  	[tilespmem:s0+$0x1B7A0] =	vst v0;
	v0 =	vld [tilespmem:s0+$0x197C0]  }
0x14d: {  	v1 =	vld.idx.msk [tilespmem:v1+s4+$0x0], $0xffff;
	_ =	sdelay $0x5  }
0x14e: {  	[tilespmem:s0+$0x1B7B0] =	vst v1;
	v1 =	vld [tilespmem:s0+$0x197D0]  }
0x14f: {  	v0 =	vld.idx.msk [tilespmem:v0+s4+$0x0], $0xffff;
	_ =	sdelay $0x5  }
0x150: {  	[tilespmem:s0+$0x1B7C0] =	vst v0;
	v0 =	vld [tilespmem:s0+$0x197E0]  }
0x151: {  	v1 =	vld.idx.msk [tilespmem:v1+s4+$0x0], $0xffff;
	_ =	sdelay $0x5  }
0x152: {  	[tilespmem:s0+$0x1B7D0] =	vst v1;
	v1 =	vld [tilespmem:s0+$0x197F0]  }
0x153: {  	v0 =	vld.idx.msk [tilespmem:v0+s4+$0x0], $0xffff;
	_ =	sdelay $0x5  }
0x154: {  	[tilespmem:s0+$0x1B7E0] =	vst v0;
	v0 =	vld [tilespmem:s0+$0x19800]  }
0x155: {  	v1 =	vld.idx.msk [tilespmem:v1+s4+$0x0], $0xffff;
	_ =	sdelay $0x5  }
0x156: {  	[tilespmem:s0+$0x1B7F0] =	vst v1;
	v1 =	vld [tilespmem:s0+$0x19810]  }
0x157: {  	v0 =	vld.idx.msk [tilespmem:v0+s4+$0x0], $0xffff;
	_ =	sdelay $0x5  }
0x158: {  	[tilespmem:s0+$0x1B800] =	vst v0;
	v0 =	vld [tilespmem:s0+$0x19820]  }
0x159: {  	v1 =	vld.idx.msk [tilespmem:v1+s4+$0x0], $0xffff;
	_ =	sdelay $0x5  }
0x15a: {  	[tilespmem:s0+$0x1B810] =	vst v1;
	v1 =	vld [tilespmem:s0+$0x19830]  }
0x15b: {  	v0 =	vld.idx.msk [tilespmem:v0+s4+$0x0], $0xffff;
	_ =	sdelay $0x5  }
0x15c: {  	[tilespmem:s0+$0x1B820] =	vst v0;
	v0 =	vld [tilespmem:s0+$0x19840]  }
0x15d: {  	v1 =	vld.idx.msk [tilespmem:v1+s4+$0x0], $0xffff;
	_ =	sdelay $0x5  }
0x15e: {  	[tilespmem:s0+$0x1B830] =	vst v1;
	v1 =	vld [tilespmem:s0+$0x19850]  }
0x15f: {  	v0 =	vld.idx.msk [tilespmem:v0+s4+$0x0], $0xffff;
	_ =	sdelay $0x5  }
0x160: {  	[tilespmem:s0+$0x1B840] =	vst v0;
	v0 =	vld [tilespmem:s0+$0x19860]  }
0x161: {  	v1 =	vld.idx.msk [tilespmem:v1+s4+$0x0], $0xffff;
	_ =	sdelay $0x5  }
0x162: {  	[tilespmem:s0+$0x1B850] =	vst v1;
	v1 =	vld [tilespmem:s0+$0x19870]  }
0x163: {  	v0 =	vld.idx.msk [tilespmem:v0+s4+$0x0], $0xffff;
	_ =	sdelay $0x5  }
0x164: {  	[tilespmem:s0+$0x1B860] =	vst v0;
	v0 =	vld [tilespmem:s0+$0x19880]  }
0x165: {  	v1 =	vld.idx.msk [tilespmem:v1+s4+$0x0], $0xffff;
	_ =	sdelay $0x5  }
0x166: {  	[tilespmem:s0+$0x1B870] =	vst v1;
	v1 =	vld [tilespmem:s0+$0x19890]  }
0x167: {  	v0 =	vld.idx.msk [tilespmem:v0+s4+$0x0], $0xffff;
	_ =	sdelay $0x5  }
0x168: {  	[tilespmem:s0+$0x1B880] =	vst v0;
	v0 =	vld [tilespmem:s0+$0x198A0]  }
0x169: {  	v1 =	vld.idx.msk [tilespmem:v1+s4+$0x0], $0xffff;
	_ =	sdelay $0x5  }
0x16a: {  	[tilespmem:s0+$0x1B890] =	vst v1;
	v1 =	vld [tilespmem:s0+$0x198B0]  }
0x16b: {  	v0 =	vld.idx.msk [tilespmem:v0+s4+$0x0], $0xffff;
	_ =	sdelay $0x5  }
0x16c: {  	[tilespmem:s0+$0x1B8A0] =	vst v0;
	v0 =	vld [tilespmem:s0+$0x198C0]  }
0x16d: {  	v1 =	vld.idx.msk [tilespmem:v1+s4+$0x0], $0xffff;
	_ =	sdelay $0x5  }
0x16e: {  	[tilespmem:s0+$0x1B8B0] =	vst v1;
	v1 =	vld [tilespmem:s0+$0x198D0]  }
0x16f: {  	v0 =	vld.idx.msk [tilespmem:v0+s4+$0x0], $0xffff;
	_ =	sdelay $0x5  }
0x170: {  	[tilespmem:s0+$0x1B8C0] =	vst v0;
	v2 =	vld [tilespmem:s0+$0x198E0]  }
0x171: {  	v0 =	vld.idx.msk [tilespmem:v1+s4+$0x0], $0xffff;
	_ =	sdelay $0x5  }
0x172: {  	[tilespmem:s0+$0x1B8D0] =	vst v0;
	v0 =	vld [tilespmem:s0+$0x198F0]  }
0x173: {  	v1 =	vld.idx.msk [tilespmem:v2+s4+$0x0], $0xffff  }
.Ltmp1:
0x174: {  	(pc) =	sbr.rel @p0 .LBB2_5-.Ltmp1, $2  }
0x175: {  	_ =	sdelay $0x2  }
0x176: {  	s15 =	sshra.s32 s5, $0x2;
	s5 =	sadd.s32 $0x800, s5  }
0x177: {  	_ =	sdelay $0x1  }
0x178: {  	v2 =	vld [tilespmem:s15+$0x19700]  }
0x179: {  	[tilespmem:s0+$0x1B8E0] =	vst v1  }
0x17a: {  	v0 =	vld.idx.msk [tilespmem:v0+s4+$0x0], $0xffff;
	_ =	sdelay $0x3  }
0x17b: {  	v1 =	vld [tilespmem:s15+$0x19710]  }
0x17c: {  	[tilespmem:s0+$0x1B8F0] =	vst v0  }
0x17d: {  	v0 =	vld.idx.msk [tilespmem:v2+s4+$0x0], $0xffff;
	_ =	sdelay $0x4  }
0x17e: {  	[tilespmem:s15+$0x1B700] =	vst v0;
	v0 =	vld [tilespmem:s15+$0x19720]  }
0x17f: {  	v1 =	vld.idx.msk [tilespmem:v1+s4+$0x0], $0xffff;
	_ =	sdelay $0x4  }
0x180: {  	[tilespmem:s15+$0x1B710] =	vst v1;
	v1 =	vld [tilespmem:s15+$0x19730];
	_ =	sdelay $0x1  }
0x181: {  	v0 =	vld.idx.msk [tilespmem:v0+s4+$0x0], $0xffff;
	_ =	sdelay $0x4  }
0x182: {  	[tilespmem:s15+$0x1B720] =	vst v0;
	v0 =	vld [tilespmem:s15+$0x19740]  }
0x183: {  	v1 =	vld.idx.msk [tilespmem:v1+s4+$0x0], $0xffff;
	_ =	sdelay $0x4  }
0x184: {  	[tilespmem:s15+$0x1B730] =	vst v1;
	v1 =	vld [tilespmem:s15+$0x19750];
	_ =	sdelay $0x1  }
0x185: {  	v0 =	vld.idx.msk [tilespmem:v0+s4+$0x0], $0xffff;
	_ =	sdelay $0x4  }
0x186: {  	[tilespmem:s15+$0x1B740] =	vst v0;
	v0 =	vld [tilespmem:s15+$0x19760]  }
0x187: {  	v1 =	vld.idx.msk [tilespmem:v1+s4+$0x0], $0xffff;
	_ =	sdelay $0x4  }
0x188: {  	[tilespmem:s15+$0x1B750] =	vst v1;
	v1 =	vld [tilespmem:s15+$0x19770];
	_ =	sdelay $0x1  }
0x189: {  	v0 =	vld.idx.msk [tilespmem:v0+s4+$0x0], $0xffff;
	_ =	sdelay $0x4  }
0x18a: {  	[tilespmem:s15+$0x1B760] =	vst v0;
	v0 =	vld [tilespmem:s15+$0x19780]  }
0x18b: {  	v1 =	vld.idx.msk [tilespmem:v1+s4+$0x0], $0xffff;
	_ =	sdelay $0x4  }
0x18c: {  	[tilespmem:s15+$0x1B770] =	vst v1;
	v1 =	vld [tilespmem:s15+$0x19790];
	_ =	sdelay $0x1  }
0x18d: {  	v0 =	vld.idx.msk [tilespmem:v0+s4+$0x0], $0xffff;
	_ =	sdelay $0x4  }
0x18e: {  	[tilespmem:s15+$0x1B780] =	vst v0;
	v0 =	vld [tilespmem:s15+$0x197A0]  }
0x18f: {  	v1 =	vld.idx.msk [tilespmem:v1+s4+$0x0], $0xffff;
	_ =	sdelay $0x4  }
0x190: {  	[tilespmem:s15+$0x1B790] =	vst v1;
	v1 =	vld [tilespmem:s15+$0x197B0];
	_ =	sdelay $0x1  }
0x191: {  	v0 =	vld.idx.msk [tilespmem:v0+s4+$0x0], $0xffff;
	_ =	sdelay $0x4  }
0x192: {  	[tilespmem:s15+$0x1B7A0] =	vst v0;
	v0 =	vld [tilespmem:s15+$0x197C0]  }
0x193: {  	v1 =	vld.idx.msk [tilespmem:v1+s4+$0x0], $0xffff;
	_ =	sdelay $0x4  }
0x194: {  	[tilespmem:s15+$0x1B7B0] =	vst v1;
	v1 =	vld [tilespmem:s15+$0x197D0];
	_ =	sdelay $0x1  }
0x195: {  	v0 =	vld.idx.msk [tilespmem:v0+s4+$0x0], $0xffff;
	_ =	sdelay $0x4  }
0x196: {  	[tilespmem:s15+$0x1B7C0] =	vst v0;
	v0 =	vld [tilespmem:s15+$0x197E0]  }
0x197: {  	v1 =	vld.idx.msk [tilespmem:v1+s4+$0x0], $0xffff;
	_ =	sdelay $0x4  }
0x198: {  	[tilespmem:s15+$0x1B7D0] =	vst v1;
	v1 =	vld [tilespmem:s15+$0x197F0];
	_ =	sdelay $0x1  }
0x199: {  	v0 =	vld.idx.msk [tilespmem:v0+s4+$0x0], $0xffff;
	_ =	sdelay $0x4  }
0x19a: {  	[tilespmem:s15+$0x1B7E0] =	vst v0;
	v0 =	vld [tilespmem:s15+$0x19800]  }
0x19b: {  	v1 =	vld.idx.msk [tilespmem:v1+s4+$0x0], $0xffff;
	_ =	sdelay $0x4  }
0x19c: {  	[tilespmem:s15+$0x1B7F0] =	vst v1;
	v1 =	vld [tilespmem:s15+$0x19810];
	_ =	sdelay $0x1  }
0x19d: {  	v0 =	vld.idx.msk [tilespmem:v0+s4+$0x0], $0xffff;
	_ =	sdelay $0x4  }
0x19e: {  	[tilespmem:s15+$0x1B800] =	vst v0;
	v0 =	vld [tilespmem:s15+$0x19820]  }
0x19f: {  	v1 =	vld.idx.msk [tilespmem:v1+s4+$0x0], $0xffff;
	_ =	sdelay $0x4  }
0x1a0: {  	[tilespmem:s15+$0x1B810] =	vst v1;
	v1 =	vld [tilespmem:s15+$0x19830];
	_ =	sdelay $0x1  }
0x1a1: {  	v0 =	vld.idx.msk [tilespmem:v0+s4+$0x0], $0xffff;
	_ =	sdelay $0x4  }
0x1a2: {  	[tilespmem:s15+$0x1B820] =	vst v0;
	v0 =	vld [tilespmem:s15+$0x19840]  }
0x1a3: {  	v1 =	vld.idx.msk [tilespmem:v1+s4+$0x0], $0xffff;
	_ =	sdelay $0x4  }
0x1a4: {  	[tilespmem:s15+$0x1B830] =	vst v1;
	v1 =	vld [tilespmem:s15+$0x19850];
	_ =	sdelay $0x1  }
0x1a5: {  	v0 =	vld.idx.msk [tilespmem:v0+s4+$0x0], $0xffff;
	_ =	sdelay $0x4  }
0x1a6: {  	[tilespmem:s15+$0x1B840] =	vst v0;
	v0 =	vld [tilespmem:s15+$0x19860]  }
0x1a7: {  	v1 =	vld.idx.msk [tilespmem:v1+s4+$0x0], $0xffff;
	_ =	sdelay $0x4  }
0x1a8: {  	[tilespmem:s15+$0x1B850] =	vst v1;
	v1 =	vld [tilespmem:s15+$0x19870];
	_ =	sdelay $0x1  }
0x1a9: {  	v0 =	vld.idx.msk [tilespmem:v0+s4+$0x0], $0xffff;
	_ =	sdelay $0x4  }
0x1aa: {  	[tilespmem:s15+$0x1B860] =	vst v0;
	v0 =	vld [tilespmem:s15+$0x19880]  }
0x1ab: {  	v1 =	vld.idx.msk [tilespmem:v1+s4+$0x0], $0xffff;
	_ =	sdelay $0x4  }
0x1ac: {  	[tilespmem:s15+$0x1B870] =	vst v1;
	v1 =	vld [tilespmem:s15+$0x19890];
	_ =	sdelay $0x1  }
0x1ad: {  	v0 =	vld.idx.msk [tilespmem:v0+s4+$0x0], $0xffff;
	_ =	sdelay $0x4  }
0x1ae: {  	[tilespmem:s15+$0x1B880] =	vst v0;
	v0 =	vld [tilespmem:s15+$0x198A0]  }
0x1af: {  	v1 =	vld.idx.msk [tilespmem:v1+s4+$0x0], $0xffff;
	_ =	sdelay $0x4  }
0x1b0: {  	[tilespmem:s15+$0x1B890] =	vst v1;
	v1 =	vld [tilespmem:s15+$0x198B0];
	_ =	sdelay $0x1  }
0x1b1: {  	v0 =	vld.idx.msk [tilespmem:v0+s4+$0x0], $0xffff;
	_ =	sdelay $0x4  }
0x1b2: {  	[tilespmem:s15+$0x1B8A0] =	vst v0;
	v0 =	vld [tilespmem:s15+$0x198C0]  }
0x1b3: {  	v1 =	vld.idx.msk [tilespmem:v1+s4+$0x0], $0xffff;
	_ =	sdelay $0x4  }
0x1b4: {  	[tilespmem:s15+$0x1B8B0] =	vst v1;
	v1 =	vld [tilespmem:s15+$0x198D0];
	_ =	sdelay $0x1  }
0x1b5: {  	v0 =	vld.idx.msk [tilespmem:v0+s4+$0x0], $0xffff;
	_ =	sdelay $0x4  }
0x1b6: {  	[tilespmem:s15+$0x1B8C0] =	vst v0;
	v0 =	vld [tilespmem:s15+$0x198E0]  }
0x1b7: {  	v1 =	vld.idx.msk [tilespmem:v1+s4+$0x0], $0xffff;
	_ =	sdelay $0x4  }
0x1b8: {  	[tilespmem:s15+$0x1B8D0] =	vst v1;
	v1 =	vld [tilespmem:s15+$0x198F0];
	_ =	sdelay $0x1  }
0x1b9: {  	v0 =	vld.idx.msk [tilespmem:v0+s4+$0x0], $0xffff;
	_ =	sdelay $0x4  }
0x1ba: {  	[tilespmem:s15+$0x1B8E0] =	vst v0  }
0x1bb: {  	v0 =	vld.idx.msk [tilespmem:v1+s4+$0x0], $0xffff;
	_ =	sdelay $0x4  }
0x1bc: {  	[tilespmem:s15+$0x1B8F0] =	vst v0;
	s15 =	sadd.s32 s31, s11  }
0x1bd: {  	[tilespmem:s19], [sflag:$0x2] =	stream.strided.gather [hbm4b:s15+s16], $0x1000, s17, s16, $0x38;
	[tilespmem:$0x1C700] =	vst v63  }
0x1be: {  	s31 =	sadd.s32 s30, s12  }
0x1bf: {  	[hbm4b:s31+s16] =	stream.strided.scatter [tilespmem:s24], [sflag:$0x4], $0x1000, s17, s16, $0x38;
	[tilespmem:$0x1C700] =	vst v63  }
0x1c0: {  	_ =	swait.ge [sflag:s21], $0x1000  }
0x1c1: {  	[sflag:s21] =	ssyncset.done $0x0  }
0x1c2: {  	[sflag:s21] =	ssyncadd.s32 $0xFFFFF000  }
0x1c3: {  	_ =	swait.ge [sflag:s25], $0x1000  }
0x1c4: {  	[sflag:s25] =	ssyncset.done $0x0  }
0x1c5: {  	s0 =	simm.s32 $0x0;
	[sflag:s25] =	ssyncadd.s32 $0xFFFFF000  }
0x1c6: {  	v0 =	vld [tilespmem:s0+$0x18700];
	_ =	sdelay $0x5  }
0x1c7: {  	v1 =	vld [tilespmem:s0+$0x18710];
	_ =	sdelay $0x1  }
0x1c8: {  	v0 =	vld.idx.msk [tilespmem:v0+s4+$0x0], $0xffff;
	_ =	sdelay $0x4  }
0x1c9: {  	[tilespmem:s0+$0x1A700] =	vst v0;
	v0 =	vld [tilespmem:s0+$0x18720]  }
0x1ca: {  	v1 =	vld.idx.msk [tilespmem:v1+s4+$0x0], $0xffff;
	_ =	sdelay $0x4  }
0x1cb: {  	[tilespmem:s0+$0x1A710] =	vst v1;
	v1 =	vld [tilespmem:s0+$0x18730];
	_ =	sdelay $0x1  }
0x1cc: {  	v0 =	vld.idx.msk [tilespmem:v0+s4+$0x0], $0xffff;
	_ =	sdelay $0x4  }
0x1cd: {  	[tilespmem:s0+$0x1A720] =	vst v0;
	v0 =	vld [tilespmem:s0+$0x18740]  }
0x1ce: {  	v1 =	vld.idx.msk [tilespmem:v1+s4+$0x0], $0xffff;
	_ =	sdelay $0x4  }
0x1cf: {  	[tilespmem:s0+$0x1A730] =	vst v1;
	v1 =	vld [tilespmem:s0+$0x18750];
	_ =	sdelay $0x1  }
0x1d0: {  	v0 =	vld.idx.msk [tilespmem:v0+s4+$0x0], $0xffff;
	_ =	sdelay $0x4  }
0x1d1: {  	[tilespmem:s0+$0x1A740] =	vst v0;
	v0 =	vld [tilespmem:s0+$0x18760]  }
0x1d2: {  	v1 =	vld.idx.msk [tilespmem:v1+s4+$0x0], $0xffff;
	_ =	sdelay $0x4  }
0x1d3: {  	[tilespmem:s0+$0x1A750] =	vst v1;
	v1 =	vld [tilespmem:s0+$0x18770];
	_ =	sdelay $0x1  }
0x1d4: {  	v0 =	vld.idx.msk [tilespmem:v0+s4+$0x0], $0xffff;
	_ =	sdelay $0x4  }
0x1d5: {  	[tilespmem:s0+$0x1A760] =	vst v0;
	v0 =	vld [tilespmem:s0+$0x18780]  }
0x1d6: {  	v1 =	vld.idx.msk [tilespmem:v1+s4+$0x0], $0xffff;
	_ =	sdelay $0x4  }
0x1d7: {  	[tilespmem:s0+$0x1A770] =	vst v1;
	v1 =	vld [tilespmem:s0+$0x18790];
	_ =	sdelay $0x1  }
0x1d8: {  	v0 =	vld.idx.msk [tilespmem:v0+s4+$0x0], $0xffff;
	_ =	sdelay $0x4  }
0x1d9: {  	[tilespmem:s0+$0x1A780] =	vst v0;
	v0 =	vld [tilespmem:s0+$0x187A0]  }
0x1da: {  	v1 =	vld.idx.msk [tilespmem:v1+s4+$0x0], $0xffff;
	_ =	sdelay $0x4  }
0x1db: {  	[tilespmem:s0+$0x1A790] =	vst v1;
	v1 =	vld [tilespmem:s0+$0x187B0];
	_ =	sdelay $0x1  }
0x1dc: {  	v0 =	vld.idx.msk [tilespmem:v0+s4+$0x0], $0xffff;
	_ =	sdelay $0x4  }
0x1dd: {  	[tilespmem:s0+$0x1A7A0] =	vst v0;
	v0 =	vld [tilespmem:s0+$0x187C0]  }
0x1de: {  	v1 =	vld.idx.msk [tilespmem:v1+s4+$0x0], $0xffff;
	_ =	sdelay $0x4  }
0x1df: {  	[tilespmem:s0+$0x1A7B0] =	vst v1;
	v1 =	vld [tilespmem:s0+$0x187D0];
	_ =	sdelay $0x1  }
0x1e0: {  	v0 =	vld.idx.msk [tilespmem:v0+s4+$0x0], $0xffff;
	_ =	sdelay $0x4  }
0x1e1: {  	[tilespmem:s0+$0x1A7C0] =	vst v0;
	v0 =	vld [tilespmem:s0+$0x187E0]  }
0x1e2: {  	v1 =	vld.idx.msk [tilespmem:v1+s4+$0x0], $0xffff;
	_ =	sdelay $0x4  }
0x1e3: {  	[tilespmem:s0+$0x1A7D0] =	vst v1;
	v1 =	vld [tilespmem:s0+$0x187F0];
	_ =	sdelay $0x1  }
0x1e4: {  	v0 =	vld.idx.msk [tilespmem:v0+s4+$0x0], $0xffff;
	_ =	sdelay $0x4  }
0x1e5: {  	[tilespmem:s0+$0x1A7E0] =	vst v0;
	v0 =	vld [tilespmem:s0+$0x18800]  }
0x1e6: {  	v1 =	vld.idx.msk [tilespmem:v1+s4+$0x0], $0xffff;
	_ =	sdelay $0x4  }
0x1e7: {  	[tilespmem:s0+$0x1A7F0] =	vst v1;
	v1 =	vld [tilespmem:s0+$0x18810];
	_ =	sdelay $0x1  }
0x1e8: {  	v0 =	vld.idx.msk [tilespmem:v0+s4+$0x0], $0xffff;
	_ =	sdelay $0x4  }
0x1e9: {  	[tilespmem:s0+$0x1A800] =	vst v0;
	v0 =	vld [tilespmem:s0+$0x18820]  }
0x1ea: {  	v1 =	vld.idx.msk [tilespmem:v1+s4+$0x0], $0xffff;
	_ =	sdelay $0x4  }
0x1eb: {  	[tilespmem:s0+$0x1A810] =	vst v1;
	v1 =	vld [tilespmem:s0+$0x18830];
	_ =	sdelay $0x1  }
0x1ec: {  	v0 =	vld.idx.msk [tilespmem:v0+s4+$0x0], $0xffff;
	_ =	sdelay $0x4  }
0x1ed: {  	[tilespmem:s0+$0x1A820] =	vst v0;
	v0 =	vld [tilespmem:s0+$0x18840]  }
0x1ee: {  	v1 =	vld.idx.msk [tilespmem:v1+s4+$0x0], $0xffff;
	_ =	sdelay $0x4  }
0x1ef: {  	[tilespmem:s0+$0x1A830] =	vst v1;
	v1 =	vld [tilespmem:s0+$0x18850];
	_ =	sdelay $0x1  }
0x1f0: {  	v0 =	vld.idx.msk [tilespmem:v0+s4+$0x0], $0xffff;
	_ =	sdelay $0x4  }
0x1f1: {  	[tilespmem:s0+$0x1A840] =	vst v0;
	v0 =	vld [tilespmem:s0+$0x18860]  }
0x1f2: {  	v1 =	vld.idx.msk [tilespmem:v1+s4+$0x0], $0xffff;
	_ =	sdelay $0x4  }
0x1f3: {  	[tilespmem:s0+$0x1A850] =	vst v1;
	v1 =	vld [tilespmem:s0+$0x18870];
	_ =	sdelay $0x1  }
0x1f4: {  	v0 =	vld.idx.msk [tilespmem:v0+s4+$0x0], $0xffff;
	_ =	sdelay $0x4  }
0x1f5: {  	[tilespmem:s0+$0x1A860] =	vst v0;
	v0 =	vld [tilespmem:s0+$0x18880]  }
0x1f6: {  	v1 =	vld.idx.msk [tilespmem:v1+s4+$0x0], $0xffff;
	_ =	sdelay $0x4  }
0x1f7: {  	[tilespmem:s0+$0x1A870] =	vst v1;
	v1 =	vld [tilespmem:s0+$0x18890];
	_ =	sdelay $0x1  }
0x1f8: {  	v0 =	vld.idx.msk [tilespmem:v0+s4+$0x0], $0xffff;
	_ =	sdelay $0x4  }
0x1f9: {  	[tilespmem:s0+$0x1A880] =	vst v0;
	v0 =	vld [tilespmem:s0+$0x188A0]  }
0x1fa: {  	v1 =	vld.idx.msk [tilespmem:v1+s4+$0x0], $0xffff;
	_ =	sdelay $0x4  }
0x1fb: {  	[tilespmem:s0+$0x1A890] =	vst v1;
	v1 =	vld [tilespmem:s0+$0x188B0];
	_ =	sdelay $0x1  }
0x1fc: {  	v0 =	vld.idx.msk [tilespmem:v0+s4+$0x0], $0xffff;
	_ =	sdelay $0x4  }
0x1fd: {  	[tilespmem:s0+$0x1A8A0] =	vst v0;
	v0 =	vld [tilespmem:s0+$0x188C0]  }
0x1fe: {  	v1 =	vld.idx.msk [tilespmem:v1+s4+$0x0], $0xffff;
	_ =	sdelay $0x4  }
0x1ff: {  	[tilespmem:s0+$0x1A8B0] =	vst v1;
	v1 =	vld [tilespmem:s0+$0x188D0];
	_ =	sdelay $0x1  }
0x200: {  	v0 =	vld.idx.msk [tilespmem:v0+s4+$0x0], $0xffff;
	_ =	sdelay $0x4  }
0x201: {  	v2 =	vld [tilespmem:s0+$0x188E0];
	[tilespmem:s0+$0x1A8C0] =	vst v0  }
0x202: {  	v0 =	vld.idx.msk [tilespmem:v1+s4+$0x0], $0xffff;
	_ =	sdelay $0x4  }
0x203: {  	[tilespmem:s0+$0x1A8D0] =	vst v0;
	v0 =	vld [tilespmem:s0+$0x188F0];
	_ =	sdelay $0x1  }
0x204: {  	v1 =	vld.idx.msk [tilespmem:v2+s4+$0x0], $0xffff;
	_ =	sdelay $0x3  }
0x205: {  	s5 =	simm.s32 $0x1000;
	s15 =	simm.s32 $0x200  }
.LBB2_7:
0x206: {  	p0 =	sne.s32 s5, $0x3800;
	v2 =	vld [tilespmem:s15+$0x18700];
	[tilespmem:s0+$0x1A8E0] =	vst v1  }
0x207: {  	v0 =	vld.idx.msk [tilespmem:v0+s4+$0x0], $0xffff;
	_ =	sdelay $0x5  }
0x208: {  	v1 =	vld [tilespmem:s15+$0x18710];
	[tilespmem:s0+$0x1A8F0] =	vst v0;
	s0 =	smov.u32 s15  }
0x209: {  	v0 =	vld.idx.msk [tilespmem:v2+s4+$0x0], $0xffff;
	_ =	sdelay $0x5  }
0x20a: {  	[tilespmem:s0+$0x1A700] =	vst v0;
	v0 =	vld [tilespmem:s0+$0x18720]  }
0x20b: {  	v1 =	vld.idx.msk [tilespmem:v1+s4+$0x0], $0xffff;
	_ =	sdelay $0x5  }
0x20c: {  	[tilespmem:s0+$0x1A710] =	vst v1;
	v1 =	vld [tilespmem:s0+$0x18730]  }
0x20d: {  	v0 =	vld.idx.msk [tilespmem:v0+s4+$0x0], $0xffff;
	_ =	sdelay $0x5  }
0x20e: {  	[tilespmem:s0+$0x1A720] =	vst v0;
	v0 =	vld [tilespmem:s0+$0x18740]  }
0x20f: {  	v1 =	vld.idx.msk [tilespmem:v1+s4+$0x0], $0xffff;
	_ =	sdelay $0x5  }
0x210: {  	[tilespmem:s0+$0x1A730] =	vst v1;
	v1 =	vld [tilespmem:s0+$0x18750]  }
0x211: {  	v0 =	vld.idx.msk [tilespmem:v0+s4+$0x0], $0xffff;
	_ =	sdelay $0x5  }
0x212: {  	[tilespmem:s0+$0x1A740] =	vst v0;
	v0 =	vld [tilespmem:s0+$0x18760]  }
0x213: {  	v1 =	vld.idx.msk [tilespmem:v1+s4+$0x0], $0xffff;
	_ =	sdelay $0x5  }
0x214: {  	[tilespmem:s0+$0x1A750] =	vst v1;
	v1 =	vld [tilespmem:s0+$0x18770]  }
0x215: {  	v0 =	vld.idx.msk [tilespmem:v0+s4+$0x0], $0xffff;
	_ =	sdelay $0x5  }
0x216: {  	[tilespmem:s0+$0x1A760] =	vst v0;
	v0 =	vld [tilespmem:s0+$0x18780]  }
0x217: {  	v1 =	vld.idx.msk [tilespmem:v1+s4+$0x0], $0xffff;
	_ =	sdelay $0x5  }
0x218: {  	[tilespmem:s0+$0x1A770] =	vst v1;
	v1 =	vld [tilespmem:s0+$0x18790]  }
0x219: {  	v0 =	vld.idx.msk [tilespmem:v0+s4+$0x0], $0xffff;
	_ =	sdelay $0x5  }
0x21a: {  	[tilespmem:s0+$0x1A780] =	vst v0;
	v0 =	vld [tilespmem:s0+$0x187A0]  }
0x21b: {  	v1 =	vld.idx.msk [tilespmem:v1+s4+$0x0], $0xffff;
	_ =	sdelay $0x5  }
0x21c: {  	[tilespmem:s0+$0x1A790] =	vst v1;
	v1 =	vld [tilespmem:s0+$0x187B0]  }
0x21d: {  	v0 =	vld.idx.msk [tilespmem:v0+s4+$0x0], $0xffff;
	_ =	sdelay $0x5  }
0x21e: {  	[tilespmem:s0+$0x1A7A0] =	vst v0;
	v0 =	vld [tilespmem:s0+$0x187C0]  }
0x21f: {  	v1 =	vld.idx.msk [tilespmem:v1+s4+$0x0], $0xffff;
	_ =	sdelay $0x5  }
0x220: {  	[tilespmem:s0+$0x1A7B0] =	vst v1;
	v1 =	vld [tilespmem:s0+$0x187D0]  }
0x221: {  	v0 =	vld.idx.msk [tilespmem:v0+s4+$0x0], $0xffff;
	_ =	sdelay $0x5  }
0x222: {  	[tilespmem:s0+$0x1A7C0] =	vst v0;
	v0 =	vld [tilespmem:s0+$0x187E0]  }
0x223: {  	v1 =	vld.idx.msk [tilespmem:v1+s4+$0x0], $0xffff;
	_ =	sdelay $0x5  }
0x224: {  	[tilespmem:s0+$0x1A7D0] =	vst v1;
	v1 =	vld [tilespmem:s0+$0x187F0]  }
0x225: {  	v0 =	vld.idx.msk [tilespmem:v0+s4+$0x0], $0xffff;
	_ =	sdelay $0x5  }
0x226: {  	[tilespmem:s0+$0x1A7E0] =	vst v0;
	v0 =	vld [tilespmem:s0+$0x18800]  }
0x227: {  	v1 =	vld.idx.msk [tilespmem:v1+s4+$0x0], $0xffff;
	_ =	sdelay $0x5  }
0x228: {  	[tilespmem:s0+$0x1A7F0] =	vst v1;
	v1 =	vld [tilespmem:s0+$0x18810]  }
0x229: {  	v0 =	vld.idx.msk [tilespmem:v0+s4+$0x0], $0xffff;
	_ =	sdelay $0x5  }
0x22a: {  	[tilespmem:s0+$0x1A800] =	vst v0;
	v0 =	vld [tilespmem:s0+$0x18820]  }
0x22b: {  	v1 =	vld.idx.msk [tilespmem:v1+s4+$0x0], $0xffff;
	_ =	sdelay $0x5  }
0x22c: {  	[tilespmem:s0+$0x1A810] =	vst v1;
	v1 =	vld [tilespmem:s0+$0x18830]  }
0x22d: {  	v0 =	vld.idx.msk [tilespmem:v0+s4+$0x0], $0xffff;
	_ =	sdelay $0x5  }
0x22e: {  	[tilespmem:s0+$0x1A820] =	vst v0;
	v0 =	vld [tilespmem:s0+$0x18840]  }
0x22f: {  	v1 =	vld.idx.msk [tilespmem:v1+s4+$0x0], $0xffff;
	_ =	sdelay $0x5  }
0x230: {  	[tilespmem:s0+$0x1A830] =	vst v1;
	v1 =	vld [tilespmem:s0+$0x18850]  }
0x231: {  	v0 =	vld.idx.msk [tilespmem:v0+s4+$0x0], $0xffff;
	_ =	sdelay $0x5  }
0x232: {  	[tilespmem:s0+$0x1A840] =	vst v0;
	v0 =	vld [tilespmem:s0+$0x18860]  }
0x233: {  	v1 =	vld.idx.msk [tilespmem:v1+s4+$0x0], $0xffff;
	_ =	sdelay $0x5  }
0x234: {  	[tilespmem:s0+$0x1A850] =	vst v1;
	v1 =	vld [tilespmem:s0+$0x18870]  }
0x235: {  	v0 =	vld.idx.msk [tilespmem:v0+s4+$0x0], $0xffff;
	_ =	sdelay $0x5  }
0x236: {  	[tilespmem:s0+$0x1A860] =	vst v0;
	v0 =	vld [tilespmem:s0+$0x18880]  }
0x237: {  	v1 =	vld.idx.msk [tilespmem:v1+s4+$0x0], $0xffff;
	_ =	sdelay $0x5  }
0x238: {  	[tilespmem:s0+$0x1A870] =	vst v1;
	v1 =	vld [tilespmem:s0+$0x18890]  }
0x239: {  	v0 =	vld.idx.msk [tilespmem:v0+s4+$0x0], $0xffff;
	_ =	sdelay $0x5  }
0x23a: {  	[tilespmem:s0+$0x1A880] =	vst v0;
	v0 =	vld [tilespmem:s0+$0x188A0]  }
0x23b: {  	v1 =	vld.idx.msk [tilespmem:v1+s4+$0x0], $0xffff;
	_ =	sdelay $0x5  }
0x23c: {  	[tilespmem:s0+$0x1A890] =	vst v1;
	v1 =	vld [tilespmem:s0+$0x188B0]  }
0x23d: {  	v0 =	vld.idx.msk [tilespmem:v0+s4+$0x0], $0xffff;
	_ =	sdelay $0x5  }
0x23e: {  	[tilespmem:s0+$0x1A8A0] =	vst v0;
	v0 =	vld [tilespmem:s0+$0x188C0]  }
0x23f: {  	v1 =	vld.idx.msk [tilespmem:v1+s4+$0x0], $0xffff;
	_ =	sdelay $0x5  }
0x240: {  	[tilespmem:s0+$0x1A8B0] =	vst v1;
	v1 =	vld [tilespmem:s0+$0x188D0]  }
0x241: {  	v0 =	vld.idx.msk [tilespmem:v0+s4+$0x0], $0xffff;
	_ =	sdelay $0x5  }
0x242: {  	[tilespmem:s0+$0x1A8C0] =	vst v0;
	v2 =	vld [tilespmem:s0+$0x188E0]  }
0x243: {  	v0 =	vld.idx.msk [tilespmem:v1+s4+$0x0], $0xffff;
	_ =	sdelay $0x5  }
0x244: {  	[tilespmem:s0+$0x1A8D0] =	vst v0;
	v0 =	vld [tilespmem:s0+$0x188F0]  }
0x245: {  	v1 =	vld.idx.msk [tilespmem:v2+s4+$0x0], $0xffff  }
.Ltmp2:
0x246: {  	(pc) =	sbr.rel @p0 .LBB2_7-.Ltmp2, $2  }
0x247: {  	_ =	sdelay $0x2  }
0x248: {  	s15 =	sshra.s32 s5, $0x2;
	s5 =	sadd.s32 $0x800, s5  }
0x249: {  	_ =	sdelay $0x1  }
0x24a: {  	v2 =	vld [tilespmem:s15+$0x18700]  }
0x24b: {  	[tilespmem:s0+$0x1A8E0] =	vst v1  }
0x24c: {  	v0 =	vld.idx.msk [tilespmem:v0+s4+$0x0], $0xffff;
	_ =	sdelay $0x3  }
0x24d: {  	v1 =	vld [tilespmem:s15+$0x18710]  }
0x24e: {  	[tilespmem:s0+$0x1A8F0] =	vst v0  }
0x24f: {  	v0 =	vld.idx.msk [tilespmem:v2+s4+$0x0], $0xffff;
	_ =	sdelay $0x4  }
0x250: {  	[tilespmem:s15+$0x1A700] =	vst v0;
	v0 =	vld [tilespmem:s15+$0x18720]  }
0x251: {  	v1 =	vld.idx.msk [tilespmem:v1+s4+$0x0], $0xffff;
	_ =	sdelay $0x4  }
0x252: {  	[tilespmem:s15+$0x1A710] =	vst v1;
	v1 =	vld [tilespmem:s15+$0x18730];
	_ =	sdelay $0x1  }
0x253: {  	v0 =	vld.idx.msk [tilespmem:v0+s4+$0x0], $0xffff;
	_ =	sdelay $0x4  }
0x254: {  	[tilespmem:s15+$0x1A720] =	vst v0;
	v0 =	vld [tilespmem:s15+$0x18740]  }
0x255: {  	v1 =	vld.idx.msk [tilespmem:v1+s4+$0x0], $0xffff;
	_ =	sdelay $0x4  }
0x256: {  	[tilespmem:s15+$0x1A730] =	vst v1;
	v1 =	vld [tilespmem:s15+$0x18750];
	_ =	sdelay $0x1  }
0x257: {  	v0 =	vld.idx.msk [tilespmem:v0+s4+$0x0], $0xffff;
	_ =	sdelay $0x4  }
0x258: {  	[tilespmem:s15+$0x1A740] =	vst v0;
	v0 =	vld [tilespmem:s15+$0x18760]  }
0x259: {  	v1 =	vld.idx.msk [tilespmem:v1+s4+$0x0], $0xffff;
	_ =	sdelay $0x4  }
0x25a: {  	[tilespmem:s15+$0x1A750] =	vst v1;
	v1 =	vld [tilespmem:s15+$0x18770];
	_ =	sdelay $0x1  }
0x25b: {  	v0 =	vld.idx.msk [tilespmem:v0+s4+$0x0], $0xffff;
	_ =	sdelay $0x4  }
0x25c: {  	[tilespmem:s15+$0x1A760] =	vst v0;
	v0 =	vld [tilespmem:s15+$0x18780]  }
0x25d: {  	v1 =	vld.idx.msk [tilespmem:v1+s4+$0x0], $0xffff;
	_ =	sdelay $0x4  }
0x25e: {  	[tilespmem:s15+$0x1A770] =	vst v1;
	v1 =	vld [tilespmem:s15+$0x18790];
	_ =	sdelay $0x1  }
0x25f: {  	v0 =	vld.idx.msk [tilespmem:v0+s4+$0x0], $0xffff;
	_ =	sdelay $0x4  }
0x260: {  	[tilespmem:s15+$0x1A780] =	vst v0;
	v0 =	vld [tilespmem:s15+$0x187A0]  }
0x261: {  	v1 =	vld.idx.msk [tilespmem:v1+s4+$0x0], $0xffff;
	_ =	sdelay $0x4  }
0x262: {  	[tilespmem:s15+$0x1A790] =	vst v1;
	v1 =	vld [tilespmem:s15+$0x187B0];
	_ =	sdelay $0x1  }
0x263: {  	v0 =	vld.idx.msk [tilespmem:v0+s4+$0x0], $0xffff;
	_ =	sdelay $0x4  }
0x264: {  	[tilespmem:s15+$0x1A7A0] =	vst v0;
	v0 =	vld [tilespmem:s15+$0x187C0]  }
0x265: {  	v1 =	vld.idx.msk [tilespmem:v1+s4+$0x0], $0xffff;
	_ =	sdelay $0x4  }
0x266: {  	[tilespmem:s15+$0x1A7B0] =	vst v1;
	v1 =	vld [tilespmem:s15+$0x187D0];
	_ =	sdelay $0x1  }
0x267: {  	v0 =	vld.idx.msk [tilespmem:v0+s4+$0x0], $0xffff;
	_ =	sdelay $0x4  }
0x268: {  	[tilespmem:s15+$0x1A7C0] =	vst v0;
	v0 =	vld [tilespmem:s15+$0x187E0]  }
0x269: {  	v1 =	vld.idx.msk [tilespmem:v1+s4+$0x0], $0xffff;
	_ =	sdelay $0x4  }
0x26a: {  	[tilespmem:s15+$0x1A7D0] =	vst v1;
	v1 =	vld [tilespmem:s15+$0x187F0];
	_ =	sdelay $0x1  }
0x26b: {  	v0 =	vld.idx.msk [tilespmem:v0+s4+$0x0], $0xffff;
	_ =	sdelay $0x4  }
0x26c: {  	[tilespmem:s15+$0x1A7E0] =	vst v0;
	v0 =	vld [tilespmem:s15+$0x18800]  }
0x26d: {  	v1 =	vld.idx.msk [tilespmem:v1+s4+$0x0], $0xffff;
	_ =	sdelay $0x4  }
0x26e: {  	[tilespmem:s15+$0x1A7F0] =	vst v1;
	v1 =	vld [tilespmem:s15+$0x18810];
	_ =	sdelay $0x1  }
0x26f: {  	v0 =	vld.idx.msk [tilespmem:v0+s4+$0x0], $0xffff;
	_ =	sdelay $0x4  }
0x270: {  	[tilespmem:s15+$0x1A800] =	vst v0;
	v0 =	vld [tilespmem:s15+$0x18820]  }
0x271: {  	v1 =	vld.idx.msk [tilespmem:v1+s4+$0x0], $0xffff;
	_ =	sdelay $0x4  }
0x272: {  	[tilespmem:s15+$0x1A810] =	vst v1;
	v1 =	vld [tilespmem:s15+$0x18830];
	_ =	sdelay $0x1  }
0x273: {  	v0 =	vld.idx.msk [tilespmem:v0+s4+$0x0], $0xffff;
	_ =	sdelay $0x4  }
0x274: {  	[tilespmem:s15+$0x1A820] =	vst v0;
	v0 =	vld [tilespmem:s15+$0x18840]  }
0x275: {  	v1 =	vld.idx.msk [tilespmem:v1+s4+$0x0], $0xffff;
	_ =	sdelay $0x4  }
0x276: {  	[tilespmem:s15+$0x1A830] =	vst v1;
	v1 =	vld [tilespmem:s15+$0x18850];
	_ =	sdelay $0x1  }
0x277: {  	v0 =	vld.idx.msk [tilespmem:v0+s4+$0x0], $0xffff;
	_ =	sdelay $0x4  }
0x278: {  	[tilespmem:s15+$0x1A840] =	vst v0;
	v0 =	vld [tilespmem:s15+$0x18860]  }
0x279: {  	v1 =	vld.idx.msk [tilespmem:v1+s4+$0x0], $0xffff;
	_ =	sdelay $0x4  }
0x27a: {  	[tilespmem:s15+$0x1A850] =	vst v1;
	v1 =	vld [tilespmem:s15+$0x18870];
	_ =	sdelay $0x1  }
0x27b: {  	v0 =	vld.idx.msk [tilespmem:v0+s4+$0x0], $0xffff;
	_ =	sdelay $0x4  }
0x27c: {  	[tilespmem:s15+$0x1A860] =	vst v0;
	v0 =	vld [tilespmem:s15+$0x18880]  }
0x27d: {  	v1 =	vld.idx.msk [tilespmem:v1+s4+$0x0], $0xffff;
	_ =	sdelay $0x4  }
0x27e: {  	[tilespmem:s15+$0x1A870] =	vst v1;
	v1 =	vld [tilespmem:s15+$0x18890];
	_ =	sdelay $0x1  }
0x27f: {  	v0 =	vld.idx.msk [tilespmem:v0+s4+$0x0], $0xffff;
	_ =	sdelay $0x4  }
0x280: {  	[tilespmem:s15+$0x1A880] =	vst v0;
	v0 =	vld [tilespmem:s15+$0x188A0]  }
0x281: {  	v1 =	vld.idx.msk [tilespmem:v1+s4+$0x0], $0xffff;
	_ =	sdelay $0x4  }
0x282: {  	[tilespmem:s15+$0x1A890] =	vst v1;
	v1 =	vld [tilespmem:s15+$0x188B0];
	_ =	sdelay $0x1  }
0x283: {  	v0 =	vld.idx.msk [tilespmem:v0+s4+$0x0], $0xffff;
	_ =	sdelay $0x4  }
0x284: {  	[tilespmem:s15+$0x1A8A0] =	vst v0;
	v0 =	vld [tilespmem:s15+$0x188C0]  }
0x285: {  	v1 =	vld.idx.msk [tilespmem:v1+s4+$0x0], $0xffff;
	_ =	sdelay $0x4  }
0x286: {  	[tilespmem:s15+$0x1A8B0] =	vst v1;
	v1 =	vld [tilespmem:s15+$0x188D0];
	_ =	sdelay $0x1  }
0x287: {  	v0 =	vld.idx.msk [tilespmem:v0+s4+$0x0], $0xffff;
	_ =	sdelay $0x4  }
0x288: {  	[tilespmem:s15+$0x1A8C0] =	vst v0;
	v0 =	vld [tilespmem:s15+$0x188E0]  }
0x289: {  	v1 =	vld.idx.msk [tilespmem:v1+s4+$0x0], $0xffff;
	_ =	sdelay $0x4  }
0x28a: {  	[tilespmem:s15+$0x1A8D0] =	vst v1;
	v1 =	vld [tilespmem:s15+$0x188F0];
	_ =	sdelay $0x1  }
0x28b: {  	v0 =	vld.idx.msk [tilespmem:v0+s4+$0x0], $0xffff;
	_ =	sdelay $0x4  }
0x28c: {  	[tilespmem:s15+$0x1A8E0] =	vst v0  }
0x28d: {  	v0 =	vld.idx.msk [tilespmem:v1+s4+$0x0], $0xffff;
	_ =	sdelay $0x4  }
0x28e: {  	s31 =	sadd.s32 s30, s13;
	[tilespmem:s15+$0x1A8F0] =	vst v0  }
0x28f: {  	[hbm4b:s31+s16] =	stream.strided.scatter [tilespmem:s22], [sflag:$0x3], $0x1000, s17, s16, $0x38;
	[tilespmem:$0x1C700] =	vst v63  }
0x290: {  	_ =	swait.ge [sflag:s23], $0x1000  }
0x291: {  	[sflag:s23] =	ssyncset.done $0x0  }
0x292: {  	[sflag:s23] =	ssyncadd.s32 $0xFFFFF000  }
0x293: {  	_ =	swait.ge [sflag:s26], $0x1000  }
0x294: {  	[sflag:s26] =	ssyncset.done $0x0  }
0x295: {  	s0 =	simm.s32 $0x0;
	[sflag:s26] =	ssyncadd.s32 $0xFFFFF000  }
0x296: {  	v0 =	vld [tilespmem:s0+$0x19700];
	_ =	sdelay $0x5  }
0x297: {  	v1 =	vld [tilespmem:s0+$0x19710];
	_ =	sdelay $0x1  }
0x298: {  	v0 =	vld.idx.msk [tilespmem:v0+s4+$0x0], $0xffff;
	_ =	sdelay $0x4  }
0x299: {  	[tilespmem:s0+$0x1B700] =	vst v0;
	v0 =	vld [tilespmem:s0+$0x19720]  }
0x29a: {  	v1 =	vld.idx.msk [tilespmem:v1+s4+$0x0], $0xffff;
	_ =	sdelay $0x4  }
0x29b: {  	[tilespmem:s0+$0x1B710] =	vst v1;
	v1 =	vld [tilespmem:s0+$0x19730];
	_ =	sdelay $0x1  }
0x29c: {  	v0 =	vld.idx.msk [tilespmem:v0+s4+$0x0], $0xffff;
	_ =	sdelay $0x4  }
0x29d: {  	[tilespmem:s0+$0x1B720] =	vst v0;
	v0 =	vld [tilespmem:s0+$0x19740]  }
0x29e: {  	v1 =	vld.idx.msk [tilespmem:v1+s4+$0x0], $0xffff;
	_ =	sdelay $0x4  }
0x29f: {  	[tilespmem:s0+$0x1B730] =	vst v1;
	v1 =	vld [tilespmem:s0+$0x19750];
	_ =	sdelay $0x1  }
0x2a0: {  	v0 =	vld.idx.msk [tilespmem:v0+s4+$0x0], $0xffff;
	_ =	sdelay $0x4  }
0x2a1: {  	[tilespmem:s0+$0x1B740] =	vst v0;
	v0 =	vld [tilespmem:s0+$0x19760]  }
0x2a2: {  	v1 =	vld.idx.msk [tilespmem:v1+s4+$0x0], $0xffff;
	_ =	sdelay $0x4  }
0x2a3: {  	[tilespmem:s0+$0x1B750] =	vst v1;
	v1 =	vld [tilespmem:s0+$0x19770];
	_ =	sdelay $0x1  }
0x2a4: {  	v0 =	vld.idx.msk [tilespmem:v0+s4+$0x0], $0xffff;
	_ =	sdelay $0x4  }
0x2a5: {  	[tilespmem:s0+$0x1B760] =	vst v0;
	v0 =	vld [tilespmem:s0+$0x19780]  }
0x2a6: {  	v1 =	vld.idx.msk [tilespmem:v1+s4+$0x0], $0xffff;
	_ =	sdelay $0x4  }
0x2a7: {  	[tilespmem:s0+$0x1B770] =	vst v1;
	v1 =	vld [tilespmem:s0+$0x19790];
	_ =	sdelay $0x1  }
0x2a8: {  	v0 =	vld.idx.msk [tilespmem:v0+s4+$0x0], $0xffff;
	_ =	sdelay $0x4  }
0x2a9: {  	[tilespmem:s0+$0x1B780] =	vst v0;
	v0 =	vld [tilespmem:s0+$0x197A0]  }
0x2aa: {  	v1 =	vld.idx.msk [tilespmem:v1+s4+$0x0], $0xffff;
	_ =	sdelay $0x4  }
0x2ab: {  	[tilespmem:s0+$0x1B790] =	vst v1;
	v1 =	vld [tilespmem:s0+$0x197B0];
	_ =	sdelay $0x1  }
0x2ac: {  	v0 =	vld.idx.msk [tilespmem:v0+s4+$0x0], $0xffff;
	_ =	sdelay $0x4  }
0x2ad: {  	[tilespmem:s0+$0x1B7A0] =	vst v0;
	v0 =	vld [tilespmem:s0+$0x197C0]  }
0x2ae: {  	v1 =	vld.idx.msk [tilespmem:v1+s4+$0x0], $0xffff;
	_ =	sdelay $0x4  }
0x2af: {  	[tilespmem:s0+$0x1B7B0] =	vst v1;
	v1 =	vld [tilespmem:s0+$0x197D0];
	_ =	sdelay $0x1  }
0x2b0: {  	v0 =	vld.idx.msk [tilespmem:v0+s4+$0x0], $0xffff;
	_ =	sdelay $0x4  }
0x2b1: {  	[tilespmem:s0+$0x1B7C0] =	vst v0;
	v0 =	vld [tilespmem:s0+$0x197E0]  }
0x2b2: {  	v1 =	vld.idx.msk [tilespmem:v1+s4+$0x0], $0xffff;
	_ =	sdelay $0x4  }
0x2b3: {  	[tilespmem:s0+$0x1B7D0] =	vst v1;
	v1 =	vld [tilespmem:s0+$0x197F0];
	_ =	sdelay $0x1  }
0x2b4: {  	v0 =	vld.idx.msk [tilespmem:v0+s4+$0x0], $0xffff;
	_ =	sdelay $0x4  }
0x2b5: {  	[tilespmem:s0+$0x1B7E0] =	vst v0;
	v0 =	vld [tilespmem:s0+$0x19800]  }
0x2b6: {  	v1 =	vld.idx.msk [tilespmem:v1+s4+$0x0], $0xffff;
	_ =	sdelay $0x4  }
0x2b7: {  	[tilespmem:s0+$0x1B7F0] =	vst v1;
	v1 =	vld [tilespmem:s0+$0x19810];
	_ =	sdelay $0x1  }
0x2b8: {  	v0 =	vld.idx.msk [tilespmem:v0+s4+$0x0], $0xffff;
	_ =	sdelay $0x4  }
0x2b9: {  	[tilespmem:s0+$0x1B800] =	vst v0;
	v0 =	vld [tilespmem:s0+$0x19820]  }
0x2ba: {  	v1 =	vld.idx.msk [tilespmem:v1+s4+$0x0], $0xffff;
	_ =	sdelay $0x4  }
0x2bb: {  	[tilespmem:s0+$0x1B810] =	vst v1;
	v1 =	vld [tilespmem:s0+$0x19830];
	_ =	sdelay $0x1  }
0x2bc: {  	v0 =	vld.idx.msk [tilespmem:v0+s4+$0x0], $0xffff;
	_ =	sdelay $0x4  }
0x2bd: {  	[tilespmem:s0+$0x1B820] =	vst v0;
	v0 =	vld [tilespmem:s0+$0x19840]  }
0x2be: {  	v1 =	vld.idx.msk [tilespmem:v1+s4+$0x0], $0xffff;
	_ =	sdelay $0x4  }
0x2bf: {  	[tilespmem:s0+$0x1B830] =	vst v1;
	v1 =	vld [tilespmem:s0+$0x19850];
	_ =	sdelay $0x1  }
0x2c0: {  	v0 =	vld.idx.msk [tilespmem:v0+s4+$0x0], $0xffff;
	_ =	sdelay $0x4  }
0x2c1: {  	[tilespmem:s0+$0x1B840] =	vst v0;
	v0 =	vld [tilespmem:s0+$0x19860]  }
0x2c2: {  	v1 =	vld.idx.msk [tilespmem:v1+s4+$0x0], $0xffff;
	_ =	sdelay $0x4  }
0x2c3: {  	[tilespmem:s0+$0x1B850] =	vst v1;
	v1 =	vld [tilespmem:s0+$0x19870];
	_ =	sdelay $0x1  }
0x2c4: {  	v0 =	vld.idx.msk [tilespmem:v0+s4+$0x0], $0xffff;
	_ =	sdelay $0x4  }
0x2c5: {  	[tilespmem:s0+$0x1B860] =	vst v0;
	v0 =	vld [tilespmem:s0+$0x19880]  }
0x2c6: {  	v1 =	vld.idx.msk [tilespmem:v1+s4+$0x0], $0xffff;
	_ =	sdelay $0x4  }
0x2c7: {  	[tilespmem:s0+$0x1B870] =	vst v1;
	v1 =	vld [tilespmem:s0+$0x19890];
	_ =	sdelay $0x1  }
0x2c8: {  	v0 =	vld.idx.msk [tilespmem:v0+s4+$0x0], $0xffff;
	_ =	sdelay $0x4  }
0x2c9: {  	[tilespmem:s0+$0x1B880] =	vst v0;
	v0 =	vld [tilespmem:s0+$0x198A0]  }
0x2ca: {  	v1 =	vld.idx.msk [tilespmem:v1+s4+$0x0], $0xffff;
	_ =	sdelay $0x4  }
0x2cb: {  	[tilespmem:s0+$0x1B890] =	vst v1;
	v1 =	vld [tilespmem:s0+$0x198B0];
	_ =	sdelay $0x1  }
0x2cc: {  	v0 =	vld.idx.msk [tilespmem:v0+s4+$0x0], $0xffff;
	_ =	sdelay $0x4  }
0x2cd: {  	[tilespmem:s0+$0x1B8A0] =	vst v0;
	v0 =	vld [tilespmem:s0+$0x198C0]  }
0x2ce: {  	v1 =	vld.idx.msk [tilespmem:v1+s4+$0x0], $0xffff;
	_ =	sdelay $0x4  }
0x2cf: {  	[tilespmem:s0+$0x1B8B0] =	vst v1;
	v1 =	vld [tilespmem:s0+$0x198D0];
	_ =	sdelay $0x1  }
0x2d0: {  	v0 =	vld.idx.msk [tilespmem:v0+s4+$0x0], $0xffff;
	_ =	sdelay $0x4  }
0x2d1: {  	v2 =	vld [tilespmem:s0+$0x198E0];
	[tilespmem:s0+$0x1B8C0] =	vst v0  }
0x2d2: {  	v0 =	vld.idx.msk [tilespmem:v1+s4+$0x0], $0xffff;
	_ =	sdelay $0x4  }
0x2d3: {  	[tilespmem:s0+$0x1B8D0] =	vst v0;
	v0 =	vld [tilespmem:s0+$0x198F0];
	_ =	sdelay $0x1  }
0x2d4: {  	v1 =	vld.idx.msk [tilespmem:v2+s4+$0x0], $0xffff;
	_ =	sdelay $0x3  }
0x2d5: {  	s5 =	simm.s32 $0x1000;
	s15 =	simm.s32 $0x200  }
.LBB2_9:
0x2d6: {  	p0 =	sne.s32 s5, $0x3800;
	v2 =	vld [tilespmem:s15+$0x19700];
	[tilespmem:s0+$0x1B8E0] =	vst v1  }
0x2d7: {  	v0 =	vld.idx.msk [tilespmem:v0+s4+$0x0], $0xffff;
	_ =	sdelay $0x5  }
0x2d8: {  	v1 =	vld [tilespmem:s15+$0x19710];
	[tilespmem:s0+$0x1B8F0] =	vst v0;
	s0 =	smov.u32 s15  }
0x2d9: {  	v0 =	vld.idx.msk [tilespmem:v2+s4+$0x0], $0xffff;
	_ =	sdelay $0x5  }
0x2da: {  	[tilespmem:s0+$0x1B700] =	vst v0;
	v0 =	vld [tilespmem:s0+$0x19720]  }
0x2db: {  	v1 =	vld.idx.msk [tilespmem:v1+s4+$0x0], $0xffff;
	_ =	sdelay $0x5  }
0x2dc: {  	[tilespmem:s0+$0x1B710] =	vst v1;
	v1 =	vld [tilespmem:s0+$0x19730]  }
0x2dd: {  	v0 =	vld.idx.msk [tilespmem:v0+s4+$0x0], $0xffff;
	_ =	sdelay $0x5  }
0x2de: {  	[tilespmem:s0+$0x1B720] =	vst v0;
	v0 =	vld [tilespmem:s0+$0x19740]  }
0x2df: {  	v1 =	vld.idx.msk [tilespmem:v1+s4+$0x0], $0xffff;
	_ =	sdelay $0x5  }
0x2e0: {  	[tilespmem:s0+$0x1B730] =	vst v1;
	v1 =	vld [tilespmem:s0+$0x19750]  }
0x2e1: {  	v0 =	vld.idx.msk [tilespmem:v0+s4+$0x0], $0xffff;
	_ =	sdelay $0x5  }
0x2e2: {  	[tilespmem:s0+$0x1B740] =	vst v0;
	v0 =	vld [tilespmem:s0+$0x19760]  }
0x2e3: {  	v1 =	vld.idx.msk [tilespmem:v1+s4+$0x0], $0xffff;
	_ =	sdelay $0x5  }
0x2e4: {  	[tilespmem:s0+$0x1B750] =	vst v1;
	v1 =	vld [tilespmem:s0+$0x19770]  }
0x2e5: {  	v0 =	vld.idx.msk [tilespmem:v0+s4+$0x0], $0xffff;
	_ =	sdelay $0x5  }
0x2e6: {  	[tilespmem:s0+$0x1B760] =	vst v0;
	v0 =	vld [tilespmem:s0+$0x19780]  }
0x2e7: {  	v1 =	vld.idx.msk [tilespmem:v1+s4+$0x0], $0xffff;
	_ =	sdelay $0x5  }
0x2e8: {  	[tilespmem:s0+$0x1B770] =	vst v1;
	v1 =	vld [tilespmem:s0+$0x19790]  }
0x2e9: {  	v0 =	vld.idx.msk [tilespmem:v0+s4+$0x0], $0xffff;
	_ =	sdelay $0x5  }
0x2ea: {  	[tilespmem:s0+$0x1B780] =	vst v0;
	v0 =	vld [tilespmem:s0+$0x197A0]  }
0x2eb: {  	v1 =	vld.idx.msk [tilespmem:v1+s4+$0x0], $0xffff;
	_ =	sdelay $0x5  }
0x2ec: {  	[tilespmem:s0+$0x1B790] =	vst v1;
	v1 =	vld [tilespmem:s0+$0x197B0]  }
0x2ed: {  	v0 =	vld.idx.msk [tilespmem:v0+s4+$0x0], $0xffff;
	_ =	sdelay $0x5  }
0x2ee: {  	[tilespmem:s0+$0x1B7A0] =	vst v0;
	v0 =	vld [tilespmem:s0+$0x197C0]  }
0x2ef: {  	v1 =	vld.idx.msk [tilespmem:v1+s4+$0x0], $0xffff;
	_ =	sdelay $0x5  }
0x2f0: {  	[tilespmem:s0+$0x1B7B0] =	vst v1;
	v1 =	vld [tilespmem:s0+$0x197D0]  }
0x2f1: {  	v0 =	vld.idx.msk [tilespmem:v0+s4+$0x0], $0xffff;
	_ =	sdelay $0x5  }
0x2f2: {  	[tilespmem:s0+$0x1B7C0] =	vst v0;
	v0 =	vld [tilespmem:s0+$0x197E0]  }
0x2f3: {  	v1 =	vld.idx.msk [tilespmem:v1+s4+$0x0], $0xffff;
	_ =	sdelay $0x5  }
0x2f4: {  	[tilespmem:s0+$0x1B7D0] =	vst v1;
	v1 =	vld [tilespmem:s0+$0x197F0]  }
0x2f5: {  	v0 =	vld.idx.msk [tilespmem:v0+s4+$0x0], $0xffff;
	_ =	sdelay $0x5  }
0x2f6: {  	[tilespmem:s0+$0x1B7E0] =	vst v0;
	v0 =	vld [tilespmem:s0+$0x19800]  }
0x2f7: {  	v1 =	vld.idx.msk [tilespmem:v1+s4+$0x0], $0xffff;
	_ =	sdelay $0x5  }
0x2f8: {  	[tilespmem:s0+$0x1B7F0] =	vst v1;
	v1 =	vld [tilespmem:s0+$0x19810]  }
0x2f9: {  	v0 =	vld.idx.msk [tilespmem:v0+s4+$0x0], $0xffff;
	_ =	sdelay $0x5  }
0x2fa: {  	[tilespmem:s0+$0x1B800] =	vst v0;
	v0 =	vld [tilespmem:s0+$0x19820]  }
0x2fb: {  	v1 =	vld.idx.msk [tilespmem:v1+s4+$0x0], $0xffff;
	_ =	sdelay $0x5  }
0x2fc: {  	[tilespmem:s0+$0x1B810] =	vst v1;
	v1 =	vld [tilespmem:s0+$0x19830]  }
0x2fd: {  	v0 =	vld.idx.msk [tilespmem:v0+s4+$0x0], $0xffff;
	_ =	sdelay $0x5  }
0x2fe: {  	[tilespmem:s0+$0x1B820] =	vst v0;
	v0 =	vld [tilespmem:s0+$0x19840]  }
0x2ff: {  	v1 =	vld.idx.msk [tilespmem:v1+s4+$0x0], $0xffff;
	_ =	sdelay $0x5  }
0x300: {  	[tilespmem:s0+$0x1B830] =	vst v1;
	v1 =	vld [tilespmem:s0+$0x19850]  }
0x301: {  	v0 =	vld.idx.msk [tilespmem:v0+s4+$0x0], $0xffff;
	_ =	sdelay $0x5  }
0x302: {  	[tilespmem:s0+$0x1B840] =	vst v0;
	v0 =	vld [tilespmem:s0+$0x19860]  }
0x303: {  	v1 =	vld.idx.msk [tilespmem:v1+s4+$0x0], $0xffff;
	_ =	sdelay $0x5  }
0x304: {  	[tilespmem:s0+$0x1B850] =	vst v1;
	v1 =	vld [tilespmem:s0+$0x19870]  }
0x305: {  	v0 =	vld.idx.msk [tilespmem:v0+s4+$0x0], $0xffff;
	_ =	sdelay $0x5  }
0x306: {  	[tilespmem:s0+$0x1B860] =	vst v0;
	v0 =	vld [tilespmem:s0+$0x19880]  }
0x307: {  	v1 =	vld.idx.msk [tilespmem:v1+s4+$0x0], $0xffff;
	_ =	sdelay $0x5  }
0x308: {  	[tilespmem:s0+$0x1B870] =	vst v1;
	v1 =	vld [tilespmem:s0+$0x19890]  }
0x309: {  	v0 =	vld.idx.msk [tilespmem:v0+s4+$0x0], $0xffff;
	_ =	sdelay $0x5  }
0x30a: {  	[tilespmem:s0+$0x1B880] =	vst v0;
	v0 =	vld [tilespmem:s0+$0x198A0]  }
0x30b: {  	v1 =	vld.idx.msk [tilespmem:v1+s4+$0x0], $0xffff;
	_ =	sdelay $0x5  }
0x30c: {  	[tilespmem:s0+$0x1B890] =	vst v1;
	v1 =	vld [tilespmem:s0+$0x198B0]  }
0x30d: {  	v0 =	vld.idx.msk [tilespmem:v0+s4+$0x0], $0xffff;
	_ =	sdelay $0x5  }
0x30e: {  	[tilespmem:s0+$0x1B8A0] =	vst v0;
	v0 =	vld [tilespmem:s0+$0x198C0]  }
0x30f: {  	v1 =	vld.idx.msk [tilespmem:v1+s4+$0x0], $0xffff;
	_ =	sdelay $0x5  }
0x310: {  	[tilespmem:s0+$0x1B8B0] =	vst v1;
	v1 =	vld [tilespmem:s0+$0x198D0]  }
0x311: {  	v0 =	vld.idx.msk [tilespmem:v0+s4+$0x0], $0xffff;
	_ =	sdelay $0x5  }
0x312: {  	[tilespmem:s0+$0x1B8C0] =	vst v0;
	v2 =	vld [tilespmem:s0+$0x198E0]  }
0x313: {  	v0 =	vld.idx.msk [tilespmem:v1+s4+$0x0], $0xffff;
	_ =	sdelay $0x5  }
0x314: {  	[tilespmem:s0+$0x1B8D0] =	vst v0;
	v0 =	vld [tilespmem:s0+$0x198F0]  }
0x315: {  	v1 =	vld.idx.msk [tilespmem:v2+s4+$0x0], $0xffff  }
.Ltmp3:
0x316: {  	(pc) =	sbr.rel @p0 .LBB2_9-.Ltmp3, $2  }
0x317: {  	_ =	sdelay $0x2  }
0x318: {  	s15 =	sshra.s32 s5, $0x2;
	s5 =	sadd.s32 $0x800, s5  }
0x319: {  	_ =	sdelay $0x1  }
0x31a: {  	v2 =	vld [tilespmem:s15+$0x19700]  }
0x31b: {  	[tilespmem:s0+$0x1B8E0] =	vst v1  }
0x31c: {  	v0 =	vld.idx.msk [tilespmem:v0+s4+$0x0], $0xffff;
	_ =	sdelay $0x3  }
0x31d: {  	v1 =	vld [tilespmem:s15+$0x19710]  }
0x31e: {  	[tilespmem:s0+$0x1B8F0] =	vst v0  }
0x31f: {  	v0 =	vld.idx.msk [tilespmem:v2+s4+$0x0], $0xffff;
	_ =	sdelay $0x3  }
0x320: {  	v34 =	vld [tilespmem:s15+$0x19720]  }
0x321: {  	[tilespmem:s15+$0x1B700] =	vst v0  }
0x322: {  	v1 =	vld.idx.msk [tilespmem:v1+s4+$0x0], $0xffff;
	_ =	sdelay $0x3  }
0x323: {  	v35 =	vld [tilespmem:s15+$0x19730]  }
0x324: {  	[tilespmem:s15+$0x1B710] =	vst v1  }
0x325: {  	v0 =	vld.idx.msk [tilespmem:v34+s4+$0x0], $0xffff;
	_ =	sdelay $0x3  }
0x326: {  	v36 =	vld [tilespmem:s15+$0x19740]  }
0x327: {  	[tilespmem:s15+$0x1B720] =	vst v0  }
0x328: {  	v1 =	vld.idx.msk [tilespmem:v35+s4+$0x0], $0xffff;
	_ =	sdelay $0x3  }
0x329: {  	v37 =	vld [tilespmem:s15+$0x19750]  }
0x32a: {  	[tilespmem:s15+$0x1B730] =	vst v1  }
0x32b: {  	v0 =	vld.idx.msk [tilespmem:v36+s4+$0x0], $0xffff;
	_ =	sdelay $0x3  }
0x32c: {  	v38 =	vld [tilespmem:s15+$0x19760]  }
0x32d: {  	[tilespmem:s15+$0x1B740] =	vst v0  }
0x32e: {  	v1 =	vld.idx.msk [tilespmem:v37+s4+$0x0], $0xffff;
	_ =	sdelay $0x3  }
0x32f: {  	v39 =	vld [tilespmem:s15+$0x19770]  }
0x330: {  	[tilespmem:s15+$0x1B750] =	vst v1  }
0x331: {  	v0 =	vld.idx.msk [tilespmem:v38+s4+$0x0], $0xffff;
	_ =	sdelay $0x3  }
0x332: {  	v40 =	vld [tilespmem:s15+$0x19780]  }
0x333: {  	[tilespmem:s15+$0x1B760] =	vst v0  }
0x334: {  	v1 =	vld.idx.msk [tilespmem:v39+s4+$0x0], $0xffff;
	_ =	sdelay $0x3  }
0x335: {  	v41 =	vld [tilespmem:s15+$0x19790]  }
0x336: {  	[tilespmem:s15+$0x1B770] =	vst v1  }
0x337: {  	v0 =	vld.idx.msk [tilespmem:v40+s4+$0x0], $0xffff;
	_ =	sdelay $0x3  }
0x338: {  	v42 =	vld [tilespmem:s15+$0x197A0]  }
0x339: {  	[tilespmem:s15+$0x1B780] =	vst v0  }
0x33a: {  	v1 =	vld.idx.msk [tilespmem:v41+s4+$0x0], $0xffff;
	_ =	sdelay $0x3  }
0x33b: {  	v43 =	vld [tilespmem:s15+$0x197B0]  }
0x33c: {  	[tilespmem:s15+$0x1B790] =	vst v1  }
0x33d: {  	v0 =	vld.idx.msk [tilespmem:v42+s4+$0x0], $0xffff;
	_ =	sdelay $0x3  }
0x33e: {  	v44 =	vld [tilespmem:s15+$0x197C0]  }
0x33f: {  	[tilespmem:s15+$0x1B7A0] =	vst v0  }
0x340: {  	v1 =	vld.idx.msk [tilespmem:v43+s4+$0x0], $0xffff;
	_ =	sdelay $0x3  }
0x341: {  	v45 =	vld [tilespmem:s15+$0x197D0]  }
0x342: {  	[tilespmem:s15+$0x1B7B0] =	vst v1  }
0x343: {  	v0 =	vld.idx.msk [tilespmem:v44+s4+$0x0], $0xffff;
	_ =	sdelay $0x3  }
0x344: {  	v46 =	vld [tilespmem:s15+$0x197E0]  }
0x345: {  	[tilespmem:s15+$0x1B7C0] =	vst v0  }
0x346: {  	v1 =	vld.idx.msk [tilespmem:v45+s4+$0x0], $0xffff;
	_ =	sdelay $0x3  }
0x347: {  	v47 =	vld [tilespmem:s15+$0x197F0]  }
0x348: {  	[tilespmem:s15+$0x1B7D0] =	vst v1  }
0x349: {  	v0 =	vld.idx.msk [tilespmem:v46+s4+$0x0], $0xffff;
	_ =	sdelay $0x3  }
0x34a: {  	v48 =	vld [tilespmem:s15+$0x19800]  }
0x34b: {  	[tilespmem:s15+$0x1B7E0] =	vst v0  }
0x34c: {  	v1 =	vld.idx.msk [tilespmem:v47+s4+$0x0], $0xffff;
	_ =	sdelay $0x3  }
0x34d: {  	v49 =	vld [tilespmem:s15+$0x19810]  }
0x34e: {  	[tilespmem:s15+$0x1B7F0] =	vst v1  }
0x34f: {  	v0 =	vld.idx.msk [tilespmem:v48+s4+$0x0], $0xffff;
	_ =	sdelay $0x3  }
0x350: {  	v50 =	vld [tilespmem:s15+$0x19820]  }
0x351: {  	[tilespmem:s15+$0x1B800] =	vst v0  }
0x352: {  	v1 =	vld.idx.msk [tilespmem:v49+s4+$0x0], $0xffff;
	_ =	sdelay $0x3  }
0x353: {  	v51 =	vld [tilespmem:s15+$0x19830]  }
0x354: {  	[tilespmem:s15+$0x1B810] =	vst v1  }
0x355: {  	v0 =	vld.idx.msk [tilespmem:v50+s4+$0x0], $0xffff;
	_ =	sdelay $0x3  }
0x356: {  	v52 =	vld [tilespmem:s15+$0x19840]  }
0x357: {  	[tilespmem:s15+$0x1B820] =	vst v0  }
0x358: {  	v1 =	vld.idx.msk [tilespmem:v51+s4+$0x0], $0xffff;
	_ =	sdelay $0x3  }
0x359: {  	v53 =	vld [tilespmem:s15+$0x19850]  }
0x35a: {  	[tilespmem:s15+$0x1B830] =	vst v1  }
0x35b: {  	v0 =	vld.idx.msk [tilespmem:v52+s4+$0x0], $0xffff;
	_ =	sdelay $0x3  }
0x35c: {  	v54 =	vld [tilespmem:s15+$0x19860]  }
0x35d: {  	[tilespmem:s15+$0x1B840] =	vst v0  }
0x35e: {  	v1 =	vld.idx.msk [tilespmem:v53+s4+$0x0], $0xffff;
	_ =	sdelay $0x3  }
0x35f: {  	v55 =	vld [tilespmem:s15+$0x19870]  }
0x360: {  	[tilespmem:s15+$0x1B850] =	vst v1  }
0x361: {  	v0 =	vld.idx.msk [tilespmem:v54+s4+$0x0], $0xffff;
	_ =	sdelay $0x3  }
0x362: {  	v56 =	vld [tilespmem:s15+$0x19880]  }
0x363: {  	[tilespmem:s15+$0x1B860] =	vst v0  }
0x364: {  	v1 =	vld.idx.msk [tilespmem:v55+s4+$0x0], $0xffff;
	_ =	sdelay $0x3  }
0x365: {  	v57 =	vld [tilespmem:s15+$0x19890]  }
0x366: {  	[tilespmem:s15+$0x1B870] =	vst v1  }
0x367: {  	v0 =	vld.idx.msk [tilespmem:v56+s4+$0x0], $0xffff;
	_ =	sdelay $0x3  }
0x368: {  	v58 =	vld [tilespmem:s15+$0x198A0]  }
0x369: {  	[tilespmem:s15+$0x1B880] =	vst v0  }
0x36a: {  	v1 =	vld.idx.msk [tilespmem:v57+s4+$0x0], $0xffff;
	_ =	sdelay $0x3  }
0x36b: {  	v59 =	vld [tilespmem:s15+$0x198B0]  }
0x36c: {  	[tilespmem:s15+$0x1B890] =	vst v1  }
0x36d: {  	v0 =	vld.idx.msk [tilespmem:v58+s4+$0x0], $0xffff;
	_ =	sdelay $0x3  }
0x36e: {  	v60 =	vld [tilespmem:s15+$0x198C0]  }
0x36f: {  	[tilespmem:s15+$0x1B8A0] =	vst v0  }
0x370: {  	v1 =	vld.idx.msk [tilespmem:v59+s4+$0x0], $0xffff;
	_ =	sdelay $0x3  }
0x371: {  	v61 =	vld [tilespmem:s15+$0x198D0]  }
0x372: {  	[tilespmem:s15+$0x1B8B0] =	vst v1  }
0x373: {  	v0 =	vld.idx.msk [tilespmem:v60+s4+$0x0], $0xffff;
	_ =	sdelay $0x3  }
0x374: {  	v62 =	vld [tilespmem:s15+$0x198E0]  }
0x375: {  	[tilespmem:s15+$0x1B8C0] =	vst v0  }
0x376: {  	v1 =	vld.idx.msk [tilespmem:v61+s4+$0x0], $0xffff;
	_ =	sdelay $0x3  }
0x377: {  	v63 =	vld [tilespmem:s15+$0x198F0]  }
0x378: {  	[tilespmem:s15+$0x1B8D0] =	vst v1  }
0x379: {  	v0 =	vld.idx.msk [tilespmem:v62+s4+$0x0], $0xffff;
	_ =	sdelay $0x4  }
0x37a: {  	[tilespmem:s15+$0x1B8E0] =	vst v0  }
0x37b: {  	v0 =	vld.idx.msk [tilespmem:v63+s4+$0x0], $0xffff;
	_ =	sdelay $0x4  }
0x37c: {  	s31 =	sadd.s32 s30, s14;
	s29 =	sadd.s32 $0x1, s29;
	[tilespmem:s15+$0x1B8F0] =	vst v0  }
0x37d: {  	[hbm4b:s31+s16] =	stream.strided.scatter [tilespmem:s24], [sflag:$0x4], $0x1000, s17, s16, $0x38;
	[tilespmem:$0x1C700] =	vst v63  }
0x37e: {  	p0 =	sne.s32 s29, $0x1A;
	_ =	swait.ge [sflag:s25], $0x1000  }
.Ltmp4:
0x37f: {  	[sflag:s25] =	ssyncset.done $0x0;
	(pc) =	sbr.rel @p0 .LBB2_2-.Ltmp4, $4  }
0x380: {  	[sflag:s25] =	ssyncadd.s32 $0xFFFFF000  }
0x381: {  	_ =	swait.ge [sflag:s26], $0x1000  }
0x382: {  	[sflag:s26] =	ssyncset.done $0x0  }
0x383: {  	[sflag:s26] =	ssyncadd.s32 $0xFFFFF000  }
0x384: {  	s28 =	sadd.s32 $0x1, s28;
	s0 =	rddreg [dreg:$0x4]  }
0x385: {  	p0 =	sne.s32 s28, s0  }
.Ltmp5:
0x386: {  	_ = 	snop;
	(pc) =	sbr.rel @p0 .LBB2_1-.Ltmp5, $1  }
0x387: {  	_ =	sdelay $0x3  }
0x388: {  	_ =	sfence.sel $0x180000  }
0x389: {  	[bflag:$0x0] =	sbarrier.arrive $0xFFFF  }
0x38a: {  	_ =	strace $0x90000047  }
0x38b: {  	s0 =	stileid.u32;
	[bflag:$0x2] =	sbarrier.arrive $0xFFFF  }
0x38c: {  	p0 =	sne.s32 s0, $0x0;
	s0 =	rddreg [dreg:$0x3]  }
0x38d: {  	s0 =	sadd.s32 @!p0 $0x100000, s0  }
0x38e: {  	[sflag:s0] =	ssyncadd.tile.s32 @!p0 $0x1;
	_ =	shalt  }
.Lfunc_end2:
_tile_overlayer_lowered:
.L_overlay_start_2:
0x38f: {  	(tag) =	ssettag $0x2  }
0x390: {  	s0 =	rddreg [dreg:$0x0];
	s2 =	stileid.u32  }
0x391: {  	s1 =	rddreg [dreg:$0x1];
	p0 =	sne.s32 s2, $0x0  }
0x392: {  	s3 =	rddreg [dreg:$0x2];
	[bflag:$0x3] =	sbarrier.arrive $0xFFFF;
	s2 =	simm.s32 @!p0 $0x1C05  }
0x393: {  	[timem:s3], [sflag:s2] =	dma.local @!p0 [hbm:s0], s1  }
0x394: {  	s0 =	simm.s32 @!p0 $0x5  }
0x395: {  	_ =	swait.ge @!p0 [sflag:s0], s1  }
0x396: {  	s1 =	ssub.s32 @!p0 $0x0, s1;
	[sflag:s0] =	ssyncset.done @!p0 $0x0  }
0x397: {  	[sflag:s0] =	ssyncadd.s32 @!p0 s1  }
0x398: {  	[bflag:$0x3] =	sbarrier.arrive $0xFFFF  }
0x399: {  	_ =	shalt  }

</sc_bundles>
